<compile_context>
chip_gen: v7x
topology: tpu7x:2x2x1
jax: 0.10.2.dev20260603
libtpu: 0.0.44.dev20260713+nightly
codegen_flags: <defaults>
</compile_context>

<pallas_src>
import numpy as np
import jax
import jax.numpy as jnp
from jax.experimental import pallas as pl
from jax.experimental.pallas import tpu as pltpu
from jax.experimental.pallas import tpu_sc as plsc

_B, _L = 4, 2048
_N = _B * _L
_V, _DW, _DC, _DP = 32768, 256, 64, 64
_CV, _CL = 100, 16
_E, _M = 16, 1024
_HS = 1024
_DPSR = 256
_UNK = 0
_ENT_PENALTY = 0.01

_TB = 256
_NBLK = _N // _TB
_G = _NBLK + _E - 1
_TBA = 512

_TINY = np.float32(np.finfo(np.float32).tiny)
_ENT_SCALE = np.float32(-_ENT_PENALTY / (_N * _M))


_ROTS = ((13, 15, 26, 6), (17, 29, 16, 24))
_KS_SCHED = ((1, 2, 1), (2, 0, 2), (0, 1, 3), (1, 2, 4), (2, 0, 5))


def _np_threefry2x32(k1, k2, x0, x1):
    ks = (np.uint32(k1), np.uint32(k2),
          np.uint32(k1) ^ np.uint32(k2) ^ np.uint32(0x1BD11BDA))
    x0 = np.uint32(np.uint64(x0) + ks[0])
    x1 = np.uint32(np.uint64(x1) + ks[1])
    for i, (a, b, c) in enumerate(_KS_SCHED):
        for r in _ROTS[i % 2]:
            x0 = np.uint32((np.uint64(x0) + np.uint64(x1)) & 0xFFFFFFFF)
            x1 = np.uint32(((x1 << np.uint32(r)) | (x1 >> np.uint32(32 - r))))
            x1 = x0 ^ x1
        x0 = np.uint32((np.uint64(x0) + np.uint64(ks[a])) & 0xFFFFFFFF)
        x1 = np.uint32((np.uint64(x1) + np.uint64(ks[b]) + c) & 0xFFFFFFFF)
    return x0, x1


def _fold_key(e):
    return _np_threefry2x32(np.uint32(0), np.uint32(42), np.uint32(0), np.uint32(e))


_KEY_WORDS = np.array([_fold_key(e) for e in range(_E)], dtype=np.uint32)
_KEY1_I32 = _KEY_WORDS[:, 0].view(np.int32)
_KEY2_I32 = _KEY_WORDS[:, 1].view(np.int32)


def _routing(posf):
    n = posf.shape[0]
    bs = 128
    nb2 = n // bs
    oh3 = (posf.reshape(nb2, bs, 1) ==
           jnp.arange(_E, dtype=posf.dtype).reshape(1, 1, _E)).astype(jnp.float32)
    rr = jax.lax.broadcasted_iota(jnp.int32, (bs, bs), 0)
    cc = jax.lax.broadcasted_iota(jnp.int32, (bs, bs), 1)
    trils = (rr > cc).astype(jnp.float32)
    occ_within = jnp.einsum('rc,bcf->brf', trils, oh3,
                            preferred_element_type=jnp.float32)
    colsums = jnp.sum(oh3, axis=1)
    carry = jnp.cumsum(colsums, axis=0) - colsums
    counts = jnp.sum(colsums, axis=0).astype(jnp.int32)
    starts = jnp.concatenate([jnp.zeros((1,), jnp.int32),
                              jnp.cumsum(counts)[:-1].astype(jnp.int32)])
    base = starts.astype(jnp.float32)[None, :] + carry
    rankmat = occ_within + base[:, None, :]
    rank = jnp.sum(oh3 * rankmat, axis=2).reshape(n).astype(jnp.int32)
    perm = jnp.zeros((n,), jnp.int32).at[rank].set(jnp.arange(n, dtype=jnp.int32))

    ends = starts + counts
    fb = starts // _TB
    lb = jnp.where(counts > 0, (ends - 1) // _TB, fb - 1)
    nb = jnp.where(counts > 0, lb - fb + 1, 0)
    gs = jnp.concatenate([jnp.zeros((1,), jnp.int32),
                          jnp.cumsum(nb)[:-1].astype(jnp.int32)])
    total = gs[-1] + nb[-1]
    gid = jnp.arange(_G, dtype=jnp.int32)
    ge = gs + nb
    e_g = jnp.minimum(jnp.sum((gid[:, None] >= ge[None, :]).astype(jnp.int32), axis=1),
                      _E - 1)
    valid = (gid < total).astype(jnp.int32)
    b_g = fb[e_g] + (gid - gs[e_g])
    b_g = jnp.where(valid == 1, b_g, _NBLK - 1).astype(jnp.int32)
    prev_b = jnp.concatenate([jnp.full((1,), -1, jnp.int32), b_g[:-1]])
    first = ((b_g != prev_b) & (valid == 1)).astype(jnp.int32)
    return rank, perm, e_g.astype(jnp.int32), b_g, first, valid


def _sc_gather(table, idx, window):
    n = idx.shape[0]
    width = table.shape[1]
    idx2 = idx.reshape(1, n)
    mesh = plsc.VectorSubcoreMesh(core_axis_name="core", subcore_axis_name="subcore")

    @pl.kernel(out_type=jax.ShapeDtypeStruct((n, width), table.dtype), mesh=mesh)
    def gather_kernel(x_hbm, i_hbm, o_hbm):
        def body(i_vmem, o_vmem):
            pltpu.sync_copy(x_hbm.at[i_vmem.at[0]], o_vmem)

        pltpu.emit_pipeline(
            body,
            grid=(n // window,),
            in_specs=[pl.BlockSpec((1, window), lambda i: (0, i))],
            out_specs=[pl.BlockSpec((window, width), lambda i: (i, 0))],
            core_axis_name=("core", "subcore"),
            dimension_semantics=(pltpu.PARALLEL,),
        )(i_hbm, o_hbm)

    return gather_kernel(table, idx2)


def _ctx_body(we_ref, ch_ref, pos_ref, mask_ref, wctx_ref, bctx_ref,
              cemb_ref, pemb_ref, perm_ref,
              out_ref, noise_ref):
    f32 = jnp.float32
    acc = jnp.dot(we_ref[...], wctx_ref[0:_DW, :], preferred_element_type=f32)
    iota = jax.lax.broadcasted_iota(jnp.int32, (_TBA, 128), 1)
    ids = ch_ref[...]
    cnt = jnp.zeros((_TBA, 128), f32)
    for l in range(_CL):
        cnt = cnt + (ids[:, l:l + 1] == iota).astype(f32)
    ce = jnp.dot(cnt, cemb_ref[...], preferred_element_type=f32) * f32(1.0 / _CL)
    acc = acc + jnp.dot(ce, wctx_ref[_DW:_DW + _DC, :], preferred_element_type=f32)
    poh = (pos_ref[...] == iota).astype(f32)
    pe = jnp.dot(poh, pemb_ref[...], preferred_element_type=f32)
    acc = acc + jnp.dot(pe, wctx_ref[_DW + _DC:_DW + _DC + _DP, :],
                        preferred_element_type=f32)
    out_ref[...] = jnp.tanh(acc * mask_ref[...] + bctx_ref[...])

    u32 = jnp.uint32
    i_orig = perm_ref[...]
    col = jax.lax.broadcasted_iota(jnp.int32, (_TBA, _M), 1)
    idx = (i_orig * _M + col).astype(u32)
    pos = pos_ref[...]
    k1i = jnp.zeros((_TBA, 1), jnp.int32)
    k2i = jnp.zeros((_TBA, 1), jnp.int32)
    for e in range(_E):
        k1i = jnp.where(pos == e, jnp.int32(int(_KEY1_I32[e])), k1i)
        k2i = jnp.where(pos == e, jnp.int32(int(_KEY2_I32[e])), k2i)
    k1 = k1i.astype(u32)
    k2 = k2i.astype(u32)
    ks = (k1, k2, k1 ^ k2 ^ u32(0x1BD11BDA))
    x0 = jnp.broadcast_to(k1, (_TBA, _M))
    x1 = idx + k2
    for i, (a, b, c) in enumerate(_KS_SCHED):
        for r in _ROTS[i % 2]:
            x0 = x0 + x1
            x1 = (x1 << u32(r)) | (x1 >> u32(32 - r))
            x1 = x0 ^ x1
        x0 = x0 + ks[a]
        x1 = x1 + ks[b] + u32(c)
    bits = x0 ^ x1
    fbits = (bits >> u32(9)) | u32(0x3F800000)
    fl = jax.lax.bitcast_convert_type(fbits, f32) - f32(1.0)
    u = jnp.maximum(_TINY, fl + _TINY)
    noise_ref[...] = -jnp.log(-jnp.log(u))


def _ctx_call(we_sorted, ch_sorted, pos_col, mask_col, W_ctx, b_ctx,
              cemb_p, pemb_p, perm_col, interpret=False):
    nsteps = _N // _TBA
    return pl.pallas_call(
        _ctx_body,
        grid=(nsteps,),
        in_specs=[
            pl.BlockSpec((_TBA, _DW), lambda i: (i, 0)),
            pl.BlockSpec((_TBA, _CL), lambda i: (i, 0)),
            pl.BlockSpec((_TBA, 1), lambda i: (i, 0)),
            pl.BlockSpec((_TBA, 1), lambda i: (i, 0)),
            pl.BlockSpec((_DW + _DC + _DP, _HS), lambda i: (0, 0)),
            pl.BlockSpec((1, _HS), lambda i: (0, 0)),
            pl.BlockSpec((128, _DC), lambda i: (0, 0)),
            pl.BlockSpec((128, _DP), lambda i: (0, 0)),
            pl.BlockSpec((_TBA, 1), lambda i: (i, 0)),
        ],
        out_specs=[
            pl.BlockSpec((_TBA, _HS), lambda i: (i, 0)),
            pl.BlockSpec((_TBA, _M), lambda i: (i, 0)),
        ],
        out_shape=[
            jax.ShapeDtypeStruct((_N, _HS), jnp.float32),
            jax.ShapeDtypeStruct((_N, _M), jnp.float32),
        ],
        compiler_params=pltpu.CompilerParams(
            dimension_semantics=("parallel",)),
        interpret=interpret,
    )(we_sorted, ch_sorted, pos_col, mask_col, W_ctx, b_ctx, cemb_p, pemb_p,
      perm_col)


def _decode_body(eg, bg, fi, va,
                 ctx_ref, noise_ref, wdec_ref, bdec_ref, tab_ref, unk_ref,
                 pos_ref, word_ref,
                 out_ref, ent_ref):
    f32 = jnp.float32
    g = pl.program_id(0)
    e = eg[g]
    first = fi[g]
    valid = va[g]

    logits = jnp.dot(ctx_ref[...], wdec_ref[0], preferred_element_type=f32)
    logits = logits + bdec_ref[0]

    rowmask = (pos_ref[...] == e) & (valid == 1)

    m = jnp.max(logits, axis=1, keepdims=True)
    ex = jnp.exp(logits - m)
    s = jnp.sum(ex, axis=1, keepdims=True)
    logp = logits - m - jnp.log(s)
    p = ex / s
    hrow = jnp.sum(-logp * p, axis=1, keepdims=True)
    hsum = jnp.sum(jnp.where(rowmask, hrow, f32(0.0)))

    @pl.when(g == 0)
    def _():
        ent_ref[...] = jnp.zeros((1, 1), f32)

    ent_ref[...] = ent_ref[...] + jnp.reshape(hsum * _ENT_SCALE, (1, 1))

    z = logits + noise_ref[...]
    zm = jnp.max(z, axis=1, keepdims=True)
    ez = jnp.exp(z - zm)
    sz = jnp.sum(ez, axis=1, keepdims=True)
    spt = ez / sz
    emb = jnp.dot(spt, tab_ref[...], preferred_element_type=f32)

    col = jax.lax.broadcasted_iota(jnp.int32, (_TB, _M), 1)
    mx = jnp.max(spt, axis=1, keepdims=True)
    big = jnp.int32(_M)
    am = jnp.min(jnp.where(spt == mx, col, big), axis=1, keepdims=True)
    word = am + e * _M

    avoid = (word == word_ref[...]) & rowmask
    word = jnp.where(avoid, jnp.int32(_UNK), word)
    emb = jnp.where(avoid, unk_ref[...], emb)

    wordlane = jnp.broadcast_to(word.astype(f32), (_TB, 128))
    comb = jnp.concatenate([emb, wordlane], axis=1)
    comb_c = jnp.where(rowmask, comb, f32(0.0))

    @pl.when(first == 1)
    def _():
        out_ref[...] = comb_c

    @pl.when(first == 0)
    def _():
        out_ref[...] = out_ref[...] + comb_c


_DOUT = _DPSR + 128


def _decode_call(e_g, b_g, first, valid, ctx_sorted, noise, W_dec, b_dec,
                 psr_weight, unk_row, pos_col, word_col, interpret=False):
    grid_spec = pltpu.PrefetchScalarGridSpec(
        num_scalar_prefetch=4,
        grid=(_G,),
        in_specs=[
            pl.BlockSpec((_TB, _HS), lambda g, eg, bg, fi, va: (bg[g], 0)),
            pl.BlockSpec((_TB, _M), lambda g, eg, bg, fi, va: (bg[g], 0)),
            pl.BlockSpec((1, _HS, _M), lambda g, eg, bg, fi, va: (eg[g], 0, 0)),
            pl.BlockSpec((1, 1, _M), lambda g, eg, bg, fi, va: (eg[g], 0, 0)),
            pl.BlockSpec((_M, _DPSR), lambda g, eg, bg, fi, va: (eg[g], 0)),
            pl.BlockSpec((1, _DPSR), lambda g, eg, bg, fi, va: (0, 0)),
            pl.BlockSpec((_TB, 1), lambda g, eg, bg, fi, va: (bg[g], 0)),
            pl.BlockSpec((_TB, 1), lambda g, eg, bg, fi, va: (bg[g], 0)),
        ],
        out_specs=[
            pl.BlockSpec((_TB, _DOUT), lambda g, eg, bg, fi, va: (bg[g], 0)),
            pl.BlockSpec((1, 1), lambda g, eg, bg, fi, va: (0, 0)),
        ],
    )
    return pl.pallas_call(
        _decode_body,
        grid_spec=grid_spec,
        out_shape=[
            jax.ShapeDtypeStruct((_N, _DOUT), jnp.float32),
            jax.ShapeDtypeStruct((1, 1), jnp.float32),
        ],
        compiler_params=pltpu.CompilerParams(
            dimension_semantics=("arbitrary",)),
        interpret=interpret,
    )(e_g, b_g, first, valid, ctx_sorted, noise, W_dec,
      b_dec.reshape(_E, 1, _M), psr_weight, unk_row, pos_col, word_col)


def kernel(inp_word, inp_char, inp_pos, inp_mask, word_emb, char_emb, pos_emb,
           W_ctx, b_ctx, W_dec, b_dec, psr_weight):
    wordf = inp_word.reshape(_N).astype(jnp.int32)
    posf = inp_pos.reshape(_N).astype(jnp.int32)
    maskf = inp_mask.reshape(_N)
    charf = inp_char.reshape(_N, _CL).astype(jnp.int32)

    rank, perm, e_g, b_g, first, valid = _routing(posf)

    sorted_word = wordf[perm]
    sorted_pos = posf[perm].reshape(_N, 1)
    sorted_mask = maskf[perm].reshape(_N, 1)

    we_sorted = _sc_gather(word_emb, sorted_word, 128)
    ch_sorted = charf[perm]

    cemb_p = jnp.zeros((128, _DC), jnp.float32).at[:_CV].set(char_emb)
    pemb_p = jnp.zeros((128, _DP), jnp.float32).at[:_E].set(pos_emb)

    ctx_sorted, noise = _ctx_call(we_sorted, ch_sorted, sorted_pos, sorted_mask,
                                  W_ctx, b_ctx.reshape(1, _HS), cemb_p, pemb_p,
                                  perm.reshape(_N, 1))

    comb_sorted, ent = _decode_call(
        e_g, b_g, first, valid, ctx_sorted, noise, W_dec, b_dec, psr_weight,
        psr_weight[_UNK:_UNK + 1], sorted_pos, sorted_word.reshape(_N, 1))

    comb = _sc_gather(comb_sorted, rank, 128)

    return (comb[:, :_DPSR].reshape(_B, _L, _DPSR),
            comb[:, _DPSR].astype(jnp.int32).reshape(_B, _L),
            ent[0, 0])

# --- scband reference (transcript-rebuilt; emitter-appended) ---
"""Pipeline reference for scband-tag-spec-ctx-generator-69801808495268 (READ-ONLY COPY).

The authoritative reference and input builder live on the scoring server;
editing this copy changes nothing except your own understanding.
"""

import jax, jax.numpy as jnp
import numpy as np

B, L = 4, 2048
V, DW, DC, DP = 32768, 256, 64, 64
CV, CL = 100, 16
E, M = 16, 1024
HS = 1024
DPSR = 256
UNK_ID = 0
ENT_PENALTY = 0.01


def setup_inputs(seed: int = 0):
    key = jax.random.key(seed)
    ks = jax.random.split(key, 12)
    inp = {}
    inp['inp_word'] = jax.random.randint(ks[0], (B, L), 0, V)
    inp['inp_char'] = jax.random.randint(ks[1], (B, L, CL), 0, CV)
    inp['inp_pos'] = jax.random.randint(ks[2], (B, L), 0, E)
    inp['inp_mask'] = jnp.ones((B, L), dtype=jnp.float32)
    inp['word_emb'] = jax.random.normal(ks[3], (V, DW), dtype=jnp.float32) * 0.02
    inp['char_emb'] = jax.random.normal(ks[4], (CV, DC), dtype=jnp.float32) * 0.02
    inp['pos_emb'] = jax.random.normal(ks[5], (E, DP), dtype=jnp.float32) * 0.02
    inp['W_ctx'] = jax.random.normal(ks[6], (DW + DC + DP, HS), dtype=jnp.float32) * 0.02
    inp['b_ctx'] = jnp.zeros((HS,), dtype=jnp.float32)
    inp['W_dec'] = jax.random.normal(ks[7], (E, HS, M), dtype=jnp.float32) * 0.02
    inp['b_dec'] = jnp.zeros((E, M), dtype=jnp.float32)
    inp['psr_weight'] = jax.random.normal(ks[8], (V, DPSR), dtype=jnp.float32) * 0.02
    return inp


def reference(inp_word, inp_char, inp_pos, inp_mask, word_emb, char_emb, pos_emb, W_ctx, b_ctx, W_dec, b_dec, psr_weight):
    Bc, Lc = inp_word.shape
    we = word_emb[inp_word]
    ce = char_emb[inp_char].mean(axis=2)
    pe = pos_emb[inp_pos]
    inp = jnp.concatenate([we, ce, pe], axis=-1) * inp_mask[..., None]
    ctx = jnp.tanh(inp @ W_ctx + b_ctx)
    N = Bc * Lc
    ctxf = ctx.reshape(N, -1)
    posf = inp_pos.reshape(N)
    wordf = inp_word.reshape(N)
    obf_emb = psr_weight[wordf]
    obf_word = wordf
    ent = 0.0
    for e in range(E):
        logits = ctxf @ W_dec[e] + b_dec[e]
        logp = jax.nn.log_softmax(logits, axis=-1)
        g = jax.random.gumbel(jax.random.fold_in(jax.random.key(42), e), logits.shape, dtype=logits.dtype)
        spt = jax.nn.softmax(logp + g, axis=-1)
        mask = posf == e
        ent = ent + jnp.mean(jnp.where(mask[:, None], -logp * jnp.exp(logp), 0.0))
        expert_tab = psr_weight[e * M:(e + 1) * M]
        psr_e = spt @ expert_tab
        obf_emb = jnp.where(mask[:, None], psr_e, obf_emb)
        spt_idx = (jnp.argmax(spt, axis=-1) + e * M).astype(obf_word.dtype)
        obf_word = jnp.where(mask, spt_idx, obf_word)
    obf_mask = posf < E
    avoid = (obf_word == wordf) & obf_mask
    obf_emb = jnp.where(avoid[:, None], psr_weight[UNK_ID][None, :], obf_emb)
    obf_word = jnp.where(avoid, jnp.array(UNK_ID, dtype=obf_word.dtype), obf_word)
    ent_loss = -ent * ENT_PENALTY
    return obf_emb.reshape(Bc, Lc, DPSR), obf_word.reshape(Bc, Lc), ent_loss

if __name__ == "__main__":
    import jax
    _d = setup_inputs()
    print(jax.jit(kernel)(*tuple(_d.values())))

</pallas_src>

<mosaic_0001>
#map = affine_map<(d0, d1) -> (0, 0)>
module attributes {stable_mosaic.version = 14 : i64} {
  func.func @gather_kernel(%arg0: i32, %arg1: i32, %arg2: memref<32768x256xf32, #tpu.memory_space<hbm>>, %arg3: memref<1x8192xi32, #tpu.memory_space<hbm>>, %arg4: memref<8192x256xf32, #tpu.memory_space<hbm>>) attributes {dimension_semantics = [#tpu.dimension_semantics<core_parallel>, #tpu.dimension_semantics<subcore_parallel>], iteration_bounds = array<i64: 2, 16>, scalar_prefetch = 0 : i64, scratch_operands = 0 : i64, tpu.core_type = #tpu.core_type<sc_vector_subcore>, window_params = [{transform_indices = #map}, {transform_indices = #map}, {transform_indices = #map}]} {
    %mul3A = arith.constant 1 : i32
    %mul3A_0 = arith.muli %arg1, %mul3A : i32
    %add3A = arith.constant 0 : i32
    %add3A_1 = arith.addi %add3A, %mul3A_0 : i32
    %mul3A_2 = arith.constant 16 : i32
    %mul3A_3 = arith.muli %arg0, %mul3A_2 : i32
    %add3A_4 = arith.addi %add3A_1, %mul3A_3 : i32
    %mul3A_5 = arith.constant 2 : i32
    %mul3A_6 = arith.muli %add3A_4, %mul3A_5 : i32
    "tpu.region"() ({
      %run_scoped3A = memref.alloca() : memref<2x1x128xi32, #tpu.memory_space<vmem>>
      %run_scoped3A_7 = tpu.sem_alloc : memref<2x!tpu.dma_semaphore, #tpu.memory_space<semaphore_mem>>
      %run_scoped3A_8 = memref.alloca() : memref<2x128x256xf32, #tpu.memory_space<vmem>>
      %run_scoped3A_9 = tpu.sem_alloc : memref<2x!tpu.dma_semaphore, #tpu.memory_space<semaphore_mem>>
      %add3A_10 = arith.constant 0 : i32
      %add3A_11 = arith.addi %add3A_10, %mul3A_6 : i32
      %select_n3A = arith.constant true
      %select_n3A_12 = arith.constant 0 : i32
      %select_n3A_13 = arith.constant -1 : i32
      %select_n3A_14 = arith.select %select_n3A, %select_n3A_13, %select_n3A_12 : i32
      %eq3A = arith.constant -1 : i32
      %eq3A_15 = arith.cmpi eq, %select_n3A_14, %eq3A : i32
      %select_n3A_16 = arith.constant 1 : i32
      %select_n3A_17 = arith.select %eq3A_15, %select_n3A_16, %select_n3A_14 : i32
      %add3A_18 = arith.addi %select_n3A_17, %mul3A_6 : i32
      %select_n3A_19 = arith.constant true
      %select_n3A_20 = arith.constant 0 : i32
      %select_n3A_21 = arith.constant 1 : i32
      %select_n3A_22 = arith.select %select_n3A_19, %select_n3A_21, %select_n3A_20 : i32
      %eq3A_23 = arith.constant 2 : i32
      %eq3A_24 = arith.cmpi eq, %select_n3A_22, %eq3A_23 : i32
      %select_n3A_25 = arith.constant 0 : i32
      %select_n3A_26 = arith.select %eq3A_24, %select_n3A_25, %select_n3A_22 : i32
      %add3A_27 = arith.addi %select_n3A_26, %mul3A_6 : i32
      %add3A_28 = arith.constant 1 : i32
      %add3A_29 = arith.addi %select_n3A_26, %add3A_28 : i32
      %select_n3A_30 = arith.constant true
      %select_n3A_31 = arith.select %select_n3A_30, %add3A_29, %select_n3A_26 : i32
      %eq3A_32 = arith.constant 2 : i32
      %eq3A_33 = arith.cmpi eq, %select_n3A_31, %eq3A_32 : i32
      %select_n3A_34 = arith.constant 0 : i32
      %select_n3A_35 = arith.select %eq3A_33, %select_n3A_34, %select_n3A_31 : i32
      %add3A_36 = arith.addi %select_n3A_35, %mul3A_6 : i32
      "tpu.trace_start"() <{level = 10 : i32, message = "ep_initialize_0"}> : () -> ()
      %rem3A = arith.constant 0 : i32
      %rem3A_37 = arith.constant 2 : i32
      %rem3A_38 = arith.remui %rem3A, %rem3A_37 : i32
      %mul3A_39 = arith.constant 128 : i32
      %mul3A_40 = arith.muli %mul3A_39, %add3A_11 : i32
      %dma_start3A = arith.constant 0 : i32
      %dma_start3A_41 = arith.constant 0 : i32
      %dma_start3A_42 = tpu.memref_slice %run_scoped3A[%rem3A_38, %dma_start3A, %dma_start3A_41] : memref<2x1x128xi32, #tpu.memory_space<vmem>> -> memref<1x1x128xi32, #tpu.memory_space<vmem>>
      %dma_start3A_43 = tpu.memref_squeeze %dma_start3A_42 : memref<1x1x128xi32, #tpu.memory_space<vmem>> -> memref<1x128xi32, #tpu.memory_space<vmem>>
      %dma_start3A_44 = arith.constant 0 : i32
      %dma_start3A_45 = tpu.memref_slice %arg3[%dma_start3A_44, %mul3A_40] : memref<1x8192xi32, #tpu.memory_space<hbm>> -> memref<1x128xi32, #tpu.memory_space<hbm>>
      %dma_start3A_46 = tpu.memref_slice %run_scoped3A_7[%rem3A_38] : memref<2x!tpu.dma_semaphore, #tpu.memory_space<semaphore_mem>> -> memref<1x!tpu.dma_semaphore, #tpu.memory_space<semaphore_mem>>
      %dma_start3A_47 = tpu.memref_squeeze %dma_start3A_46 : memref<1x!tpu.dma_semaphore, #tpu.memory_space<semaphore_mem>> -> memref<!tpu.dma_semaphore, #tpu.memory_space<semaphore_mem>>
      %dma_start3A_48 = arith.constant 0 : i32
      %dma_start3A_49 = arith.constant 0 : i32
      %dma_start3A_50 = tpu.memref_slice %run_scoped3A[%rem3A_38, %dma_start3A_48, %dma_start3A_49] : memref<2x1x128xi32, #tpu.memory_space<vmem>> -> memref<1x1x128xi32, #tpu.memory_space<vmem>>
      %dma_start3A_51 = tpu.memref_squeeze %dma_start3A_50 : memref<1x1x128xi32, #tpu.memory_space<vmem>> -> memref<1x128xi32, #tpu.memory_space<vmem>>
      %dma_start3A_52 = arith.constant 0 : i32
      %dma_start3A_53 = tpu.memref_slice %arg3[%dma_start3A_52, %mul3A_40] : memref<1x8192xi32, #tpu.memory_space<hbm>> -> memref<1x128xi32, #tpu.memory_space<hbm>>
      tpu.enqueue_dma source(%dma_start3A_53 : memref<1x128xi32, #tpu.memory_space<hbm>>) target(%dma_start3A_51 : memref<1x128xi32, #tpu.memory_space<vmem>>) target_semaphore(%dma_start3A_47 : memref<!tpu.dma_semaphore, #tpu.memory_space<semaphore_mem>>)
      %add3A_54 = arith.constant 0 : i32
      %add3A_55 = arith.constant 1 : i32
      %add3A_56 = arith.addi %add3A_54, %add3A_55 : i32
      %select_n3A_57 = arith.constant true
      %select_n3A_58 = arith.constant 0 : i32
      %select_n3A_59 = arith.select %select_n3A_57, %add3A_56, %select_n3A_58 : i32
      "tpu.trace_stop"() : () -> ()
      %scan3A = arith.constant 0 : i32
      %scan3A_60 = arith.constant 0 : i32
      %scan3A_61 = arith.constant 0 : i32
      %scan3A_62 = arith.constant 0 : i32
      %scan3A_63 = arith.constant 0 : i32
      %scan3A_64 = arith.constant 2 : i32
      %scan3A_65 = arith.addi %scan3A_63, %scan3A_64 : i32
      %scan3A_66 = arith.constant 1 : i32
      %scan3A_67:5 = scf.for %scan3A_121 = %scan3A_63 to %scan3A_65 step %scan3A_66 iter_args(%scan3A_122 = %select_n3A_59, %scan3A_123 = %scan3A, %scan3A_124 = %scan3A_60, %scan3A_125 = %scan3A_61, %scan3A_126 = %scan3A_62) -> (i32, i32, i32, i32, i32)  : i32 {
        %eq3A_127 = arith.constant 0 : i32
        %eq3A_128 = arith.cmpi eq, %scan3A_121, %eq3A_127 : i32
        %eq3A_129 = arith.constant 1 : i32
        %eq3A_130 = arith.cmpi eq, %scan3A_121, %eq3A_129 : i32
        %add3A_131 = arith.addi %scan3A_126, %mul3A_6 : i32
        %sub3A_132 = arith.constant 1 : i32
        %sub3A_133 = arith.subi %scan3A_126, %sub3A_132 : i32
        %select_n3A_134 = arith.constant true
        %select_n3A_135 = arith.select %select_n3A_134, %sub3A_133, %scan3A_126 : i32
        %eq3A_136 = arith.constant -1 : i32
        %eq3A_137 = arith.cmpi eq, %select_n3A_135, %eq3A_136 : i32
        %select_n3A_138 = arith.constant 1 : i32
        %select_n3A_139 = arith.select %eq3A_137, %select_n3A_138, %select_n3A_135 : i32
        %add3A_140 = arith.addi %select_n3A_139, %mul3A_6 : i32
        %add3A_141 = arith.constant 1 : i32
        %add3A_142 = arith.addi %scan3A_126, %add3A_141 : i32
        %select_n3A_143 = arith.constant true
        %select_n3A_144 = arith.select %select_n3A_143, %add3A_142, %scan3A_126 : i32
        %eq3A_145 = arith.constant 2 : i32
        %eq3A_146 = arith.cmpi eq, %select_n3A_144, %eq3A_145 : i32
        %select_n3A_147 = arith.constant 0 : i32
        %select_n3A_148 = arith.select %eq3A_146, %select_n3A_147, %select_n3A_144 : i32
        %add3A_149 = arith.addi %select_n3A_148, %mul3A_6 : i32
        %add3A_150 = arith.constant 1 : i32
        %add3A_151 = arith.addi %select_n3A_148, %add3A_150 : i32
        %select_n3A_152 = arith.constant true
        %select_n3A_153 = arith.select %select_n3A_152, %add3A_151, %select_n3A_148 : i32
        %eq3A_154 = arith.constant 2 : i32
        %eq3A_155 = arith.cmpi eq, %select_n3A_153, %eq3A_154 : i32
        %select_n3A_156 = arith.constant 0 : i32
        %select_n3A_157 = arith.select %eq3A_155, %select_n3A_156, %select_n3A_153 : i32
        %add3A_158 = arith.addi %select_n3A_157, %mul3A_6 : i32
        %ne3A = arith.cmpi ne, %add3A_131, %add3A_149 : i32
        %or3A = arith.constant false
        %or3A_159 = arith.ori %or3A, %ne3A : i1
        %ge3A = arith.constant 1 : i32
        %ge3A_160 = arith.cmpi sge, %scan3A_121, %ge3A : i32
        %not3A = arith.constant true
        %not3A_161 = arith.xori %ge3A_160, %not3A : i1
        %and3A = arith.andi %or3A_159, %not3A_161 : i1
        %convert_element_type3A = arith.extui %and3A : i1 to i32
        %cond3A = arith.constant 0 : i32
        %cond3A_162 = arith.cmpi ne, %convert_element_type3A, %cond3A : i32
        scf.if %cond3A_162 {
          "tpu.trace_start"() <{level = 10 : i32, message = "ep_copy_in"}> : () -> ()
          %rem3A_264 = arith.constant 2 : i32
          %rem3A_265 = arith.remui %scan3A_122, %rem3A_264 : i32
          %mul3A_266 = arith.constant 128 : i32
          %mul3A_267 = arith.muli %mul3A_266, %add3A_149 : i32
          %dma_start3A_268 = arith.constant 0 : i32
          %dma_start3A_269 = arith.constant 0 : i32
          %dma_start3A_270 = tpu.memref_slice %run_scoped3A[%rem3A_265, %dma_start3A_268, %dma_start3A_269] : memref<2x1x128xi32, #tpu.memory_space<vmem>> -> memref<1x1x128xi32, #tpu.memory_space<vmem>>
          %dma_start3A_271 = tpu.memref_squeeze %dma_start3A_270 : memref<1x1x128xi32, #tpu.memory_space<vmem>> -> memref<1x128xi32, #tpu.memory_space<vmem>>
          %dma_start3A_272 = arith.constant 0 : i32
          %dma_start3A_273 = tpu.memref_slice %arg3[%dma_start3A_272, %mul3A_267] : memref<1x8192xi32, #tpu.memory_space<hbm>> -> memref<1x128xi32, #tpu.memory_space<hbm>>
          %dma_start3A_274 = tpu.memref_slice %run_scoped3A_7[%rem3A_265] : memref<2x!tpu.dma_semaphore, #tpu.memory_space<semaphore_mem>> -> memref<1x!tpu.dma_semaphore, #tpu.memory_space<semaphore_mem>>
          %dma_start3A_275 = tpu.memref_squeeze %dma_start3A_274 : memref<1x!tpu.dma_semaphore, #tpu.memory_space<semaphore_mem>> -> memref<!tpu.dma_semaphore, #tpu.memory_space<semaphore_mem>>
          %dma_start3A_276 = arith.constant 0 : i32
          %dma_start3A_277 = arith.constant 0 : i32
          %dma_start3A_278 = tpu.memref_slice %run_scoped3A[%rem3A_265, %dma_start3A_276, %dma_start3A_277] : memref<2x1x128xi32, #tpu.memory_space<vmem>> -> memref<1x1x128xi32, #tpu.memory_space<vmem>>
          %dma_start3A_279 = tpu.memref_squeeze %dma_start3A_278 : memref<1x1x128xi32, #tpu.memory_space<vmem>> -> memref<1x128xi32, #tpu.memory_space<vmem>>
          %dma_start3A_280 = arith.constant 0 : i32
          %dma_start3A_281 = tpu.memref_slice %arg3[%dma_start3A_280, %mul3A_267] : memref<1x8192xi32, #tpu.memory_space<hbm>> -> memref<1x128xi32, #tpu.memory_space<hbm>>
          tpu.enqueue_dma source(%dma_start3A_281 : memref<1x128xi32, #tpu.memory_space<hbm>>) target(%dma_start3A_279 : memref<1x128xi32, #tpu.memory_space<vmem>>) target_semaphore(%dma_start3A_275 : memref<!tpu.dma_semaphore, #tpu.memory_space<semaphore_mem>>)
          "tpu.trace_stop"() : () -> ()
        } else {
        }
        %and3A_163 = arith.constant true
        %and3A_164 = arith.andi %and3A, %and3A_163 : i1
        %add3A_165 = arith.constant 1 : i32
        %add3A_166 = arith.addi %scan3A_122, %add3A_165 : i32
        %select_n3A_167 = arith.select %and3A_164, %add3A_166, %scan3A_122 : i32
        %ne3A_168 = arith.cmpi ne, %add3A_131, %add3A_149 : i32
        %or3A_169 = arith.constant false
        %or3A_170 = arith.ori %or3A_169, %ne3A_168 : i1
        %or3A_171 = arith.constant false
        %or3A_172 = arith.ori %or3A_170, %or3A_171 : i1
        %ge3A_173 = arith.constant 1 : i32
        %ge3A_174 = arith.cmpi sge, %scan3A_121, %ge3A_173 : i32
        %not3A_175 = arith.constant true
        %not3A_176 = arith.xori %ge3A_174, %not3A_175 : i1
        %and3A_177 = arith.andi %or3A_172, %not3A_176 : i1
        %ne3A_178 = arith.cmpi ne, %add3A_131, %add3A_140 : i32
        %or3A_179 = arith.constant false
        %or3A_180 = arith.ori %or3A_179, %ne3A_178 : i1
        %or3A_181 = arith.ori %or3A_180, %eq3A_128 : i1
        %convert_element_type3A_182 = arith.extui %or3A_181 : i1 to i32
        %cond3A_183 = arith.constant 0 : i32
        %cond3A_184 = arith.cmpi ne, %convert_element_type3A_182, %cond3A_183 : i32
        scf.if %cond3A_184 {
          "tpu.trace_start"() <{level = 10 : i32, message = "ep_wait_in"}> : () -> ()
          %mul3A_264 = arith.constant 128 : i32
          %mul3A_265 = arith.muli %mul3A_264, %add3A_131 : i32
          %rem3A_266 = arith.constant 2 : i32
          %rem3A_267 = arith.remui %scan3A_123, %rem3A_266 : i32
          %dma_wait3A_268 = arith.constant 0 : i32
          %dma_wait3A_269 = arith.constant 0 : i32
          %dma_wait3A_270 = tpu.memref_slice %run_scoped3A[%rem3A_267, %dma_wait3A_268, %dma_wait3A_269] : memref<2x1x128xi32, #tpu.memory_space<vmem>> -> memref<1x1x128xi32, #tpu.memory_space<vmem>>
          %dma_wait3A_271 = tpu.memref_squeeze %dma_wait3A_270 : memref<1x1x128xi32, #tpu.memory_space<vmem>> -> memref<1x128xi32, #tpu.memory_space<vmem>>
          %dma_wait3A_272 = arith.constant 0 : i32
          %dma_wait3A_273 = tpu.memref_slice %arg3[%dma_wait3A_272, %mul3A_265] : memref<1x8192xi32, #tpu.memory_space<hbm>> -> memref<1x128xi32, #tpu.memory_space<hbm>>
          %dma_wait3A_274 = tpu.memref_slice %run_scoped3A_7[%rem3A_267] : memref<2x!tpu.dma_semaphore, #tpu.memory_space<semaphore_mem>> -> memref<1x!tpu.dma_semaphore, #tpu.memory_space<semaphore_mem>>
          %dma_wait3A_275 = tpu.memref_squeeze %dma_wait3A_274 : memref<1x!tpu.dma_semaphore, #tpu.memory_space<semaphore_mem>> -> memref<!tpu.dma_semaphore, #tpu.memory_space<semaphore_mem>>
          %dma_wait3A_276 = arith.constant 0 : i32
          %dma_wait3A_277 = arith.constant 0 : i32
          %dma_wait3A_278 = tpu.memref_slice %run_scoped3A[%rem3A_267, %dma_wait3A_276, %dma_wait3A_277] : memref<2x1x128xi32, #tpu.memory_space<vmem>> -> memref<1x1x128xi32, #tpu.memory_space<vmem>>
          %dma_wait3A_279 = tpu.memref_squeeze %dma_wait3A_278 : memref<1x1x128xi32, #tpu.memory_space<vmem>> -> memref<1x128xi32, #tpu.memory_space<vmem>>
          %dma_wait3A_280 = arith.constant 0 : i32
          %dma_wait3A_281 = tpu.memref_slice %arg3[%dma_wait3A_280, %mul3A_265] : memref<1x8192xi32, #tpu.memory_space<hbm>> -> memref<1x128xi32, #tpu.memory_space<hbm>>
          tpu.wait_dma2 semaphore(%dma_wait3A_275 : memref<!tpu.dma_semaphore, #tpu.memory_space<semaphore_mem>>) src(%dma_wait3A_281 : memref<1x128xi32, #tpu.memory_space<hbm>>) dst(%dma_wait3A_279 : memref<1x128xi32, #tpu.memory_space<vmem>>)
          "tpu.trace_stop"() : () -> ()
        } else {
        }
        %ne3A_185 = arith.cmpi ne, %add3A_131, %add3A_140 : i32
        %or3A_186 = arith.constant false
        %or3A_187 = arith.ori %or3A_186, %ne3A_185 : i1
        %or3A_188 = arith.constant false
        %or3A_189 = arith.ori %or3A_187, %or3A_188 : i1
        %or3A_190 = arith.ori %or3A_189, %eq3A_128 : i1
        %convert_element_type3A_191 = arith.extui %or3A_190 : i1 to i32
        %cond3A_192 = arith.constant 0 : i32
        %cond3A_193 = arith.cmpi ne, %convert_element_type3A_191, %cond3A_192 : i32
        scf.if %cond3A_193 {
        } else {
        }
        %rem3A_194 = arith.constant 2 : i32
        %rem3A_195 = arith.remui %scan3A_123, %rem3A_194 : i32
        %rem3A_196 = arith.constant 2 : i32
        %rem3A_197 = arith.remui %scan3A_124, %rem3A_196 : i32
        %run_scoped3A_198 = arith.constant 0 : i32
        "tpu.trace_start"() <{level = 10 : i32, message = "ep_run_kernel"}> : () -> ()
        "tpu.region"() ({
          %run_scoped3A_264 = tpu.sem_alloc : memref<!tpu.dma_semaphore, #tpu.memory_space<semaphore_mem>>
          %dma_start3A_265 = arith.constant 0 : i32
          %dma_start3A_266 = arith.constant 0 : i32
          %dma_start3A_267 = tpu.memref_slice %run_scoped3A_8[%rem3A_197, %dma_start3A_265, %dma_start3A_266] : memref<2x128x256xf32, #tpu.memory_space<vmem>> -> memref<1x128x256xf32, #tpu.memory_space<vmem>>
          %dma_start3A_268 = tpu.memref_squeeze %dma_start3A_267 : memref<1x128x256xf32, #tpu.memory_space<vmem>> -> memref<128x256xf32, #tpu.memory_space<vmem>>
          %dma_start3A_269 = arith.constant 0 : i32
          %dma_start3A_270 = arith.constant 0 : i32
          %dma_start3A_271 = tpu.memref_slice %run_scoped3A[%rem3A_195, %dma_start3A_269, %dma_start3A_270] : memref<2x1x128xi32, #tpu.memory_space<vmem>> -> memref<1x1x128xi32, #tpu.memory_space<vmem>>
          %dma_start3A_272 = tpu.memref_squeeze %dma_start3A_271 : memref<1x1x128xi32, #tpu.memory_space<vmem>> -> memref<1x128xi32, #tpu.memory_space<vmem>>
          %dma_start3A_273 = arith.constant 0 : i32
          %dma_start3A_274 = tpu.memref_slice %dma_start3A_272[%run_scoped3A_198, %dma_start3A_273] : memref<1x128xi32, #tpu.memory_space<vmem>> -> memref<1x128xi32, #tpu.memory_space<vmem>>
          %dma_start3A_275 = tpu.memref_squeeze %dma_start3A_274 : memref<1x128xi32, #tpu.memory_space<vmem>> -> memref<128xi32, #tpu.memory_space<vmem>>
          %dma_start3A_276 = arith.constant 0 : i32
          %dma_start3A_277 = arith.constant 0 : i32
          %dma_start3A_278 = tpu.memref_slice %arg2[%dma_start3A_276, %dma_start3A_277] : memref<32768x256xf32, #tpu.memory_space<hbm>> -> memref<32768x256xf32, #tpu.memory_space<hbm>>
          tpu.enqueue_indirect_dma source(%dma_start3A_278 : memref<32768x256xf32, #tpu.memory_space<hbm>>) target(%dma_start3A_268 : memref<128x256xf32, #tpu.memory_space<vmem>>) offsets(%dma_start3A_275 : memref<128xi32, #tpu.memory_space<vmem>>) semaphore(%run_scoped3A_264 : memref<!tpu.dma_semaphore, #tpu.memory_space<semaphore_mem>>)
          %dma_wait3A_279 = arith.constant 0 : i32
          %dma_wait3A_280 = arith.constant 0 : i32
          %dma_wait3A_281 = tpu.memref_slice %run_scoped3A_8[%rem3A_197, %dma_wait3A_279, %dma_wait3A_280] : memref<2x128x256xf32, #tpu.memory_space<vmem>> -> memref<1x128x256xf32, #tpu.memory_space<vmem>>
          %dma_wait3A_282 = tpu.memref_squeeze %dma_wait3A_281 : memref<1x128x256xf32, #tpu.memory_space<vmem>> -> memref<128x256xf32, #tpu.memory_space<vmem>>
          %dma_wait3A_283 = arith.constant 0 : i32
          %dma_wait3A_284 = arith.constant 0 : i32
          %dma_wait3A_285 = tpu.memref_slice %run_scoped3A[%rem3A_195, %dma_wait3A_283, %dma_wait3A_284] : memref<2x1x128xi32, #tpu.memory_space<vmem>> -> memref<1x1x128xi32, #tpu.memory_space<vmem>>
          %dma_wait3A_286 = tpu.memref_squeeze %dma_wait3A_285 : memref<1x1x128xi32, #tpu.memory_space<vmem>> -> memref<1x128xi32, #tpu.memory_space<vmem>>
          %dma_wait3A_287 = arith.constant 0 : i32
          %dma_wait3A_288 = tpu.memref_slice %dma_wait3A_286[%run_scoped3A_198, %dma_wait3A_287] : memref<1x128xi32, #tpu.memory_space<vmem>> -> memref<1x128xi32, #tpu.memory_space<vmem>>
          %dma_wait3A_289 = tpu.memref_squeeze %dma_wait3A_288 : memref<1x128xi32, #tpu.memory_space<vmem>> -> memref<128xi32, #tpu.memory_space<vmem>>
          %dma_wait3A_290 = arith.constant 0 : i32
          %dma_wait3A_291 = arith.constant 0 : i32
          %dma_wait3A_292 = tpu.memref_slice %arg2[%dma_wait3A_290, %dma_wait3A_291] : memref<32768x256xf32, #tpu.memory_space<hbm>> -> memref<32768x256xf32, #tpu.memory_space<hbm>>
          tpu.wait_indirect_dma semaphore(%run_scoped3A_264 : memref<!tpu.dma_semaphore, #tpu.memory_space<semaphore_mem>>) src(%dma_wait3A_292 : memref<32768x256xf32, #tpu.memory_space<hbm>>) dst(%dma_wait3A_282 : memref<128x256xf32, #tpu.memory_space<vmem>>)
          tpu.yield
        }) : () -> ()
        "tpu.trace_stop"() : () -> ()
        %ne3A_199 = arith.cmpi ne, %add3A_131, %add3A_149 : i32
        %or3A_200 = arith.constant false
        %or3A_201 = arith.ori %or3A_200, %ne3A_199 : i1
        %or3A_202 = arith.ori %or3A_201, %eq3A_130 : i1
        %convert_element_type3A_203 = arith.extui %or3A_202 : i1 to i32
        %cond3A_204 = arith.constant 0 : i32
        %cond3A_205 = arith.cmpi ne, %convert_element_type3A_203, %cond3A_204 : i32
        scf.if %cond3A_205 {
        } else {
        }
        %and3A_206 = arith.constant false
        %and3A_207 = arith.andi %or3A_202, %and3A_206 : i1
        %ne3A_208 = arith.cmpi ne, %add3A_131, %add3A_149 : i32
        %or3A_209 = arith.constant false
        %or3A_210 = arith.ori %or3A_209, %ne3A_208 : i1
        %or3A_211 = arith.constant false
        %or3A_212 = arith.ori %or3A_210, %or3A_211 : i1
        %or3A_213 = arith.ori %or3A_212, %eq3A_130 : i1
        %convert_element_type3A_214 = arith.extui %or3A_213 : i1 to i32
        %cond3A_215 = arith.constant 0 : i32
        %cond3A_216 = arith.cmpi ne, %convert_element_type3A_214, %cond3A_215 : i32
        scf.if %cond3A_216 {
          "tpu.trace_start"() <{level = 10 : i32, message = "ep_copy_out"}> : () -> ()
          %rem3A_264 = arith.constant 2 : i32
          %rem3A_265 = arith.remui %scan3A_124, %rem3A_264 : i32
          %mul3A_266 = arith.constant 128 : i32
          %mul3A_267 = arith.muli %mul3A_266, %add3A_131 : i32
          %dma_start3A_268 = arith.constant 0 : i32
          %dma_start3A_269 = arith.constant 0 : i32
          %dma_start3A_270 = tpu.memref_slice %run_scoped3A_8[%rem3A_265, %dma_start3A_268, %dma_start3A_269] : memref<2x128x256xf32, #tpu.memory_space<vmem>> -> memref<1x128x256xf32, #tpu.memory_space<vmem>>
          %dma_start3A_271 = tpu.memref_squeeze %dma_start3A_270 : memref<1x128x256xf32, #tpu.memory_space<vmem>> -> memref<128x256xf32, #tpu.memory_space<vmem>>
          %dma_start3A_272 = arith.constant 0 : i32
          %dma_start3A_273 = tpu.memref_slice %arg4[%mul3A_267, %dma_start3A_272] : memref<8192x256xf32, #tpu.memory_space<hbm>> -> memref<128x256xf32, #tpu.memory_space<hbm>>
          %dma_start3A_274 = tpu.memref_slice %run_scoped3A_9[%rem3A_265] : memref<2x!tpu.dma_semaphore, #tpu.memory_space<semaphore_mem>> -> memref<1x!tpu.dma_semaphore, #tpu.memory_space<semaphore_mem>>
          %dma_start3A_275 = tpu.memref_squeeze %dma_start3A_274 : memref<1x!tpu.dma_semaphore, #tpu.memory_space<semaphore_mem>> -> memref<!tpu.dma_semaphore, #tpu.memory_space<semaphore_mem>>
          %dma_start3A_276 = arith.constant 0 : i32
          %dma_start3A_277 = tpu.memref_slice %arg4[%mul3A_267, %dma_start3A_276] : memref<8192x256xf32, #tpu.memory_space<hbm>> -> memref<128x256xf32, #tpu.memory_space<hbm>>
          %dma_start3A_278 = arith.constant 0 : i32
          %dma_start3A_279 = arith.constant 0 : i32
          %dma_start3A_280 = tpu.memref_slice %run_scoped3A_8[%rem3A_265, %dma_start3A_278, %dma_start3A_279] : memref<2x128x256xf32, #tpu.memory_space<vmem>> -> memref<1x128x256xf32, #tpu.memory_space<vmem>>
          %dma_start3A_281 = tpu.memref_squeeze %dma_start3A_280 : memref<1x128x256xf32, #tpu.memory_space<vmem>> -> memref<128x256xf32, #tpu.memory_space<vmem>>
          tpu.enqueue_dma source(%dma_start3A_281 : memref<128x256xf32, #tpu.memory_space<vmem>>) target(%dma_start3A_277 : memref<128x256xf32, #tpu.memory_space<hbm>>) target_semaphore(%dma_start3A_275 : memref<!tpu.dma_semaphore, #tpu.memory_space<semaphore_mem>>)
          "tpu.trace_stop"() : () -> ()
        } else {
        }
        %and3A_217 = arith.constant true
        %and3A_218 = arith.andi %or3A_213, %and3A_217 : i1
        %add3A_219 = arith.constant 1 : i32
        %add3A_220 = arith.addi %scan3A_124, %add3A_219 : i32
        %select_n3A_221 = arith.select %and3A_218, %add3A_220, %scan3A_124 : i32
        %ne3A_222 = arith.cmpi ne, %add3A_131, %add3A_140 : i32
        %or3A_223 = arith.constant false
        %or3A_224 = arith.ori %or3A_223, %ne3A_222 : i1
        %not3A_225 = arith.constant true
        %not3A_226 = arith.xori %eq3A_128, %not3A_225 : i1
        %and3A_227 = arith.andi %or3A_224, %not3A_226 : i1
        %convert_element_type3A_228 = arith.extui %and3A_227 : i1 to i32
        %cond3A_229 = arith.constant 0 : i32
        %cond3A_230 = arith.cmpi ne, %convert_element_type3A_228, %cond3A_229 : i32
        scf.if %cond3A_230 {
        } else {
        }
        %and3A_231 = arith.constant false
        %and3A_232 = arith.andi %and3A_227, %and3A_231 : i1
        %ne3A_233 = arith.cmpi ne, %add3A_131, %add3A_140 : i32
        %or3A_234 = arith.constant false
        %or3A_235 = arith.ori %or3A_234, %ne3A_233 : i1
        %or3A_236 = arith.constant false
        %or3A_237 = arith.ori %or3A_235, %or3A_236 : i1
        %not3A_238 = arith.constant true
        %not3A_239 = arith.xori %eq3A_128, %not3A_238 : i1
        %and3A_240 = arith.andi %or3A_237, %not3A_239 : i1
        %convert_element_type3A_241 = arith.extui %and3A_240 : i1 to i32
        %cond3A_242 = arith.constant 0 : i32
        %cond3A_243 = arith.cmpi ne, %convert_element_type3A_241, %cond3A_242 : i32
        scf.if %cond3A_243 {
          "tpu.trace_start"() <{level = 10 : i32, message = "ep_wait_out"}> : () -> ()
          %rem3A_264 = arith.constant 2 : i32
          %rem3A_265 = arith.remui %scan3A_125, %rem3A_264 : i32
          %mul3A_266 = arith.constant 128 : i32
          %mul3A_267 = arith.muli %mul3A_266, %add3A_140 : i32
          %dma_wait3A_268 = arith.constant 0 : i32
          %dma_wait3A_269 = arith.constant 0 : i32
          %dma_wait3A_270 = tpu.memref_slice %run_scoped3A_8[%rem3A_265, %dma_wait3A_268, %dma_wait3A_269] : memref<2x128x256xf32, #tpu.memory_space<vmem>> -> memref<1x128x256xf32, #tpu.memory_space<vmem>>
          %dma_wait3A_271 = tpu.memref_squeeze %dma_wait3A_270 : memref<1x128x256xf32, #tpu.memory_space<vmem>> -> memref<128x256xf32, #tpu.memory_space<vmem>>
          %dma_wait3A_272 = arith.constant 0 : i32
          %dma_wait3A_273 = tpu.memref_slice %arg4[%mul3A_267, %dma_wait3A_272] : memref<8192x256xf32, #tpu.memory_space<hbm>> -> memref<128x256xf32, #tpu.memory_space<hbm>>
          %dma_wait3A_274 = tpu.memref_slice %run_scoped3A_9[%rem3A_265] : memref<2x!tpu.dma_semaphore, #tpu.memory_space<semaphore_mem>> -> memref<1x!tpu.dma_semaphore, #tpu.memory_space<semaphore_mem>>
          %dma_wait3A_275 = tpu.memref_squeeze %dma_wait3A_274 : memref<1x!tpu.dma_semaphore, #tpu.memory_space<semaphore_mem>> -> memref<!tpu.dma_semaphore, #tpu.memory_space<semaphore_mem>>
          %dma_wait3A_276 = arith.constant 0 : i32
          %dma_wait3A_277 = tpu.memref_slice %arg4[%mul3A_267, %dma_wait3A_276] : memref<8192x256xf32, #tpu.memory_space<hbm>> -> memref<128x256xf32, #tpu.memory_space<hbm>>
          %dma_wait3A_278 = arith.constant 0 : i32
          %dma_wait3A_279 = arith.constant 0 : i32
          %dma_wait3A_280 = tpu.memref_slice %run_scoped3A_8[%rem3A_265, %dma_wait3A_278, %dma_wait3A_279] : memref<2x128x256xf32, #tpu.memory_space<vmem>> -> memref<1x128x256xf32, #tpu.memory_space<vmem>>
          %dma_wait3A_281 = tpu.memref_squeeze %dma_wait3A_280 : memref<1x128x256xf32, #tpu.memory_space<vmem>> -> memref<128x256xf32, #tpu.memory_space<vmem>>
          tpu.wait_dma2 semaphore(%dma_wait3A_275 : memref<!tpu.dma_semaphore, #tpu.memory_space<semaphore_mem>>) src(%dma_wait3A_281 : memref<128x256xf32, #tpu.memory_space<vmem>>) dst(%dma_wait3A_277 : memref<128x256xf32, #tpu.memory_space<hbm>>)
          "tpu.trace_stop"() : () -> ()
        } else {
        }
        %and3A_244 = arith.constant true
        %and3A_245 = arith.andi %and3A_240, %and3A_244 : i1
        %add3A_246 = arith.constant 1 : i32
        %add3A_247 = arith.addi %scan3A_125, %add3A_246 : i32
        %select_n3A_248 = arith.select %and3A_245, %add3A_247, %scan3A_125 : i32
        %ne3A_249 = arith.cmpi ne, %add3A_131, %add3A_149 : i32
        %or3A_250 = arith.constant false
        %or3A_251 = arith.ori %or3A_250, %ne3A_249 : i1
        %or3A_252 = arith.ori %or3A_251, %eq3A_130 : i1
        %add3A_253 = arith.constant 1 : i32
        %add3A_254 = arith.addi %scan3A_123, %add3A_253 : i32
        %select_n3A_255 = arith.select %or3A_252, %add3A_254, %scan3A_123 : i32
        %add3A_256 = arith.constant 1 : i32
        %add3A_257 = arith.addi %scan3A_126, %add3A_256 : i32
        %select_n3A_258 = arith.constant true
        %select_n3A_259 = arith.select %select_n3A_258, %add3A_257, %scan3A_126 : i32
        %eq3A_260 = arith.constant 2 : i32
        %eq3A_261 = arith.cmpi eq, %select_n3A_259, %eq3A_260 : i32
        %select_n3A_262 = arith.constant 0 : i32
        %select_n3A_263 = arith.select %eq3A_261, %select_n3A_262, %select_n3A_259 : i32
        scf.yield %select_n3A_167, %select_n3A_255, %select_n3A_221, %select_n3A_248, %select_n3A_263 : i32, i32, i32, i32, i32
      }
      %scan3A_68 = arith.constant 2 : i32
      %sub3A = arith.constant 1 : i32
      %sub3A_69 = arith.subi %scan3A_67#4, %sub3A : i32
      %select_n3A_70 = arith.constant true
      %select_n3A_71 = arith.select %select_n3A_70, %sub3A_69, %scan3A_67#4 : i32
      %eq3A_72 = arith.constant -1 : i32
      %eq3A_73 = arith.cmpi eq, %select_n3A_71, %eq3A_72 : i32
      %select_n3A_74 = arith.constant 1 : i32
      %select_n3A_75 = arith.select %eq3A_73, %select_n3A_74, %select_n3A_71 : i32
      %add3A_76 = arith.addi %select_n3A_75, %mul3A_6 : i32
      %sub3A_77 = arith.constant 1 : i32
      %sub3A_78 = arith.subi %select_n3A_75, %sub3A_77 : i32
      %select_n3A_79 = arith.constant true
      %select_n3A_80 = arith.select %select_n3A_79, %sub3A_78, %select_n3A_75 : i32
      %eq3A_81 = arith.constant -1 : i32
      %eq3A_82 = arith.cmpi eq, %select_n3A_80, %eq3A_81 : i32
      %select_n3A_83 = arith.constant 1 : i32
      %select_n3A_84 = arith.select %eq3A_82, %select_n3A_83, %select_n3A_80 : i32
      %add3A_85 = arith.addi %select_n3A_84, %mul3A_6 : i32
      %add3A_86 = arith.constant 1 : i32
      %add3A_87 = arith.addi %select_n3A_75, %add3A_86 : i32
      %select_n3A_88 = arith.constant true
      %select_n3A_89 = arith.select %select_n3A_88, %add3A_87, %select_n3A_75 : i32
      %eq3A_90 = arith.constant 2 : i32
      %eq3A_91 = arith.cmpi eq, %select_n3A_89, %eq3A_90 : i32
      %select_n3A_92 = arith.constant 0 : i32
      %select_n3A_93 = arith.select %eq3A_91, %select_n3A_92, %select_n3A_89 : i32
      %add3A_94 = arith.addi %select_n3A_93, %mul3A_6 : i32
      %add3A_95 = arith.constant 1 : i32
      %add3A_96 = arith.addi %select_n3A_93, %add3A_95 : i32
      %select_n3A_97 = arith.constant true
      %select_n3A_98 = arith.select %select_n3A_97, %add3A_96, %select_n3A_93 : i32
      %eq3A_99 = arith.constant 2 : i32
      %eq3A_100 = arith.cmpi eq, %select_n3A_98, %eq3A_99 : i32
      %select_n3A_101 = arith.constant 0 : i32
      %select_n3A_102 = arith.select %eq3A_100, %select_n3A_101, %select_n3A_98 : i32
      %add3A_103 = arith.addi %select_n3A_102, %mul3A_6 : i32
      "tpu.trace_start"() <{level = 10 : i32, message = "ep_finalize"}> : () -> ()
      %rem3A_104 = arith.constant 2 : i32
      %rem3A_105 = arith.remui %scan3A_67#3, %rem3A_104 : i32
      %mul3A_106 = arith.constant 128 : i32
      %mul3A_107 = arith.muli %mul3A_106, %add3A_76 : i32
      %dma_wait3A = arith.constant 0 : i32
      %dma_wait3A_108 = arith.constant 0 : i32
      %dma_wait3A_109 = tpu.memref_slice %run_scoped3A_8[%rem3A_105, %dma_wait3A, %dma_wait3A_108] : memref<2x128x256xf32, #tpu.memory_space<vmem>> -> memref<1x128x256xf32, #tpu.memory_space<vmem>>
      %dma_wait3A_110 = tpu.memref_squeeze %dma_wait3A_109 : memref<1x128x256xf32, #tpu.memory_space<vmem>> -> memref<128x256xf32, #tpu.memory_space<vmem>>
      %dma_wait3A_111 = arith.constant 0 : i32
      %dma_wait3A_112 = tpu.memref_slice %arg4[%mul3A_107, %dma_wait3A_111] : memref<8192x256xf32, #tpu.memory_space<hbm>> -> memref<128x256xf32, #tpu.memory_space<hbm>>
      %dma_wait3A_113 = tpu.memref_slice %run_scoped3A_9[%rem3A_105] : memref<2x!tpu.dma_semaphore, #tpu.memory_space<semaphore_mem>> -> memref<1x!tpu.dma_semaphore, #tpu.memory_space<semaphore_mem>>
      %dma_wait3A_114 = tpu.memref_squeeze %dma_wait3A_113 : memref<1x!tpu.dma_semaphore, #tpu.memory_space<semaphore_mem>> -> memref<!tpu.dma_semaphore, #tpu.memory_space<semaphore_mem>>
      %dma_wait3A_115 = arith.constant 0 : i32
      %dma_wait3A_116 = tpu.memref_slice %arg4[%mul3A_107, %dma_wait3A_115] : memref<8192x256xf32, #tpu.memory_space<hbm>> -> memref<128x256xf32, #tpu.memory_space<hbm>>
      %dma_wait3A_117 = arith.constant 0 : i32
      %dma_wait3A_118 = arith.constant 0 : i32
      %dma_wait3A_119 = tpu.memref_slice %run_scoped3A_8[%rem3A_105, %dma_wait3A_117, %dma_wait3A_118] : memref<2x128x256xf32, #tpu.memory_space<vmem>> -> memref<1x128x256xf32, #tpu.memory_space<vmem>>
      %dma_wait3A_120 = tpu.memref_squeeze %dma_wait3A_119 : memref<1x128x256xf32, #tpu.memory_space<vmem>> -> memref<128x256xf32, #tpu.memory_space<vmem>>
      tpu.wait_dma2 semaphore(%dma_wait3A_114 : memref<!tpu.dma_semaphore, #tpu.memory_space<semaphore_mem>>) src(%dma_wait3A_120 : memref<128x256xf32, #tpu.memory_space<vmem>>) dst(%dma_wait3A_116 : memref<128x256xf32, #tpu.memory_space<hbm>>)
      "tpu.trace_stop"() : () -> ()
      tpu.yield
    }) : () -> ()
    return
  }
}

#map = affine_map<(d0, d1) -> (0, 0)>
module attributes {stable_mosaic.version = 14 : i64} {
  func.func @gather_kernel(%arg0: i32, %arg1: i32, %arg2: memref<8192x384xf32, #tpu.memory_space<hbm>>, %arg3: memref<1x8192xi32, #tpu.memory_space<hbm>>, %arg4: memref<8192x384xf32, #tpu.memory_space<hbm>>) attributes {dimension_semantics = [#tpu.dimension_semantics<core_parallel>, #tpu.dimension_semantics<subcore_parallel>], iteration_bounds = array<i64: 2, 16>, scalar_prefetch = 0 : i64, scratch_operands = 0 : i64, tpu.core_type = #tpu.core_type<sc_vector_subcore>, window_params = [{transform_indices = #map}, {transform_indices = #map}, {transform_indices = #map}]} {
    %mul3A = arith.constant 1 : i32
    %mul3A_0 = arith.muli %arg1, %mul3A : i32
    %add3A = arith.constant 0 : i32
    %add3A_1 = arith.addi %add3A, %mul3A_0 : i32
    %mul3A_2 = arith.constant 16 : i32
    %mul3A_3 = arith.muli %arg0, %mul3A_2 : i32
    %add3A_4 = arith.addi %add3A_1, %mul3A_3 : i32
    %mul3A_5 = arith.constant 2 : i32
    %mul3A_6 = arith.muli %add3A_4, %mul3A_5 : i32
    "tpu.region"() ({
      %run_scoped3A = memref.alloca() : memref<2x1x128xi32, #tpu.memory_space<vmem>>
      %run_scoped3A_7 = tpu.sem_alloc : memref<2x!tpu.dma_semaphore, #tpu.memory_space<semaphore_mem>>
      %run_scoped3A_8 = memref.alloca() : memref<2x128x384xf32, #tpu.memory_space<vmem>>
      %run_scoped3A_9 = tpu.sem_alloc : memref<2x!tpu.dma_semaphore, #tpu.memory_space<semaphore_mem>>
      %add3A_10 = arith.constant 0 : i32
      %add3A_11 = arith.addi %add3A_10, %mul3A_6 : i32
      %select_n3A = arith.constant true
      %select_n3A_12 = arith.constant 0 : i32
      %select_n3A_13 = arith.constant -1 : i32
      %select_n3A_14 = arith.select %select_n3A, %select_n3A_13, %select_n3A_12 : i32
      %eq3A = arith.constant -1 : i32
      %eq3A_15 = arith.cmpi eq, %select_n3A_14, %eq3A : i32
      %select_n3A_16 = arith.constant 1 : i32
      %select_n3A_17 = arith.select %eq3A_15, %select_n3A_16, %select_n3A_14 : i32
      %add3A_18 = arith.addi %select_n3A_17, %mul3A_6 : i32
      %select_n3A_19 = arith.constant true
      %select_n3A_20 = arith.constant 0 : i32
      %select_n3A_21 = arith.constant 1 : i32
      %select_n3A_22 = arith.select %select_n3A_19, %select_n3A_21, %select_n3A_20 : i32
      %eq3A_23 = arith.constant 2 : i32
      %eq3A_24 = arith.cmpi eq, %select_n3A_22, %eq3A_23 : i32
      %select_n3A_25 = arith.constant 0 : i32
      %select_n3A_26 = arith.select %eq3A_24, %select_n3A_25, %select_n3A_22 : i32
      %add3A_27 = arith.addi %select_n3A_26, %mul3A_6 : i32
      %add3A_28 = arith.constant 1 : i32
      %add3A_29 = arith.addi %select_n3A_26, %add3A_28 : i32
      %select_n3A_30 = arith.constant true
      %select_n3A_31 = arith.select %select_n3A_30, %add3A_29, %select_n3A_26 : i32
      %eq3A_32 = arith.constant 2 : i32
      %eq3A_33 = arith.cmpi eq, %select_n3A_31, %eq3A_32 : i32
      %select_n3A_34 = arith.constant 0 : i32
      %select_n3A_35 = arith.select %eq3A_33, %select_n3A_34, %select_n3A_31 : i32
      %add3A_36 = arith.addi %select_n3A_35, %mul3A_6 : i32
      "tpu.trace_start"() <{level = 10 : i32, message = "ep_initialize_0"}> : () -> ()
      %rem3A = arith.constant 0 : i32
      %rem3A_37 = arith.constant 2 : i32
      %rem3A_38 = arith.remui %rem3A, %rem3A_37 : i32
      %mul3A_39 = arith.constant 128 : i32
      %mul3A_40 = arith.muli %mul3A_39, %add3A_11 : i32
      %dma_start3A = arith.constant 0 : i32
      %dma_start3A_41 = arith.constant 0 : i32
      %dma_start3A_42 = tpu.memref_slice %run_scoped3A[%rem3A_38, %dma_start3A, %dma_start3A_41] : memref<2x1x128xi32, #tpu.memory_space<vmem>> -> memref<1x1x128xi32, #tpu.memory_space<vmem>>
      %dma_start3A_43 = tpu.memref_squeeze %dma_start3A_42 : memref<1x1x128xi32, #tpu.memory_space<vmem>> -> memref<1x128xi32, #tpu.memory_space<vmem>>
      %dma_start3A_44 = arith.constant 0 : i32
      %dma_start3A_45 = tpu.memref_slice %arg3[%dma_start3A_44, %mul3A_40] : memref<1x8192xi32, #tpu.memory_space<hbm>> -> memref<1x128xi32, #tpu.memory_space<hbm>>
      %dma_start3A_46 = tpu.memref_slice %run_scoped3A_7[%rem3A_38] : memref<2x!tpu.dma_semaphore, #tpu.memory_space<semaphore_mem>> -> memref<1x!tpu.dma_semaphore, #tpu.memory_space<semaphore_mem>>
      %dma_start3A_47 = tpu.memref_squeeze %dma_start3A_46 : memref<1x!tpu.dma_semaphore, #tpu.memory_space<semaphore_mem>> -> memref<!tpu.dma_semaphore, #tpu.memory_space<semaphore_mem>>
      %dma_start3A_48 = arith.constant 0 : i32
      %dma_start3A_49 = arith.constant 0 : i32
      %dma_start3A_50 = tpu.memref_slice %run_scoped3A[%rem3A_38, %dma_start3A_48, %dma_start3A_49] : memref<2x1x128xi32, #tpu.memory_space<vmem>> -> memref<1x1x128xi32, #tpu.memory_space<vmem>>
      %dma_start3A_51 = tpu.memref_squeeze %dma_start3A_50 : memref<1x1x128xi32, #tpu.memory_space<vmem>> -> memref<1x128xi32, #tpu.memory_space<vmem>>
      %dma_start3A_52 = arith.constant 0 : i32
      %dma_start3A_53 = tpu.memref_slice %arg3[%dma_start3A_52, %mul3A_40] : memref<1x8192xi32, #tpu.memory_space<hbm>> -> memref<1x128xi32, #tpu.memory_space<hbm>>
      tpu.enqueue_dma source(%dma_start3A_53 : memref<1x128xi32, #tpu.memory_space<hbm>>) target(%dma_start3A_51 : memref<1x128xi32, #tpu.memory_space<vmem>>) target_semaphore(%dma_start3A_47 : memref<!tpu.dma_semaphore, #tpu.memory_space<semaphore_mem>>)
      %add3A_54 = arith.constant 0 : i32
      %add3A_55 = arith.constant 1 : i32
      %add3A_56 = arith.addi %add3A_54, %add3A_55 : i32
      %select_n3A_57 = arith.constant true
      %select_n3A_58 = arith.constant 0 : i32
      %select_n3A_59 = arith.select %select_n3A_57, %add3A_56, %select_n3A_58 : i32
      "tpu.trace_stop"() : () -> ()
      %scan3A = arith.constant 0 : i32
      %scan3A_60 = arith.constant 0 : i32
      %scan3A_61 = arith.constant 0 : i32
      %scan3A_62 = arith.constant 0 : i32
      %scan3A_63 = arith.constant 0 : i32
      %scan3A_64 = arith.constant 2 : i32
      %scan3A_65 = arith.addi %scan3A_63, %scan3A_64 : i32
      %scan3A_66 = arith.constant 1 : i32
      %scan3A_67:5 = scf.for %scan3A_121 = %scan3A_63 to %scan3A_65 step %scan3A_66 iter_args(%scan3A_122 = %select_n3A_59, %scan3A_123 = %scan3A, %scan3A_124 = %scan3A_60, %scan3A_125 = %scan3A_61, %scan3A_126 = %scan3A_62) -> (i32, i32, i32, i32, i32)  : i32 {
        %eq3A_127 = arith.constant 0 : i32
        %eq3A_128 = arith.cmpi eq, %scan3A_121, %eq3A_127 : i32
        %eq3A_129 = arith.constant 1 : i32
        %eq3A_130 = arith.cmpi eq, %scan3A_121, %eq3A_129 : i32
        %add3A_131 = arith.addi %scan3A_126, %mul3A_6 : i32
        %sub3A_132 = arith.constant 1 : i32
        %sub3A_133 = arith.subi %scan3A_126, %sub3A_132 : i32
        %select_n3A_134 = arith.constant true
        %select_n3A_135 = arith.select %select_n3A_134, %sub3A_133, %scan3A_126 : i32
        %eq3A_136 = arith.constant -1 : i32
        %eq3A_137 = arith.cmpi eq, %select_n3A_135, %eq3A_136 : i32
        %select_n3A_138 = arith.constant 1 : i32
        %select_n3A_139 = arith.select %eq3A_137, %select_n3A_138, %select_n3A_135 : i32
        %add3A_140 = arith.addi %select_n3A_139, %mul3A_6 : i32
        %add3A_141 = arith.constant 1 : i32
        %add3A_142 = arith.addi %scan3A_126, %add3A_141 : i32
        %select_n3A_143 = arith.constant true
        %select_n3A_144 = arith.select %select_n3A_143, %add3A_142, %scan3A_126 : i32
        %eq3A_145 = arith.constant 2 : i32
        %eq3A_146 = arith.cmpi eq, %select_n3A_144, %eq3A_145 : i32
        %select_n3A_147 = arith.constant 0 : i32
        %select_n3A_148 = arith.select %eq3A_146, %select_n3A_147, %select_n3A_144 : i32
        %add3A_149 = arith.addi %select_n3A_148, %mul3A_6 : i32
        %add3A_150 = arith.constant 1 : i32
        %add3A_151 = arith.addi %select_n3A_148, %add3A_150 : i32
        %select_n3A_152 = arith.constant true
        %select_n3A_153 = arith.select %select_n3A_152, %add3A_151, %select_n3A_148 : i32
        %eq3A_154 = arith.constant 2 : i32
        %eq3A_155 = arith.cmpi eq, %select_n3A_153, %eq3A_154 : i32
        %select_n3A_156 = arith.constant 0 : i32
        %select_n3A_157 = arith.select %eq3A_155, %select_n3A_156, %select_n3A_153 : i32
        %add3A_158 = arith.addi %select_n3A_157, %mul3A_6 : i32
        %ne3A = arith.cmpi ne, %add3A_131, %add3A_149 : i32
        %or3A = arith.constant false
        %or3A_159 = arith.ori %or3A, %ne3A : i1
        %ge3A = arith.constant 1 : i32
        %ge3A_160 = arith.cmpi sge, %scan3A_121, %ge3A : i32
        %not3A = arith.constant true
        %not3A_161 = arith.xori %ge3A_160, %not3A : i1
        %and3A = arith.andi %or3A_159, %not3A_161 : i1
        %convert_element_type3A = arith.extui %and3A : i1 to i32
        %cond3A = arith.constant 0 : i32
        %cond3A_162 = arith.cmpi ne, %convert_element_type3A, %cond3A : i32
        scf.if %cond3A_162 {
          "tpu.trace_start"() <{level = 10 : i32, message = "ep_copy_in"}> : () -> ()
          %rem3A_264 = arith.constant 2 : i32
          %rem3A_265 = arith.remui %scan3A_122, %rem3A_264 : i32
          %mul3A_266 = arith.constant 128 : i32
          %mul3A_267 = arith.muli %mul3A_266, %add3A_149 : i32
          %dma_start3A_268 = arith.constant 0 : i32
          %dma_start3A_269 = arith.constant 0 : i32
          %dma_start3A_270 = tpu.memref_slice %run_scoped3A[%rem3A_265, %dma_start3A_268, %dma_start3A_269] : memref<2x1x128xi32, #tpu.memory_space<vmem>> -> memref<1x1x128xi32, #tpu.memory_space<vmem>>
          %dma_start3A_271 = tpu.memref_squeeze %dma_start3A_270 : memref<1x1x128xi32, #tpu.memory_space<vmem>> -> memref<1x128xi32, #tpu.memory_space<vmem>>
          %dma_start3A_272 = arith.constant 0 : i32
          %dma_start3A_273 = tpu.memref_slice %arg3[%dma_start3A_272, %mul3A_267] : memref<1x8192xi32, #tpu.memory_space<hbm>> -> memref<1x128xi32, #tpu.memory_space<hbm>>
          %dma_start3A_274 = tpu.memref_slice %run_scoped3A_7[%rem3A_265] : memref<2x!tpu.dma_semaphore, #tpu.memory_space<semaphore_mem>> -> memref<1x!tpu.dma_semaphore, #tpu.memory_space<semaphore_mem>>
          %dma_start3A_275 = tpu.memref_squeeze %dma_start3A_274 : memref<1x!tpu.dma_semaphore, #tpu.memory_space<semaphore_mem>> -> memref<!tpu.dma_semaphore, #tpu.memory_space<semaphore_mem>>
          %dma_start3A_276 = arith.constant 0 : i32
          %dma_start3A_277 = arith.constant 0 : i32
          %dma_start3A_278 = tpu.memref_slice %run_scoped3A[%rem3A_265, %dma_start3A_276, %dma_start3A_277] : memref<2x1x128xi32, #tpu.memory_space<vmem>> -> memref<1x1x128xi32, #tpu.memory_space<vmem>>
          %dma_start3A_279 = tpu.memref_squeeze %dma_start3A_278 : memref<1x1x128xi32, #tpu.memory_space<vmem>> -> memref<1x128xi32, #tpu.memory_space<vmem>>
          %dma_start3A_280 = arith.constant 0 : i32
          %dma_start3A_281 = tpu.memref_slice %arg3[%dma_start3A_280, %mul3A_267] : memref<1x8192xi32, #tpu.memory_space<hbm>> -> memref<1x128xi32, #tpu.memory_space<hbm>>
          tpu.enqueue_dma source(%dma_start3A_281 : memref<1x128xi32, #tpu.memory_space<hbm>>) target(%dma_start3A_279 : memref<1x128xi32, #tpu.memory_space<vmem>>) target_semaphore(%dma_start3A_275 : memref<!tpu.dma_semaphore, #tpu.memory_space<semaphore_mem>>)
          "tpu.trace_stop"() : () -> ()
        } else {
        }
        %and3A_163 = arith.constant true
        %and3A_164 = arith.andi %and3A, %and3A_163 : i1
        %add3A_165 = arith.constant 1 : i32
        %add3A_166 = arith.addi %scan3A_122, %add3A_165 : i32
        %select_n3A_167 = arith.select %and3A_164, %add3A_166, %scan3A_122 : i32
        %ne3A_168 = arith.cmpi ne, %add3A_131, %add3A_149 : i32
        %or3A_169 = arith.constant false
        %or3A_170 = arith.ori %or3A_169, %ne3A_168 : i1
        %or3A_171 = arith.constant false
        %or3A_172 = arith.ori %or3A_170, %or3A_171 : i1
        %ge3A_173 = arith.constant 1 : i32
        %ge3A_174 = arith.cmpi sge, %scan3A_121, %ge3A_173 : i32
        %not3A_175 = arith.constant true
        %not3A_176 = arith.xori %ge3A_174, %not3A_175 : i1
        %and3A_177 = arith.andi %or3A_172, %not3A_176 : i1
        %ne3A_178 = arith.cmpi ne, %add3A_131, %add3A_140 : i32
        %or3A_179 = arith.constant false
        %or3A_180 = arith.ori %or3A_179, %ne3A_178 : i1
        %or3A_181 = arith.ori %or3A_180, %eq3A_128 : i1
        %convert_element_type3A_182 = arith.extui %or3A_181 : i1 to i32
        %cond3A_183 = arith.constant 0 : i32
        %cond3A_184 = arith.cmpi ne, %convert_element_type3A_182, %cond3A_183 : i32
        scf.if %cond3A_184 {
          "tpu.trace_start"() <{level = 10 : i32, message = "ep_wait_in"}> : () -> ()
          %mul3A_264 = arith.constant 128 : i32
          %mul3A_265 = arith.muli %mul3A_264, %add3A_131 : i32
          %rem3A_266 = arith.constant 2 : i32
          %rem3A_267 = arith.remui %scan3A_123, %rem3A_266 : i32
          %dma_wait3A_268 = arith.constant 0 : i32
          %dma_wait3A_269 = arith.constant 0 : i32
          %dma_wait3A_270 = tpu.memref_slice %run_scoped3A[%rem3A_267, %dma_wait3A_268, %dma_wait3A_269] : memref<2x1x128xi32, #tpu.memory_space<vmem>> -> memref<1x1x128xi32, #tpu.memory_space<vmem>>
          %dma_wait3A_271 = tpu.memref_squeeze %dma_wait3A_270 : memref<1x1x128xi32, #tpu.memory_space<vmem>> -> memref<1x128xi32, #tpu.memory_space<vmem>>
          %dma_wait3A_272 = arith.constant 0 : i32
          %dma_wait3A_273 = tpu.memref_slice %arg3[%dma_wait3A_272, %mul3A_265] : memref<1x8192xi32, #tpu.memory_space<hbm>> -> memref<1x128xi32, #tpu.memory_space<hbm>>
          %dma_wait3A_274 = tpu.memref_slice %run_scoped3A_7[%rem3A_267] : memref<2x!tpu.dma_semaphore, #tpu.memory_space<semaphore_mem>> -> memref<1x!tpu.dma_semaphore, #tpu.memory_space<semaphore_mem>>
          %dma_wait3A_275 = tpu.memref_squeeze %dma_wait3A_274 : memref<1x!tpu.dma_semaphore, #tpu.memory_space<semaphore_mem>> -> memref<!tpu.dma_semaphore, #tpu.memory_space<semaphore_mem>>
          %dma_wait3A_276 = arith.constant 0 : i32
          %dma_wait3A_277 = arith.constant 0 : i32
          %dma_wait3A_278 = tpu.memref_slice %run_scoped3A[%rem3A_267, %dma_wait3A_276, %dma_wait3A_277] : memref<2x1x128xi32, #tpu.memory_space<vmem>> -> memref<1x1x128xi32, #tpu.memory_space<vmem>>
          %dma_wait3A_279 = tpu.memref_squeeze %dma_wait3A_278 : memref<1x1x128xi32, #tpu.memory_space<vmem>> -> memref<1x128xi32, #tpu.memory_space<vmem>>
          %dma_wait3A_280 = arith.constant 0 : i32
          %dma_wait3A_281 = tpu.memref_slice %arg3[%dma_wait3A_280, %mul3A_265] : memref<1x8192xi32, #tpu.memory_space<hbm>> -> memref<1x128xi32, #tpu.memory_space<hbm>>
          tpu.wait_dma2 semaphore(%dma_wait3A_275 : memref<!tpu.dma_semaphore, #tpu.memory_space<semaphore_mem>>) src(%dma_wait3A_281 : memref<1x128xi32, #tpu.memory_space<hbm>>) dst(%dma_wait3A_279 : memref<1x128xi32, #tpu.memory_space<vmem>>)
          "tpu.trace_stop"() : () -> ()
        } else {
        }
        %ne3A_185 = arith.cmpi ne, %add3A_131, %add3A_140 : i32
        %or3A_186 = arith.constant false
        %or3A_187 = arith.ori %or3A_186, %ne3A_185 : i1
        %or3A_188 = arith.constant false
        %or3A_189 = arith.ori %or3A_187, %or3A_188 : i1
        %or3A_190 = arith.ori %or3A_189, %eq3A_128 : i1
        %convert_element_type3A_191 = arith.extui %or3A_190 : i1 to i32
        %cond3A_192 = arith.constant 0 : i32
        %cond3A_193 = arith.cmpi ne, %convert_element_type3A_191, %cond3A_192 : i32
        scf.if %cond3A_193 {
        } else {
        }
        %rem3A_194 = arith.constant 2 : i32
        %rem3A_195 = arith.remui %scan3A_123, %rem3A_194 : i32
        %rem3A_196 = arith.constant 2 : i32
        %rem3A_197 = arith.remui %scan3A_124, %rem3A_196 : i32
        %run_scoped3A_198 = arith.constant 0 : i32
        "tpu.trace_start"() <{level = 10 : i32, message = "ep_run_kernel"}> : () -> ()
        "tpu.region"() ({
          %run_scoped3A_264 = tpu.sem_alloc : memref<!tpu.dma_semaphore, #tpu.memory_space<semaphore_mem>>
          %dma_start3A_265 = arith.constant 0 : i32
          %dma_start3A_266 = arith.constant 0 : i32
          %dma_start3A_267 = tpu.memref_slice %run_scoped3A_8[%rem3A_197, %dma_start3A_265, %dma_start3A_266] : memref<2x128x384xf32, #tpu.memory_space<vmem>> -> memref<1x128x384xf32, #tpu.memory_space<vmem>>
          %dma_start3A_268 = tpu.memref_squeeze %dma_start3A_267 : memref<1x128x384xf32, #tpu.memory_space<vmem>> -> memref<128x384xf32, #tpu.memory_space<vmem>>
          %dma_start3A_269 = arith.constant 0 : i32
          %dma_start3A_270 = arith.constant 0 : i32
          %dma_start3A_271 = tpu.memref_slice %run_scoped3A[%rem3A_195, %dma_start3A_269, %dma_start3A_270] : memref<2x1x128xi32, #tpu.memory_space<vmem>> -> memref<1x1x128xi32, #tpu.memory_space<vmem>>
          %dma_start3A_272 = tpu.memref_squeeze %dma_start3A_271 : memref<1x1x128xi32, #tpu.memory_space<vmem>> -> memref<1x128xi32, #tpu.memory_space<vmem>>
          %dma_start3A_273 = arith.constant 0 : i32
          %dma_start3A_274 = tpu.memref_slice %dma_start3A_272[%run_scoped3A_198, %dma_start3A_273] : memref<1x128xi32, #tpu.memory_space<vmem>> -> memref<1x128xi32, #tpu.memory_space<vmem>>
          %dma_start3A_275 = tpu.memref_squeeze %dma_start3A_274 : memref<1x128xi32, #tpu.memory_space<vmem>> -> memref<128xi32, #tpu.memory_space<vmem>>
          %dma_start3A_276 = arith.constant 0 : i32
          %dma_start3A_277 = arith.constant 0 : i32
          %dma_start3A_278 = tpu.memref_slice %arg2[%dma_start3A_276, %dma_start3A_277] : memref<8192x384xf32, #tpu.memory_space<hbm>> -> memref<8192x384xf32, #tpu.memory_space<hbm>>
          tpu.enqueue_indirect_dma source(%dma_start3A_278 : memref<8192x384xf32, #tpu.memory_space<hbm>>) target(%dma_start3A_268 : memref<128x384xf32, #tpu.memory_space<vmem>>) offsets(%dma_start3A_275 : memref<128xi32, #tpu.memory_space<vmem>>) semaphore(%run_scoped3A_264 : memref<!tpu.dma_semaphore, #tpu.memory_space<semaphore_mem>>)
          %dma_wait3A_279 = arith.constant 0 : i32
          %dma_wait3A_280 = arith.constant 0 : i32
          %dma_wait3A_281 = tpu.memref_slice %run_scoped3A_8[%rem3A_197, %dma_wait3A_279, %dma_wait3A_280] : memref<2x128x384xf32, #tpu.memory_space<vmem>> -> memref<1x128x384xf32, #tpu.memory_space<vmem>>
          %dma_wait3A_282 = tpu.memref_squeeze %dma_wait3A_281 : memref<1x128x384xf32, #tpu.memory_space<vmem>> -> memref<128x384xf32, #tpu.memory_space<vmem>>
          %dma_wait3A_283 = arith.constant 0 : i32
          %dma_wait3A_284 = arith.constant 0 : i32
          %dma_wait3A_285 = tpu.memref_slice %run_scoped3A[%rem3A_195, %dma_wait3A_283, %dma_wait3A_284] : memref<2x1x128xi32, #tpu.memory_space<vmem>> -> memref<1x1x128xi32, #tpu.memory_space<vmem>>
          %dma_wait3A_286 = tpu.memref_squeeze %dma_wait3A_285 : memref<1x1x128xi32, #tpu.memory_space<vmem>> -> memref<1x128xi32, #tpu.memory_space<vmem>>
          %dma_wait3A_287 = arith.constant 0 : i32
          %dma_wait3A_288 = tpu.memref_slice %dma_wait3A_286[%run_scoped3A_198, %dma_wait3A_287] : memref<1x128xi32, #tpu.memory_space<vmem>> -> memref<1x128xi32, #tpu.memory_space<vmem>>
          %dma_wait3A_289 = tpu.memref_squeeze %dma_wait3A_288 : memref<1x128xi32, #tpu.memory_space<vmem>> -> memref<128xi32, #tpu.memory_space<vmem>>
          %dma_wait3A_290 = arith.constant 0 : i32
          %dma_wait3A_291 = arith.constant 0 : i32
          %dma_wait3A_292 = tpu.memref_slice %arg2[%dma_wait3A_290, %dma_wait3A_291] : memref<8192x384xf32, #tpu.memory_space<hbm>> -> memref<8192x384xf32, #tpu.memory_space<hbm>>
          tpu.wait_indirect_dma semaphore(%run_scoped3A_264 : memref<!tpu.dma_semaphore, #tpu.memory_space<semaphore_mem>>) src(%dma_wait3A_292 : memref<8192x384xf32, #tpu.memory_space<hbm>>) dst(%dma_wait3A_282 : memref<128x384xf32, #tpu.memory_space<vmem>>)
          tpu.yield
        }) : () -> ()
        "tpu.trace_stop"() : () -> ()
        %ne3A_199 = arith.cmpi ne, %add3A_131, %add3A_149 : i32
        %or3A_200 = arith.constant false
        %or3A_201 = arith.ori %or3A_200, %ne3A_199 : i1
        %or3A_202 = arith.ori %or3A_201, %eq3A_130 : i1
        %convert_element_type3A_203 = arith.extui %or3A_202 : i1 to i32
        %cond3A_204 = arith.constant 0 : i32
        %cond3A_205 = arith.cmpi ne, %convert_element_type3A_203, %cond3A_204 : i32
        scf.if %cond3A_205 {
        } else {
        }
        %and3A_206 = arith.constant false
        %and3A_207 = arith.andi %or3A_202, %and3A_206 : i1
        %ne3A_208 = arith.cmpi ne, %add3A_131, %add3A_149 : i32
        %or3A_209 = arith.constant false
        %or3A_210 = arith.ori %or3A_209, %ne3A_208 : i1
        %or3A_211 = arith.constant false
        %or3A_212 = arith.ori %or3A_210, %or3A_211 : i1
        %or3A_213 = arith.ori %or3A_212, %eq3A_130 : i1
        %convert_element_type3A_214 = arith.extui %or3A_213 : i1 to i32
        %cond3A_215 = arith.constant 0 : i32
        %cond3A_216 = arith.cmpi ne, %convert_element_type3A_214, %cond3A_215 : i32
        scf.if %cond3A_216 {
          "tpu.trace_start"() <{level = 10 : i32, message = "ep_copy_out"}> : () -> ()
          %rem3A_264 = arith.constant 2 : i32
          %rem3A_265 = arith.remui %scan3A_124, %rem3A_264 : i32
          %mul3A_266 = arith.constant 128 : i32
          %mul3A_267 = arith.muli %mul3A_266, %add3A_131 : i32
          %dma_start3A_268 = arith.constant 0 : i32
          %dma_start3A_269 = arith.constant 0 : i32
          %dma_start3A_270 = tpu.memref_slice %run_scoped3A_8[%rem3A_265, %dma_start3A_268, %dma_start3A_269] : memref<2x128x384xf32, #tpu.memory_space<vmem>> -> memref<1x128x384xf32, #tpu.memory_space<vmem>>
          %dma_start3A_271 = tpu.memref_squeeze %dma_start3A_270 : memref<1x128x384xf32, #tpu.memory_space<vmem>> -> memref<128x384xf32, #tpu.memory_space<vmem>>
          %dma_start3A_272 = arith.constant 0 : i32
          %dma_start3A_273 = tpu.memref_slice %arg4[%mul3A_267, %dma_start3A_272] : memref<8192x384xf32, #tpu.memory_space<hbm>> -> memref<128x384xf32, #tpu.memory_space<hbm>>
          %dma_start3A_274 = tpu.memref_slice %run_scoped3A_9[%rem3A_265] : memref<2x!tpu.dma_semaphore, #tpu.memory_space<semaphore_mem>> -> memref<1x!tpu.dma_semaphore, #tpu.memory_space<semaphore_mem>>
          %dma_start3A_275 = tpu.memref_squeeze %dma_start3A_274 : memref<1x!tpu.dma_semaphore, #tpu.memory_space<semaphore_mem>> -> memref<!tpu.dma_semaphore, #tpu.memory_space<semaphore_mem>>
          %dma_start3A_276 = arith.constant 0 : i32
          %dma_start3A_277 = tpu.memref_slice %arg4[%mul3A_267, %dma_start3A_276] : memref<8192x384xf32, #tpu.memory_space<hbm>> -> memref<128x384xf32, #tpu.memory_space<hbm>>
          %dma_start3A_278 = arith.constant 0 : i32
          %dma_start3A_279 = arith.constant 0 : i32
          %dma_start3A_280 = tpu.memref_slice %run_scoped3A_8[%rem3A_265, %dma_start3A_278, %dma_start3A_279] : memref<2x128x384xf32, #tpu.memory_space<vmem>> -> memref<1x128x384xf32, #tpu.memory_space<vmem>>
          %dma_start3A_281 = tpu.memref_squeeze %dma_start3A_280 : memref<1x128x384xf32, #tpu.memory_space<vmem>> -> memref<128x384xf32, #tpu.memory_space<vmem>>
          tpu.enqueue_dma source(%dma_start3A_281 : memref<128x384xf32, #tpu.memory_space<vmem>>) target(%dma_start3A_277 : memref<128x384xf32, #tpu.memory_space<hbm>>) target_semaphore(%dma_start3A_275 : memref<!tpu.dma_semaphore, #tpu.memory_space<semaphore_mem>>)
          "tpu.trace_stop"() : () -> ()
        } else {
        }
        %and3A_217 = arith.constant true
        %and3A_218 = arith.andi %or3A_213, %and3A_217 : i1
        %add3A_219 = arith.constant 1 : i32
        %add3A_220 = arith.addi %scan3A_124, %add3A_219 : i32
        %select_n3A_221 = arith.select %and3A_218, %add3A_220, %scan3A_124 : i32
        %ne3A_222 = arith.cmpi ne, %add3A_131, %add3A_140 : i32
        %or3A_223 = arith.constant false
        %or3A_224 = arith.ori %or3A_223, %ne3A_222 : i1
        %not3A_225 = arith.constant true
        %not3A_226 = arith.xori %eq3A_128, %not3A_225 : i1
        %and3A_227 = arith.andi %or3A_224, %not3A_226 : i1
        %convert_element_type3A_228 = arith.extui %and3A_227 : i1 to i32
        %cond3A_229 = arith.constant 0 : i32
        %cond3A_230 = arith.cmpi ne, %convert_element_type3A_228, %cond3A_229 : i32
        scf.if %cond3A_230 {
        } else {
        }
        %and3A_231 = arith.constant false
        %and3A_232 = arith.andi %and3A_227, %and3A_231 : i1
        %ne3A_233 = arith.cmpi ne, %add3A_131, %add3A_140 : i32
        %or3A_234 = arith.constant false
        %or3A_235 = arith.ori %or3A_234, %ne3A_233 : i1
        %or3A_236 = arith.constant false
        %or3A_237 = arith.ori %or3A_235, %or3A_236 : i1
        %not3A_238 = arith.constant true
        %not3A_239 = arith.xori %eq3A_128, %not3A_238 : i1
        %and3A_240 = arith.andi %or3A_237, %not3A_239 : i1
        %convert_element_type3A_241 = arith.extui %and3A_240 : i1 to i32
        %cond3A_242 = arith.constant 0 : i32
        %cond3A_243 = arith.cmpi ne, %convert_element_type3A_241, %cond3A_242 : i32
        scf.if %cond3A_243 {
          "tpu.trace_start"() <{level = 10 : i32, message = "ep_wait_out"}> : () -> ()
          %rem3A_264 = arith.constant 2 : i32
          %rem3A_265 = arith.remui %scan3A_125, %rem3A_264 : i32
          %mul3A_266 = arith.constant 128 : i32
          %mul3A_267 = arith.muli %mul3A_266, %add3A_140 : i32
          %dma_wait3A_268 = arith.constant 0 : i32
          %dma_wait3A_269 = arith.constant 0 : i32
          %dma_wait3A_270 = tpu.memref_slice %run_scoped3A_8[%rem3A_265, %dma_wait3A_268, %dma_wait3A_269] : memref<2x128x384xf32, #tpu.memory_space<vmem>> -> memref<1x128x384xf32, #tpu.memory_space<vmem>>
          %dma_wait3A_271 = tpu.memref_squeeze %dma_wait3A_270 : memref<1x128x384xf32, #tpu.memory_space<vmem>> -> memref<128x384xf32, #tpu.memory_space<vmem>>
          %dma_wait3A_272 = arith.constant 0 : i32
          %dma_wait3A_273 = tpu.memref_slice %arg4[%mul3A_267, %dma_wait3A_272] : memref<8192x384xf32, #tpu.memory_space<hbm>> -> memref<128x384xf32, #tpu.memory_space<hbm>>
          %dma_wait3A_274 = tpu.memref_slice %run_scoped3A_9[%rem3A_265] : memref<2x!tpu.dma_semaphore, #tpu.memory_space<semaphore_mem>> -> memref<1x!tpu.dma_semaphore, #tpu.memory_space<semaphore_mem>>
          %dma_wait3A_275 = tpu.memref_squeeze %dma_wait3A_274 : memref<1x!tpu.dma_semaphore, #tpu.memory_space<semaphore_mem>> -> memref<!tpu.dma_semaphore, #tpu.memory_space<semaphore_mem>>
          %dma_wait3A_276 = arith.constant 0 : i32
          %dma_wait3A_277 = tpu.memref_slice %arg4[%mul3A_267, %dma_wait3A_276] : memref<8192x384xf32, #tpu.memory_space<hbm>> -> memref<128x384xf32, #tpu.memory_space<hbm>>
          %dma_wait3A_278 = arith.constant 0 : i32
          %dma_wait3A_279 = arith.constant 0 : i32
          %dma_wait3A_280 = tpu.memref_slice %run_scoped3A_8[%rem3A_265, %dma_wait3A_278, %dma_wait3A_279] : memref<2x128x384xf32, #tpu.memory_space<vmem>> -> memref<1x128x384xf32, #tpu.memory_space<vmem>>
          %dma_wait3A_281 = tpu.memref_squeeze %dma_wait3A_280 : memref<1x128x384xf32, #tpu.memory_space<vmem>> -> memref<128x384xf32, #tpu.memory_space<vmem>>
          tpu.wait_dma2 semaphore(%dma_wait3A_275 : memref<!tpu.dma_semaphore, #tpu.memory_space<semaphore_mem>>) src(%dma_wait3A_281 : memref<128x384xf32, #tpu.memory_space<vmem>>) dst(%dma_wait3A_277 : memref<128x384xf32, #tpu.memory_space<hbm>>)
          "tpu.trace_stop"() : () -> ()
        } else {
        }
        %and3A_244 = arith.constant true
        %and3A_245 = arith.andi %and3A_240, %and3A_244 : i1
        %add3A_246 = arith.constant 1 : i32
        %add3A_247 = arith.addi %scan3A_125, %add3A_246 : i32
        %select_n3A_248 = arith.select %and3A_245, %add3A_247, %scan3A_125 : i32
        %ne3A_249 = arith.cmpi ne, %add3A_131, %add3A_149 : i32
        %or3A_250 = arith.constant false
        %or3A_251 = arith.ori %or3A_250, %ne3A_249 : i1
        %or3A_252 = arith.ori %or3A_251, %eq3A_130 : i1
        %add3A_253 = arith.constant 1 : i32
        %add3A_254 = arith.addi %scan3A_123, %add3A_253 : i32
        %select_n3A_255 = arith.select %or3A_252, %add3A_254, %scan3A_123 : i32
        %add3A_256 = arith.constant 1 : i32
        %add3A_257 = arith.addi %scan3A_126, %add3A_256 : i32
        %select_n3A_258 = arith.constant true
        %select_n3A_259 = arith.select %select_n3A_258, %add3A_257, %scan3A_126 : i32
        %eq3A_260 = arith.constant 2 : i32
        %eq3A_261 = arith.cmpi eq, %select_n3A_259, %eq3A_260 : i32
        %select_n3A_262 = arith.constant 0 : i32
        %select_n3A_263 = arith.select %eq3A_261, %select_n3A_262, %select_n3A_259 : i32
        scf.yield %select_n3A_167, %select_n3A_255, %select_n3A_221, %select_n3A_248, %select_n3A_263 : i32, i32, i32, i32, i32
      }
      %scan3A_68 = arith.constant 2 : i32
      %sub3A = arith.constant 1 : i32
      %sub3A_69 = arith.subi %scan3A_67#4, %sub3A : i32
      %select_n3A_70 = arith.constant true
      %select_n3A_71 = arith.select %select_n3A_70, %sub3A_69, %scan3A_67#4 : i32
      %eq3A_72 = arith.constant -1 : i32
      %eq3A_73 = arith.cmpi eq, %select_n3A_71, %eq3A_72 : i32
      %select_n3A_74 = arith.constant 1 : i32
      %select_n3A_75 = arith.select %eq3A_73, %select_n3A_74, %select_n3A_71 : i32
      %add3A_76 = arith.addi %select_n3A_75, %mul3A_6 : i32
      %sub3A_77 = arith.constant 1 : i32
      %sub3A_78 = arith.subi %select_n3A_75, %sub3A_77 : i32
      %select_n3A_79 = arith.constant true
      %select_n3A_80 = arith.select %select_n3A_79, %sub3A_78, %select_n3A_75 : i32
      %eq3A_81 = arith.constant -1 : i32
      %eq3A_82 = arith.cmpi eq, %select_n3A_80, %eq3A_81 : i32
      %select_n3A_83 = arith.constant 1 : i32
      %select_n3A_84 = arith.select %eq3A_82, %select_n3A_83, %select_n3A_80 : i32
      %add3A_85 = arith.addi %select_n3A_84, %mul3A_6 : i32
      %add3A_86 = arith.constant 1 : i32
      %add3A_87 = arith.addi %select_n3A_75, %add3A_86 : i32
      %select_n3A_88 = arith.constant true
      %select_n3A_89 = arith.select %select_n3A_88, %add3A_87, %select_n3A_75 : i32
      %eq3A_90 = arith.constant 2 : i32
      %eq3A_91 = arith.cmpi eq, %select_n3A_89, %eq3A_90 : i32
      %select_n3A_92 = arith.constant 0 : i32
      %select_n3A_93 = arith.select %eq3A_91, %select_n3A_92, %select_n3A_89 : i32
      %add3A_94 = arith.addi %select_n3A_93, %mul3A_6 : i32
      %add3A_95 = arith.constant 1 : i32
      %add3A_96 = arith.addi %select_n3A_93, %add3A_95 : i32
      %select_n3A_97 = arith.constant true
      %select_n3A_98 = arith.select %select_n3A_97, %add3A_96, %select_n3A_93 : i32
      %eq3A_99 = arith.constant 2 : i32
      %eq3A_100 = arith.cmpi eq, %select_n3A_98, %eq3A_99 : i32
      %select_n3A_101 = arith.constant 0 : i32
      %select_n3A_102 = arith.select %eq3A_100, %select_n3A_101, %select_n3A_98 : i32
      %add3A_103 = arith.addi %select_n3A_102, %mul3A_6 : i32
      "tpu.trace_start"() <{level = 10 : i32, message = "ep_finalize"}> : () -> ()
      %rem3A_104 = arith.constant 2 : i32
      %rem3A_105 = arith.remui %scan3A_67#3, %rem3A_104 : i32
      %mul3A_106 = arith.constant 128 : i32
      %mul3A_107 = arith.muli %mul3A_106, %add3A_76 : i32
      %dma_wait3A = arith.constant 0 : i32
      %dma_wait3A_108 = arith.constant 0 : i32
      %dma_wait3A_109 = tpu.memref_slice %run_scoped3A_8[%rem3A_105, %dma_wait3A, %dma_wait3A_108] : memref<2x128x384xf32, #tpu.memory_space<vmem>> -> memref<1x128x384xf32, #tpu.memory_space<vmem>>
      %dma_wait3A_110 = tpu.memref_squeeze %dma_wait3A_109 : memref<1x128x384xf32, #tpu.memory_space<vmem>> -> memref<128x384xf32, #tpu.memory_space<vmem>>
      %dma_wait3A_111 = arith.constant 0 : i32
      %dma_wait3A_112 = tpu.memref_slice %arg4[%mul3A_107, %dma_wait3A_111] : memref<8192x384xf32, #tpu.memory_space<hbm>> -> memref<128x384xf32, #tpu.memory_space<hbm>>
      %dma_wait3A_113 = tpu.memref_slice %run_scoped3A_9[%rem3A_105] : memref<2x!tpu.dma_semaphore, #tpu.memory_space<semaphore_mem>> -> memref<1x!tpu.dma_semaphore, #tpu.memory_space<semaphore_mem>>
      %dma_wait3A_114 = tpu.memref_squeeze %dma_wait3A_113 : memref<1x!tpu.dma_semaphore, #tpu.memory_space<semaphore_mem>> -> memref<!tpu.dma_semaphore, #tpu.memory_space<semaphore_mem>>
      %dma_wait3A_115 = arith.constant 0 : i32
      %dma_wait3A_116 = tpu.memref_slice %arg4[%mul3A_107, %dma_wait3A_115] : memref<8192x384xf32, #tpu.memory_space<hbm>> -> memref<128x384xf32, #tpu.memory_space<hbm>>
      %dma_wait3A_117 = arith.constant 0 : i32
      %dma_wait3A_118 = arith.constant 0 : i32
      %dma_wait3A_119 = tpu.memref_slice %run_scoped3A_8[%rem3A_105, %dma_wait3A_117, %dma_wait3A_118] : memref<2x128x384xf32, #tpu.memory_space<vmem>> -> memref<1x128x384xf32, #tpu.memory_space<vmem>>
      %dma_wait3A_120 = tpu.memref_squeeze %dma_wait3A_119 : memref<1x128x384xf32, #tpu.memory_space<vmem>> -> memref<128x384xf32, #tpu.memory_space<vmem>>
      tpu.wait_dma2 semaphore(%dma_wait3A_114 : memref<!tpu.dma_semaphore, #tpu.memory_space<semaphore_mem>>) src(%dma_wait3A_120 : memref<128x384xf32, #tpu.memory_space<vmem>>) dst(%dma_wait3A_116 : memref<128x384xf32, #tpu.memory_space<hbm>>)
      "tpu.trace_stop"() : () -> ()
      tpu.yield
    }) : () -> ()
    return
  }
}

module attributes {stable_mosaic.version = 14 : i64} {
  func.func @_ctx_body(%arg0: i32, %arg1: memref<512x256xf32, #tpu.memory_space<vmem>>, %arg2: memref<512x16xi32, #tpu.memory_space<vmem>>, %arg3: memref<512x1xi32, #tpu.memory_space<vmem>>, %arg4: memref<512x1xf32, #tpu.memory_space<vmem>>, %arg5: memref<384x1024xf32, #tpu.memory_space<vmem>>, %arg6: memref<1x1024xf32, #tpu.memory_space<vmem>>, %arg7: memref<128x64xf32, #tpu.memory_space<vmem>>, %arg8: memref<128x64xf32, #tpu.memory_space<vmem>>, %arg9: memref<512x1xi32, #tpu.memory_space<vmem>>, %arg10: memref<512x1024xf32, #tpu.memory_space<vmem>>, %arg11: memref<512x1024xf32, #tpu.memory_space<vmem>>) attributes {dimension_semantics = [#tpu.dimension_semantics<parallel>], iteration_bounds = array<i64: 16>, scalar_prefetch = 0 : i64, scratch_operands = 0 : i64, tpu.core_type = #tpu.core_type<tc>, window_params = [{transform_indices = @transform_0, window_bounds = array<i64: 512, 256>}, {transform_indices = @transform_1, window_bounds = array<i64: 512, 16>}, {transform_indices = @transform_2, window_bounds = array<i64: 512, 1>}, {transform_indices = @transform_3, window_bounds = array<i64: 512, 1>}, {pipeline_mode = #tpu.pipeline_mode<synchronous>, transform_indices = @transform_4, window_bounds = array<i64: 384, 1024>}, {pipeline_mode = #tpu.pipeline_mode<synchronous>, transform_indices = @transform_5, window_bounds = array<i64: 1, 1024>}, {pipeline_mode = #tpu.pipeline_mode<synchronous>, transform_indices = @transform_6, window_bounds = array<i64: 128, 64>}, {pipeline_mode = #tpu.pipeline_mode<synchronous>, transform_indices = @transform_7, window_bounds = array<i64: 128, 64>}, {transform_indices = @transform_8, window_bounds = array<i64: 512, 1>}, {transform_indices = @transform_9, window_bounds = array<i64: 512, 1024>}, {transform_indices = @transform_10, window_bounds = array<i64: 512, 1024>}]} {
    %get3A = arith.constant 0 : index
    %get3A_0 = arith.constant 0 : index
    %get3A_1 = vector.load %arg1[%get3A, %get3A_0] : memref<512x256xf32, #tpu.memory_space<vmem>>, vector<512x256xf32>
    %get3A_2 = arith.constant 0 : index
    %get3A_3 = arith.constant 0 : index
    %get3A_4 = vector.load %arg5[%get3A_2, %get3A_3] : memref<384x1024xf32, #tpu.memory_space<vmem>>, vector<256x1024xf32>
    %dot_general3A = arith.constant dense<0.000000e+00> : vector<512x1024xf32>
    %dot_general3A_5 = tpu.matmul %get3A_1, %get3A_4, %dot_general3A {dimension_numbers = #tpu.dot_dimension_numbers<[1], [0], [0], [1], [0, 0, 1, 1], [], []>, transpose_lhs_hint = false} : vector<512x256xf32>, vector<256x1024xf32>, vector<512x1024xf32> -> vector<512x1024xf32>
    %iota3A = tpu.iota {dimensions = array<i32: 1>} : vector<512x128xi32>
    %get3A_6 = arith.constant 0 : index
    %get3A_7 = arith.constant 0 : index
    %get3A_8 = vector.load %arg2[%get3A_6, %get3A_7] : memref<512x16xi32, #tpu.memory_space<vmem>>, vector<512x16xi32>
    %broadcast_in_dim3A = arith.constant 0.000000e+00 : f32
    %broadcast_in_dim3A_9 = vector.broadcast %broadcast_in_dim3A : f32 to vector<512x128xf32>
    %slice3A = vector.extract_strided_slice %get3A_8 {offsets = [0, 0], sizes = [512, 1], strides = [1, 1]} : vector<512x16xi32> to vector<512x1xi32>
    %eq3A = vector.broadcast %slice3A : vector<512x1xi32> to vector<512x128xi32>
    %eq3A_10 = arith.cmpi eq, %eq3A, %iota3A : vector<512x128xi32>
    %convert_element_type3A = arith.extui %eq3A_10 : vector<512x128xi1> to vector<512x128xi32>
    %convert_element_type3A_11 = arith.sitofp %convert_element_type3A : vector<512x128xi32> to vector<512x128xf32>
    %add3A = arith.addf %broadcast_in_dim3A_9, %convert_element_type3A_11 : vector<512x128xf32>
    %slice3A_12 = vector.extract_strided_slice %get3A_8 {offsets = [0, 1], sizes = [512, 1], strides = [1, 1]} : vector<512x16xi32> to vector<512x1xi32>
    %eq3A_13 = vector.broadcast %slice3A_12 : vector<512x1xi32> to vector<512x128xi32>
    %eq3A_14 = arith.cmpi eq, %eq3A_13, %iota3A : vector<512x128xi32>
    %convert_element_type3A_15 = arith.extui %eq3A_14 : vector<512x128xi1> to vector<512x128xi32>
    %convert_element_type3A_16 = arith.sitofp %convert_element_type3A_15 : vector<512x128xi32> to vector<512x128xf32>
    %add3A_17 = arith.addf %add3A, %convert_element_type3A_16 : vector<512x128xf32>
    %slice3A_18 = vector.extract_strided_slice %get3A_8 {offsets = [0, 2], sizes = [512, 1], strides = [1, 1]} : vector<512x16xi32> to vector<512x1xi32>
    %eq3A_19 = vector.broadcast %slice3A_18 : vector<512x1xi32> to vector<512x128xi32>
    %eq3A_20 = arith.cmpi eq, %eq3A_19, %iota3A : vector<512x128xi32>
    %convert_element_type3A_21 = arith.extui %eq3A_20 : vector<512x128xi1> to vector<512x128xi32>
    %convert_element_type3A_22 = arith.sitofp %convert_element_type3A_21 : vector<512x128xi32> to vector<512x128xf32>
    %add3A_23 = arith.addf %add3A_17, %convert_element_type3A_22 : vector<512x128xf32>
    %slice3A_24 = vector.extract_strided_slice %get3A_8 {offsets = [0, 3], sizes = [512, 1], strides = [1, 1]} : vector<512x16xi32> to vector<512x1xi32>
    %eq3A_25 = vector.broadcast %slice3A_24 : vector<512x1xi32> to vector<512x128xi32>
    %eq3A_26 = arith.cmpi eq, %eq3A_25, %iota3A : vector<512x128xi32>
    %convert_element_type3A_27 = arith.extui %eq3A_26 : vector<512x128xi1> to vector<512x128xi32>
    %convert_element_type3A_28 = arith.sitofp %convert_element_type3A_27 : vector<512x128xi32> to vector<512x128xf32>
    %add3A_29 = arith.addf %add3A_23, %convert_element_type3A_28 : vector<512x128xf32>
    %slice3A_30 = vector.extract_strided_slice %get3A_8 {offsets = [0, 4], sizes = [512, 1], strides = [1, 1]} : vector<512x16xi32> to vector<512x1xi32>
    %eq3A_31 = vector.broadcast %slice3A_30 : vector<512x1xi32> to vector<512x128xi32>
    %eq3A_32 = arith.cmpi eq, %eq3A_31, %iota3A : vector<512x128xi32>
    %convert_element_type3A_33 = arith.extui %eq3A_32 : vector<512x128xi1> to vector<512x128xi32>
    %convert_element_type3A_34 = arith.sitofp %convert_element_type3A_33 : vector<512x128xi32> to vector<512x128xf32>
    %add3A_35 = arith.addf %add3A_29, %convert_element_type3A_34 : vector<512x128xf32>
    %slice3A_36 = vector.extract_strided_slice %get3A_8 {offsets = [0, 5], sizes = [512, 1], strides = [1, 1]} : vector<512x16xi32> to vector<512x1xi32>
    %eq3A_37 = vector.broadcast %slice3A_36 : vector<512x1xi32> to vector<512x128xi32>
    %eq3A_38 = arith.cmpi eq, %eq3A_37, %iota3A : vector<512x128xi32>
    %convert_element_type3A_39 = arith.extui %eq3A_38 : vector<512x128xi1> to vector<512x128xi32>
    %convert_element_type3A_40 = arith.sitofp %convert_element_type3A_39 : vector<512x128xi32> to vector<512x128xf32>
    %add3A_41 = arith.addf %add3A_35, %convert_element_type3A_40 : vector<512x128xf32>
    %slice3A_42 = vector.extract_strided_slice %get3A_8 {offsets = [0, 6], sizes = [512, 1], strides = [1, 1]} : vector<512x16xi32> to vector<512x1xi32>
    %eq3A_43 = vector.broadcast %slice3A_42 : vector<512x1xi32> to vector<512x128xi32>
    %eq3A_44 = arith.cmpi eq, %eq3A_43, %iota3A : vector<512x128xi32>
    %convert_element_type3A_45 = arith.extui %eq3A_44 : vector<512x128xi1> to vector<512x128xi32>
    %convert_element_type3A_46 = arith.sitofp %convert_element_type3A_45 : vector<512x128xi32> to vector<512x128xf32>
    %add3A_47 = arith.addf %add3A_41, %convert_element_type3A_46 : vector<512x128xf32>
    %slice3A_48 = vector.extract_strided_slice %get3A_8 {offsets = [0, 7], sizes = [512, 1], strides = [1, 1]} : vector<512x16xi32> to vector<512x1xi32>
    %eq3A_49 = vector.broadcast %slice3A_48 : vector<512x1xi32> to vector<512x128xi32>
    %eq3A_50 = arith.cmpi eq, %eq3A_49, %iota3A : vector<512x128xi32>
    %convert_element_type3A_51 = arith.extui %eq3A_50 : vector<512x128xi1> to vector<512x128xi32>
    %convert_element_type3A_52 = arith.sitofp %convert_element_type3A_51 : vector<512x128xi32> to vector<512x128xf32>
    %add3A_53 = arith.addf %add3A_47, %convert_element_type3A_52 : vector<512x128xf32>
    %slice3A_54 = vector.extract_strided_slice %get3A_8 {offsets = [0, 8], sizes = [512, 1], strides = [1, 1]} : vector<512x16xi32> to vector<512x1xi32>
    %eq3A_55 = vector.broadcast %slice3A_54 : vector<512x1xi32> to vector<512x128xi32>
    %eq3A_56 = arith.cmpi eq, %eq3A_55, %iota3A : vector<512x128xi32>
    %convert_element_type3A_57 = arith.extui %eq3A_56 : vector<512x128xi1> to vector<512x128xi32>
    %convert_element_type3A_58 = arith.sitofp %convert_element_type3A_57 : vector<512x128xi32> to vector<512x128xf32>
    %add3A_59 = arith.addf %add3A_53, %convert_element_type3A_58 : vector<512x128xf32>
    %slice3A_60 = vector.extract_strided_slice %get3A_8 {offsets = [0, 9], sizes = [512, 1], strides = [1, 1]} : vector<512x16xi32> to vector<512x1xi32>
    %eq3A_61 = vector.broadcast %slice3A_60 : vector<512x1xi32> to vector<512x128xi32>
    %eq3A_62 = arith.cmpi eq, %eq3A_61, %iota3A : vector<512x128xi32>
    %convert_element_type3A_63 = arith.extui %eq3A_62 : vector<512x128xi1> to vector<512x128xi32>
    %convert_element_type3A_64 = arith.sitofp %convert_element_type3A_63 : vector<512x128xi32> to vector<512x128xf32>
    %add3A_65 = arith.addf %add3A_59, %convert_element_type3A_64 : vector<512x128xf32>
    %slice3A_66 = vector.extract_strided_slice %get3A_8 {offsets = [0, 10], sizes = [512, 1], strides = [1, 1]} : vector<512x16xi32> to vector<512x1xi32>
    %eq3A_67 = vector.broadcast %slice3A_66 : vector<512x1xi32> to vector<512x128xi32>
    %eq3A_68 = arith.cmpi eq, %eq3A_67, %iota3A : vector<512x128xi32>
    %convert_element_type3A_69 = arith.extui %eq3A_68 : vector<512x128xi1> to vector<512x128xi32>
    %convert_element_type3A_70 = arith.sitofp %convert_element_type3A_69 : vector<512x128xi32> to vector<512x128xf32>
    %add3A_71 = arith.addf %add3A_65, %convert_element_type3A_70 : vector<512x128xf32>
    %slice3A_72 = vector.extract_strided_slice %get3A_8 {offsets = [0, 11], sizes = [512, 1], strides = [1, 1]} : vector<512x16xi32> to vector<512x1xi32>
    %eq3A_73 = vector.broadcast %slice3A_72 : vector<512x1xi32> to vector<512x128xi32>
    %eq3A_74 = arith.cmpi eq, %eq3A_73, %iota3A : vector<512x128xi32>
    %convert_element_type3A_75 = arith.extui %eq3A_74 : vector<512x128xi1> to vector<512x128xi32>
    %convert_element_type3A_76 = arith.sitofp %convert_element_type3A_75 : vector<512x128xi32> to vector<512x128xf32>
    %add3A_77 = arith.addf %add3A_71, %convert_element_type3A_76 : vector<512x128xf32>
    %slice3A_78 = vector.extract_strided_slice %get3A_8 {offsets = [0, 12], sizes = [512, 1], strides = [1, 1]} : vector<512x16xi32> to vector<512x1xi32>
    %eq3A_79 = vector.broadcast %slice3A_78 : vector<512x1xi32> to vector<512x128xi32>
    %eq3A_80 = arith.cmpi eq, %eq3A_79, %iota3A : vector<512x128xi32>
    %convert_element_type3A_81 = arith.extui %eq3A_80 : vector<512x128xi1> to vector<512x128xi32>
    %convert_element_type3A_82 = arith.sitofp %convert_element_type3A_81 : vector<512x128xi32> to vector<512x128xf32>
    %add3A_83 = arith.addf %add3A_77, %convert_element_type3A_82 : vector<512x128xf32>
    %slice3A_84 = vector.extract_strided_slice %get3A_8 {offsets = [0, 13], sizes = [512, 1], strides = [1, 1]} : vector<512x16xi32> to vector<512x1xi32>
    %eq3A_85 = vector.broadcast %slice3A_84 : vector<512x1xi32> to vector<512x128xi32>
    %eq3A_86 = arith.cmpi eq, %eq3A_85, %iota3A : vector<512x128xi32>
    %convert_element_type3A_87 = arith.extui %eq3A_86 : vector<512x128xi1> to vector<512x128xi32>
    %convert_element_type3A_88 = arith.sitofp %convert_element_type3A_87 : vector<512x128xi32> to vector<512x128xf32>
    %add3A_89 = arith.addf %add3A_83, %convert_element_type3A_88 : vector<512x128xf32>
    %slice3A_90 = vector.extract_strided_slice %get3A_8 {offsets = [0, 14], sizes = [512, 1], strides = [1, 1]} : vector<512x16xi32> to vector<512x1xi32>
    %eq3A_91 = vector.broadcast %slice3A_90 : vector<512x1xi32> to vector<512x128xi32>
    %eq3A_92 = arith.cmpi eq, %eq3A_91, %iota3A : vector<512x128xi32>
    %convert_element_type3A_93 = arith.extui %eq3A_92 : vector<512x128xi1> to vector<512x128xi32>
    %convert_element_type3A_94 = arith.sitofp %convert_element_type3A_93 : vector<512x128xi32> to vector<512x128xf32>
    %add3A_95 = arith.addf %add3A_89, %convert_element_type3A_94 : vector<512x128xf32>
    %slice3A_96 = vector.extract_strided_slice %get3A_8 {offsets = [0, 15], sizes = [512, 1], strides = [1, 1]} : vector<512x16xi32> to vector<512x1xi32>
    %eq3A_97 = vector.broadcast %slice3A_96 : vector<512x1xi32> to vector<512x128xi32>
    %eq3A_98 = arith.cmpi eq, %eq3A_97, %iota3A : vector<512x128xi32>
    %convert_element_type3A_99 = arith.extui %eq3A_98 : vector<512x128xi1> to vector<512x128xi32>
    %convert_element_type3A_100 = arith.sitofp %convert_element_type3A_99 : vector<512x128xi32> to vector<512x128xf32>
    %add3A_101 = arith.addf %add3A_95, %convert_element_type3A_100 : vector<512x128xf32>
    %get3A_102 = arith.constant 0 : index
    %get3A_103 = arith.constant 0 : index
    %get3A_104 = vector.load %arg7[%get3A_102, %get3A_103] : memref<128x64xf32, #tpu.memory_space<vmem>>, vector<128x64xf32>
    %dot_general3A_105 = arith.constant dense<0.000000e+00> : vector<512x64xf32>
    %dot_general3A_106 = tpu.matmul %add3A_101, %get3A_104, %dot_general3A_105 {dimension_numbers = #tpu.dot_dimension_numbers<[1], [0], [0], [1], [0, 0, 1, 1], [], []>, transpose_lhs_hint = false} : vector<512x128xf32>, vector<128x64xf32>, vector<512x64xf32> -> vector<512x64xf32>
    %mul3A = arith.constant 6.250000e-02 : f32
    %mul3A_107 = vector.broadcast %mul3A : f32 to vector<512x64xf32>
    %mul3A_108 = arith.mulf %dot_general3A_106, %mul3A_107 : vector<512x64xf32>
    %get3A_109 = arith.constant 256 : index
    %get3A_110 = arith.constant 0 : index
    %get3A_111 = vector.load %arg5[%get3A_109, %get3A_110] : memref<384x1024xf32, #tpu.memory_space<vmem>>, vector<64x1024xf32>
    %dot_general3A_112 = arith.constant dense<0.000000e+00> : vector<512x1024xf32>
    %dot_general3A_113 = tpu.matmul %mul3A_108, %get3A_111, %dot_general3A_112 {dimension_numbers = #tpu.dot_dimension_numbers<[1], [0], [0], [1], [0, 0, 1, 1], [], []>, transpose_lhs_hint = false} : vector<512x64xf32>, vector<64x1024xf32>, vector<512x1024xf32> -> vector<512x1024xf32>
    %add3A_114 = arith.addf %dot_general3A_5, %dot_general3A_113 : vector<512x1024xf32>
    %get3A_115 = arith.constant 0 : index
    %get3A_116 = arith.constant 0 : index
    %get3A_117 = vector.load %arg3[%get3A_115, %get3A_116] : memref<512x1xi32, #tpu.memory_space<vmem>>, vector<512x1xi32>
    %eq3A_118 = vector.broadcast %get3A_117 : vector<512x1xi32> to vector<512x128xi32>
    %eq3A_119 = arith.cmpi eq, %eq3A_118, %iota3A : vector<512x128xi32>
    %convert_element_type3A_120 = arith.extui %eq3A_119 : vector<512x128xi1> to vector<512x128xi32>
    %convert_element_type3A_121 = arith.sitofp %convert_element_type3A_120 : vector<512x128xi32> to vector<512x128xf32>
    %get3A_122 = arith.constant 0 : index
    %get3A_123 = arith.constant 0 : index
    %get3A_124 = vector.load %arg8[%get3A_122, %get3A_123] : memref<128x64xf32, #tpu.memory_space<vmem>>, vector<128x64xf32>
    %dot_general3A_125 = arith.constant dense<0.000000e+00> : vector<512x64xf32>
    %dot_general3A_126 = tpu.matmul %convert_element_type3A_121, %get3A_124, %dot_general3A_125 {dimension_numbers = #tpu.dot_dimension_numbers<[1], [0], [0], [1], [0, 0, 1, 1], [], []>, transpose_lhs_hint = false} : vector<512x128xf32>, vector<128x64xf32>, vector<512x64xf32> -> vector<512x64xf32>
    %get3A_127 = arith.constant 320 : index
    %get3A_128 = arith.constant 0 : index
    %get3A_129 = vector.load %arg5[%get3A_127, %get3A_128] : memref<384x1024xf32, #tpu.memory_space<vmem>>, vector<64x1024xf32>
    %dot_general3A_130 = arith.constant dense<0.000000e+00> : vector<512x1024xf32>
    %dot_general3A_131 = tpu.matmul %dot_general3A_126, %get3A_129, %dot_general3A_130 {dimension_numbers = #tpu.dot_dimension_numbers<[1], [0], [0], [1], [0, 0, 1, 1], [], []>, transpose_lhs_hint = false} : vector<512x64xf32>, vector<64x1024xf32>, vector<512x1024xf32> -> vector<512x1024xf32>
    %add3A_132 = arith.addf %add3A_114, %dot_general3A_131 : vector<512x1024xf32>
    %get3A_133 = arith.constant 0 : index
    %get3A_134 = arith.constant 0 : index
    %get3A_135 = vector.load %arg4[%get3A_133, %get3A_134] : memref<512x1xf32, #tpu.memory_space<vmem>>, vector<512x1xf32>
    %mul3A_136 = vector.broadcast %get3A_135 : vector<512x1xf32> to vector<512x1024xf32>
    %mul3A_137 = arith.mulf %add3A_132, %mul3A_136 : vector<512x1024xf32>
    %get3A_138 = arith.constant 0 : index
    %get3A_139 = arith.constant 0 : index
    %get3A_140 = vector.load %arg6[%get3A_138, %get3A_139] : memref<1x1024xf32, #tpu.memory_space<vmem>>, vector<1x1024xf32>
    %add3A_141 = vector.broadcast %get3A_140 : vector<1x1024xf32> to vector<512x1024xf32>
    %add3A_142 = arith.addf %mul3A_137, %add3A_141 : vector<512x1024xf32>
    %tanh3A = math.tanh %add3A_142 : vector<512x1024xf32>
    %swap3A = arith.constant 0 : index
    %swap3A_143 = arith.constant 0 : index
    %swap3A_144 = vector.load %arg10[%swap3A, %swap3A_143] : memref<512x1024xf32, #tpu.memory_space<vmem>>, vector<512x1024xf32>
    tpu.vector_store %arg10[%swap3A, %swap3A_143], %tanh3A {strides = array<i32>} : memref<512x1024xf32, #tpu.memory_space<vmem>>, vector<512x1024xf32>,
    %get3A_145 = arith.constant 0 : index
    %get3A_146 = arith.constant 0 : index
    %get3A_147 = vector.load %arg9[%get3A_145, %get3A_146] : memref<512x1xi32, #tpu.memory_space<vmem>>, vector<512x1xi32>
    %iota3A_148 = tpu.iota {dimensions = array<i32: 1>} : vector<512x1024xi32>
    %mul3A_149 = arith.constant 1024 : i32
    %mul3A_150 = vector.broadcast %mul3A_149 : i32 to vector<512x1xi32>
    %mul3A_151 = arith.muli %get3A_147, %mul3A_150 : vector<512x1xi32>
    %add3A_152 = vector.broadcast %mul3A_151 : vector<512x1xi32> to vector<512x1024xi32>
    %add3A_153 = arith.addi %add3A_152, %iota3A_148 : vector<512x1024xi32>
    %get3A_154 = arith.constant 0 : index
    %get3A_155 = arith.constant 0 : index
    %get3A_156 = vector.load %arg3[%get3A_154, %get3A_155] : memref<512x1xi32, #tpu.memory_space<vmem>>, vector<512x1xi32>
    %broadcast_in_dim3A_157 = arith.constant 0 : i32
    %broadcast_in_dim3A_158 = vector.broadcast %broadcast_in_dim3A_157 : i32 to vector<512x1xi32>
    %broadcast_in_dim3A_159 = arith.constant 0 : i32
    %broadcast_in_dim3A_160 = vector.broadcast %broadcast_in_dim3A_159 : i32 to vector<512x1xi32>
    %eq3A_161 = arith.constant 0 : i32
    %eq3A_162 = vector.broadcast %eq3A_161 : i32 to vector<512x1xi32>
    %eq3A_163 = arith.cmpi eq, %get3A_156, %eq3A_162 : vector<512x1xi32>
    %jit3A = arith.constant 1832780943 : i32
    %broadcast_in_dim3A_164 = vector.broadcast %jit3A : i32 to vector<512x1xi32>
    %select_n3A = arith.select %eq3A_163, %broadcast_in_dim3A_164, %broadcast_in_dim3A_158 : vector<512x1xi1>, vector<512x1xi32>
    %eq3A_165 = arith.constant 0 : i32
    %eq3A_166 = vector.broadcast %eq3A_165 : i32 to vector<512x1xi32>
    %eq3A_167 = arith.cmpi eq, %get3A_156, %eq3A_166 : vector<512x1xi32>
    %jit3A_168 = arith.constant 270669613 : i32
    %broadcast_in_dim3A_169 = vector.broadcast %jit3A_168 : i32 to vector<512x1xi32>
    %select_n3A_170 = arith.select %eq3A_167, %broadcast_in_dim3A_169, %broadcast_in_dim3A_160 : vector<512x1xi1>, vector<512x1xi32>
    %eq3A_171 = arith.constant 1 : i32
    %eq3A_172 = vector.broadcast %eq3A_171 : i32 to vector<512x1xi32>
    %eq3A_173 = arith.cmpi eq, %get3A_156, %eq3A_172 : vector<512x1xi32>
    %jit3A_174 = arith.constant 64467757 : i32
    %broadcast_in_dim3A_175 = vector.broadcast %jit3A_174 : i32 to vector<512x1xi32>
    %select_n3A_176 = arith.select %eq3A_173, %broadcast_in_dim3A_175, %select_n3A : vector<512x1xi1>, vector<512x1xi32>
    %eq3A_177 = arith.constant 1 : i32
    %eq3A_178 = vector.broadcast %eq3A_177 : i32 to vector<512x1xi32>
    %eq3A_179 = arith.cmpi eq, %get3A_156, %eq3A_178 : vector<512x1xi32>
    %jit3A_180 = arith.constant -1378843660 : i32
    %broadcast_in_dim3A_181 = vector.broadcast %jit3A_180 : i32 to vector<512x1xi32>
    %select_n3A_182 = arith.select %eq3A_179, %broadcast_in_dim3A_181, %select_n3A_170 : vector<512x1xi1>, vector<512x1xi32>
    %eq3A_183 = arith.constant 2 : i32
    %eq3A_184 = vector.broadcast %eq3A_183 : i32 to vector<512x1xi32>
    %eq3A_185 = arith.cmpi eq, %get3A_156, %eq3A_184 : vector<512x1xi32>
    %jit3A_186 = arith.constant -1829035798 : i32
    %broadcast_in_dim3A_187 = vector.broadcast %jit3A_186 : i32 to vector<512x1xi32>
    %select_n3A_188 = arith.select %eq3A_185, %broadcast_in_dim3A_187, %select_n3A_176 : vector<512x1xi1>, vector<512x1xi32>
    %eq3A_189 = arith.constant 2 : i32
    %eq3A_190 = vector.broadcast %eq3A_189 : i32 to vector<512x1xi32>
    %eq3A_191 = arith.cmpi eq, %get3A_156, %eq3A_190 : vector<512x1xi32>
    %jit3A_192 = arith.constant 255383827 : i32
    %broadcast_in_dim3A_193 = vector.broadcast %jit3A_192 : i32 to vector<512x1xi32>
    %select_n3A_194 = arith.select %eq3A_191, %broadcast_in_dim3A_193, %select_n3A_182 : vector<512x1xi1>, vector<512x1xi32>
    %eq3A_195 = arith.constant 3 : i32
    %eq3A_196 = vector.broadcast %eq3A_195 : i32 to vector<512x1xi32>
    %eq3A_197 = arith.cmpi eq, %get3A_156, %eq3A_196 : vector<512x1xi32>
    %jit3A_198 = arith.constant -1160419002 : i32
    %broadcast_in_dim3A_199 = vector.broadcast %jit3A_198 : i32 to vector<512x1xi32>
    %select_n3A_200 = arith.select %eq3A_197, %broadcast_in_dim3A_199, %select_n3A_188 : vector<512x1xi1>, vector<512x1xi32>
    %eq3A_201 = arith.constant 3 : i32
    %eq3A_202 = vector.broadcast %eq3A_201 : i32 to vector<512x1xi32>
    %eq3A_203 = arith.cmpi eq, %get3A_156, %eq3A_202 : vector<512x1xi32>
    %jit3A_204 = arith.constant 894150801 : i32
    %broadcast_in_dim3A_205 = vector.broadcast %jit3A_204 : i32 to vector<512x1xi32>
    %select_n3A_206 = arith.select %eq3A_203, %broadcast_in_dim3A_205, %select_n3A_194 : vector<512x1xi1>, vector<512x1xi32>
    %eq3A_207 = arith.constant 4 : i32
    %eq3A_208 = vector.broadcast %eq3A_207 : i32 to vector<512x1xi32>
    %eq3A_209 = arith.cmpi eq, %get3A_156, %eq3A_208 : vector<512x1xi32>
    %jit3A_210 = arith.constant -1340887325 : i32
    %broadcast_in_dim3A_211 = vector.broadcast %jit3A_210 : i32 to vector<512x1xi32>
    %select_n3A_212 = arith.select %eq3A_209, %broadcast_in_dim3A_211, %select_n3A_200 : vector<512x1xi1>, vector<512x1xi32>
    %eq3A_213 = arith.constant 4 : i32
    %eq3A_214 = vector.broadcast %eq3A_213 : i32 to vector<512x1xi32>
    %eq3A_215 = arith.cmpi eq, %get3A_156, %eq3A_214 : vector<512x1xi32>
    %jit3A_216 = arith.constant -1018241546 : i32
    %broadcast_in_dim3A_217 = vector.broadcast %jit3A_216 : i32 to vector<512x1xi32>
    %select_n3A_218 = arith.select %eq3A_215, %broadcast_in_dim3A_217, %select_n3A_206 : vector<512x1xi1>, vector<512x1xi32>
    %eq3A_219 = arith.constant 5 : i32
    %eq3A_220 = vector.broadcast %eq3A_219 : i32 to vector<512x1xi32>
    %eq3A_221 = arith.cmpi eq, %get3A_156, %eq3A_220 : vector<512x1xi32>
    %jit3A_222 = arith.constant -1529275754 : i32
    %broadcast_in_dim3A_223 = vector.broadcast %jit3A_222 : i32 to vector<512x1xi32>
    %select_n3A_224 = arith.select %eq3A_221, %broadcast_in_dim3A_223, %select_n3A_212 : vector<512x1xi1>, vector<512x1xi32>
    %eq3A_225 = arith.constant 5 : i32
    %eq3A_226 = vector.broadcast %eq3A_225 : i32 to vector<512x1xi32>
    %eq3A_227 = arith.cmpi eq, %get3A_156, %eq3A_226 : vector<512x1xi32>
    %jit3A_228 = arith.constant 824333390 : i32
    %broadcast_in_dim3A_229 = vector.broadcast %jit3A_228 : i32 to vector<512x1xi32>
    %select_n3A_230 = arith.select %eq3A_227, %broadcast_in_dim3A_229, %select_n3A_218 : vector<512x1xi1>, vector<512x1xi32>
    %eq3A_231 = arith.constant 6 : i32
    %eq3A_232 = vector.broadcast %eq3A_231 : i32 to vector<512x1xi32>
    %eq3A_233 = arith.cmpi eq, %get3A_156, %eq3A_232 : vector<512x1xi32>
    %jit3A_234 = arith.constant -1526283000 : i32
    %broadcast_in_dim3A_235 = vector.broadcast %jit3A_234 : i32 to vector<512x1xi32>
    %select_n3A_236 = arith.select %eq3A_233, %broadcast_in_dim3A_235, %select_n3A_224 : vector<512x1xi1>, vector<512x1xi32>
    %eq3A_237 = arith.constant 6 : i32
    %eq3A_238 = vector.broadcast %eq3A_237 : i32 to vector<512x1xi32>
    %eq3A_239 = arith.cmpi eq, %get3A_156, %eq3A_238 : vector<512x1xi32>
    %jit3A_240 = arith.constant -1239387503 : i32
    %broadcast_in_dim3A_241 = vector.broadcast %jit3A_240 : i32 to vector<512x1xi32>
    %select_n3A_242 = arith.select %eq3A_239, %broadcast_in_dim3A_241, %select_n3A_230 : vector<512x1xi1>, vector<512x1xi32>
    %eq3A_243 = arith.constant 7 : i32
    %eq3A_244 = vector.broadcast %eq3A_243 : i32 to vector<512x1xi32>
    %eq3A_245 = arith.cmpi eq, %get3A_156, %eq3A_244 : vector<512x1xi32>
    %jit3A_246 = arith.constant -1747954385 : i32
    %broadcast_in_dim3A_247 = vector.broadcast %jit3A_246 : i32 to vector<512x1xi32>
    %select_n3A_248 = arith.select %eq3A_245, %broadcast_in_dim3A_247, %select_n3A_236 : vector<512x1xi1>, vector<512x1xi32>
    %eq3A_249 = arith.constant 7 : i32
    %eq3A_250 = vector.broadcast %eq3A_249 : i32 to vector<512x1xi32>
    %eq3A_251 = arith.cmpi eq, %get3A_156, %eq3A_250 : vector<512x1xi32>
    %jit3A_252 = arith.constant 1371500959 : i32
    %broadcast_in_dim3A_253 = vector.broadcast %jit3A_252 : i32 to vector<512x1xi32>
    %select_n3A_254 = arith.select %eq3A_251, %broadcast_in_dim3A_253, %select_n3A_242 : vector<512x1xi1>, vector<512x1xi32>
    %eq3A_255 = arith.constant 8 : i32
    %eq3A_256 = vector.broadcast %eq3A_255 : i32 to vector<512x1xi32>
    %eq3A_257 = arith.cmpi eq, %get3A_156, %eq3A_256 : vector<512x1xi32>
    %jit3A_258 = arith.constant 1016697191 : i32
    %broadcast_in_dim3A_259 = vector.broadcast %jit3A_258 : i32 to vector<512x1xi32>
    %select_n3A_260 = arith.select %eq3A_257, %broadcast_in_dim3A_259, %select_n3A_248 : vector<512x1xi1>, vector<512x1xi32>
    %eq3A_261 = arith.constant 8 : i32
    %eq3A_262 = vector.broadcast %eq3A_261 : i32 to vector<512x1xi32>
    %eq3A_263 = arith.cmpi eq, %get3A_156, %eq3A_262 : vector<512x1xi32>
    %jit3A_264 = arith.constant -1904775190 : i32
    %broadcast_in_dim3A_265 = vector.broadcast %jit3A_264 : i32 to vector<512x1xi32>
    %select_n3A_266 = arith.select %eq3A_263, %broadcast_in_dim3A_265, %select_n3A_254 : vector<512x1xi1>, vector<512x1xi32>
    %eq3A_267 = arith.constant 9 : i32
    %eq3A_268 = vector.broadcast %eq3A_267 : i32 to vector<512x1xi32>
    %eq3A_269 = arith.cmpi eq, %get3A_156, %eq3A_268 : vector<512x1xi32>
    %jit3A_270 = arith.constant 1128875147 : i32
    %broadcast_in_dim3A_271 = vector.broadcast %jit3A_270 : i32 to vector<512x1xi32>
    %select_n3A_272 = arith.select %eq3A_269, %broadcast_in_dim3A_271, %select_n3A_260 : vector<512x1xi1>, vector<512x1xi32>
    %eq3A_273 = arith.constant 9 : i32
    %eq3A_274 = vector.broadcast %eq3A_273 : i32 to vector<512x1xi32>
    %eq3A_275 = arith.cmpi eq, %get3A_156, %eq3A_274 : vector<512x1xi32>
    %jit3A_276 = arith.constant -1831289029 : i32
    %broadcast_in_dim3A_277 = vector.broadcast %jit3A_276 : i32 to vector<512x1xi32>
    %select_n3A_278 = arith.select %eq3A_275, %broadcast_in_dim3A_277, %select_n3A_266 : vector<512x1xi1>, vector<512x1xi32>
    %eq3A_279 = arith.constant 10 : i32
    %eq3A_280 = vector.broadcast %eq3A_279 : i32 to vector<512x1xi32>
    %eq3A_281 = arith.cmpi eq, %get3A_156, %eq3A_280 : vector<512x1xi32>
    %jit3A_282 = arith.constant 1039196627 : i32
    %broadcast_in_dim3A_283 = vector.broadcast %jit3A_282 : i32 to vector<512x1xi32>
    %select_n3A_284 = arith.select %eq3A_281, %broadcast_in_dim3A_283, %select_n3A_272 : vector<512x1xi1>, vector<512x1xi32>
    %eq3A_285 = arith.constant 10 : i32
    %eq3A_286 = vector.broadcast %eq3A_285 : i32 to vector<512x1xi32>
    %eq3A_287 = arith.cmpi eq, %get3A_156, %eq3A_286 : vector<512x1xi32>
    %jit3A_288 = arith.constant 1683848162 : i32
    %broadcast_in_dim3A_289 = vector.broadcast %jit3A_288 : i32 to vector<512x1xi32>
    %select_n3A_290 = arith.select %eq3A_287, %broadcast_in_dim3A_289, %select_n3A_278 : vector<512x1xi1>, vector<512x1xi32>
    %eq3A_291 = arith.constant 11 : i32
    %eq3A_292 = vector.broadcast %eq3A_291 : i32 to vector<512x1xi32>
    %eq3A_293 = arith.cmpi eq, %get3A_156, %eq3A_292 : vector<512x1xi32>
    %jit3A_294 = arith.constant 246739928 : i32
    %broadcast_in_dim3A_295 = vector.broadcast %jit3A_294 : i32 to vector<512x1xi32>
    %select_n3A_296 = arith.select %eq3A_293, %broadcast_in_dim3A_295, %select_n3A_284 : vector<512x1xi1>, vector<512x1xi32>
    %eq3A_297 = arith.constant 11 : i32
    %eq3A_298 = vector.broadcast %eq3A_297 : i32 to vector<512x1xi32>
    %eq3A_299 = arith.cmpi eq, %get3A_156, %eq3A_298 : vector<512x1xi32>
    %jit3A_300 = arith.constant -775564888 : i32
    %broadcast_in_dim3A_301 = vector.broadcast %jit3A_300 : i32 to vector<512x1xi32>
    %select_n3A_302 = arith.select %eq3A_299, %broadcast_in_dim3A_301, %select_n3A_290 : vector<512x1xi1>, vector<512x1xi32>
    %eq3A_303 = arith.constant 12 : i32
    %eq3A_304 = vector.broadcast %eq3A_303 : i32 to vector<512x1xi32>
    %eq3A_305 = arith.cmpi eq, %get3A_156, %eq3A_304 : vector<512x1xi32>
    %jit3A_306 = arith.constant -1180957310 : i32
    %broadcast_in_dim3A_307 = vector.broadcast %jit3A_306 : i32 to vector<512x1xi32>
    %select_n3A_308 = arith.select %eq3A_305, %broadcast_in_dim3A_307, %select_n3A_296 : vector<512x1xi1>, vector<512x1xi32>
    %eq3A_309 = arith.constant 12 : i32
    %eq3A_310 = vector.broadcast %eq3A_309 : i32 to vector<512x1xi32>
    %eq3A_311 = arith.cmpi eq, %get3A_156, %eq3A_310 : vector<512x1xi32>
    %jit3A_312 = arith.constant 1419417030 : i32
    %broadcast_in_dim3A_313 = vector.broadcast %jit3A_312 : i32 to vector<512x1xi32>
    %select_n3A_314 = arith.select %eq3A_311, %broadcast_in_dim3A_313, %select_n3A_302 : vector<512x1xi1>, vector<512x1xi32>
    %eq3A_315 = arith.constant 13 : i32
    %eq3A_316 = vector.broadcast %eq3A_315 : i32 to vector<512x1xi32>
    %eq3A_317 = arith.cmpi eq, %get3A_156, %eq3A_316 : vector<512x1xi32>
    %jit3A_318 = arith.constant -780015907 : i32
    %broadcast_in_dim3A_319 = vector.broadcast %jit3A_318 : i32 to vector<512x1xi32>
    %select_n3A_320 = arith.select %eq3A_317, %broadcast_in_dim3A_319, %select_n3A_308 : vector<512x1xi1>, vector<512x1xi32>
    %eq3A_321 = arith.constant 13 : i32
    %eq3A_322 = vector.broadcast %eq3A_321 : i32 to vector<512x1xi32>
    %eq3A_323 = arith.cmpi eq, %get3A_156, %eq3A_322 : vector<512x1xi32>
    %jit3A_324 = arith.constant 229662949 : i32
    %broadcast_in_dim3A_325 = vector.broadcast %jit3A_324 : i32 to vector<512x1xi32>
    %select_n3A_326 = arith.select %eq3A_323, %broadcast_in_dim3A_325, %select_n3A_314 : vector<512x1xi1>, vector<512x1xi32>
    %eq3A_327 = arith.constant 14 : i32
    %eq3A_328 = vector.broadcast %eq3A_327 : i32 to vector<512x1xi32>
    %eq3A_329 = arith.cmpi eq, %get3A_156, %eq3A_328 : vector<512x1xi32>
    %jit3A_330 = arith.constant -1768084093 : i32
    %broadcast_in_dim3A_331 = vector.broadcast %jit3A_330 : i32 to vector<512x1xi32>
    %select_n3A_332 = arith.select %eq3A_329, %broadcast_in_dim3A_331, %select_n3A_320 : vector<512x1xi1>, vector<512x1xi32>
    %eq3A_333 = arith.constant 14 : i32
    %eq3A_334 = vector.broadcast %eq3A_333 : i32 to vector<512x1xi32>
    %eq3A_335 = arith.cmpi eq, %get3A_156, %eq3A_334 : vector<512x1xi32>
    %jit3A_336 = arith.constant -321007527 : i32
    %broadcast_in_dim3A_337 = vector.broadcast %jit3A_336 : i32 to vector<512x1xi32>
    %select_n3A_338 = arith.select %eq3A_335, %broadcast_in_dim3A_337, %select_n3A_326 : vector<512x1xi1>, vector<512x1xi32>
    %eq3A_339 = arith.constant 15 : i32
    %eq3A_340 = vector.broadcast %eq3A_339 : i32 to vector<512x1xi32>
    %eq3A_341 = arith.cmpi eq, %get3A_156, %eq3A_340 : vector<512x1xi32>
    %jit3A_342 = arith.constant 991576401 : i32
    %broadcast_in_dim3A_343 = vector.broadcast %jit3A_342 : i32 to vector<512x1xi32>
    %select_n3A_344 = arith.select %eq3A_341, %broadcast_in_dim3A_343, %select_n3A_332 : vector<512x1xi1>, vector<512x1xi32>
    %eq3A_345 = arith.constant 15 : i32
    %eq3A_346 = vector.broadcast %eq3A_345 : i32 to vector<512x1xi32>
    %eq3A_347 = arith.cmpi eq, %get3A_156, %eq3A_346 : vector<512x1xi32>
    %jit3A_348 = arith.constant -359512327 : i32
    %broadcast_in_dim3A_349 = vector.broadcast %jit3A_348 : i32 to vector<512x1xi32>
    %select_n3A_350 = arith.select %eq3A_347, %broadcast_in_dim3A_349, %select_n3A_338 : vector<512x1xi1>, vector<512x1xi32>
    %xor3A = arith.xori %select_n3A_344, %select_n3A_350 : vector<512x1xi32>
    %xor3A_351 = arith.constant 466688986 : i32
    %xor3A_352 = vector.broadcast %xor3A_351 : i32 to vector<512x1xi32>
    %xor3A_353 = arith.xori %xor3A, %xor3A_352 : vector<512x1xi32>
    %broadcast_in_dim3A_354 = vector.shape_cast %select_n3A_344 : vector<512x1xi32> to vector<512x1xi32>
    %broadcast_in_dim3A_355 = vector.broadcast %broadcast_in_dim3A_354 : vector<512x1xi32> to vector<512x1024xi32>
    %add3A_356 = vector.broadcast %select_n3A_350 : vector<512x1xi32> to vector<512x1024xi32>
    %add3A_357 = arith.addi %add3A_153, %add3A_356 : vector<512x1024xi32>
    %add3A_358 = arith.addi %broadcast_in_dim3A_355, %add3A_357 : vector<512x1024xi32>
    %shift_left3A = arith.constant 13 : i32
    %shift_left3A_359 = vector.broadcast %shift_left3A : i32 to vector<512x1024xi32>
    %shift_left3A_360 = arith.shli %add3A_357, %shift_left3A_359 : vector<512x1024xi32>
    %shift_right_logical3A = arith.constant 19 : i32
    %shift_right_logical3A_361 = vector.broadcast %shift_right_logical3A : i32 to vector<512x1024xi32>
    %shift_right_logical3A_362 = arith.shrui %add3A_357, %shift_right_logical3A_361 : vector<512x1024xi32>
    %or3A = arith.ori %shift_left3A_360, %shift_right_logical3A_362 : vector<512x1024xi32>
    %xor3A_363 = arith.xori %add3A_358, %or3A : vector<512x1024xi32>
    %add3A_364 = arith.addi %add3A_358, %xor3A_363 : vector<512x1024xi32>
    %shift_left3A_365 = arith.constant 15 : i32
    %shift_left3A_366 = vector.broadcast %shift_left3A_365 : i32 to vector<512x1024xi32>
    %shift_left3A_367 = arith.shli %xor3A_363, %shift_left3A_366 : vector<512x1024xi32>
    %shift_right_logical3A_368 = arith.constant 17 : i32
    %shift_right_logical3A_369 = vector.broadcast %shift_right_logical3A_368 : i32 to vector<512x1024xi32>
    %shift_right_logical3A_370 = arith.shrui %xor3A_363, %shift_right_logical3A_369 : vector<512x1024xi32>
    %or3A_371 = arith.ori %shift_left3A_367, %shift_right_logical3A_370 : vector<512x1024xi32>
    %xor3A_372 = arith.xori %add3A_364, %or3A_371 : vector<512x1024xi32>
    %add3A_373 = arith.addi %add3A_364, %xor3A_372 : vector<512x1024xi32>
    %shift_left3A_374 = arith.constant 26 : i32
    %shift_left3A_375 = vector.broadcast %shift_left3A_374 : i32 to vector<512x1024xi32>
    %shift_left3A_376 = arith.shli %xor3A_372, %shift_left3A_375 : vector<512x1024xi32>
    %shift_right_logical3A_377 = arith.constant 6 : i32
    %shift_right_logical3A_378 = vector.broadcast %shift_right_logical3A_377 : i32 to vector<512x1024xi32>
    %shift_right_logical3A_379 = arith.shrui %xor3A_372, %shift_right_logical3A_378 : vector<512x1024xi32>
    %or3A_380 = arith.ori %shift_left3A_376, %shift_right_logical3A_379 : vector<512x1024xi32>
    %xor3A_381 = arith.xori %add3A_373, %or3A_380 : vector<512x1024xi32>
    %add3A_382 = arith.addi %add3A_373, %xor3A_381 : vector<512x1024xi32>
    %shift_left3A_383 = arith.constant 6 : i32
    %shift_left3A_384 = vector.broadcast %shift_left3A_383 : i32 to vector<512x1024xi32>
    %shift_left3A_385 = arith.shli %xor3A_381, %shift_left3A_384 : vector<512x1024xi32>
    %shift_right_logical3A_386 = arith.constant 26 : i32
    %shift_right_logical3A_387 = vector.broadcast %shift_right_logical3A_386 : i32 to vector<512x1024xi32>
    %shift_right_logical3A_388 = arith.shrui %xor3A_381, %shift_right_logical3A_387 : vector<512x1024xi32>
    %or3A_389 = arith.ori %shift_left3A_385, %shift_right_logical3A_388 : vector<512x1024xi32>
    %xor3A_390 = arith.xori %add3A_382, %or3A_389 : vector<512x1024xi32>
    %add3A_391 = vector.broadcast %select_n3A_350 : vector<512x1xi32> to vector<512x1024xi32>
    %add3A_392 = arith.addi %add3A_382, %add3A_391 : vector<512x1024xi32>
    %add3A_393 = vector.broadcast %xor3A_353 : vector<512x1xi32> to vector<512x1024xi32>
    %add3A_394 = arith.addi %xor3A_390, %add3A_393 : vector<512x1024xi32>
    %add3A_395 = arith.constant 1 : i32
    %add3A_396 = vector.broadcast %add3A_395 : i32 to vector<512x1024xi32>
    %add3A_397 = arith.addi %add3A_394, %add3A_396 : vector<512x1024xi32>
    %add3A_398 = arith.addi %add3A_392, %add3A_397 : vector<512x1024xi32>
    %shift_left3A_399 = arith.constant 17 : i32
    %shift_left3A_400 = vector.broadcast %shift_left3A_399 : i32 to vector<512x1024xi32>
    %shift_left3A_401 = arith.shli %add3A_397, %shift_left3A_400 : vector<512x1024xi32>
    %shift_right_logical3A_402 = arith.constant 15 : i32
    %shift_right_logical3A_403 = vector.broadcast %shift_right_logical3A_402 : i32 to vector<512x1024xi32>
    %shift_right_logical3A_404 = arith.shrui %add3A_397, %shift_right_logical3A_403 : vector<512x1024xi32>
    %or3A_405 = arith.ori %shift_left3A_401, %shift_right_logical3A_404 : vector<512x1024xi32>
    %xor3A_406 = arith.xori %add3A_398, %or3A_405 : vector<512x1024xi32>
    %add3A_407 = arith.addi %add3A_398, %xor3A_406 : vector<512x1024xi32>
    %shift_left3A_408 = arith.constant 29 : i32
    %shift_left3A_409 = vector.broadcast %shift_left3A_408 : i32 to vector<512x1024xi32>
    %shift_left3A_410 = arith.shli %xor3A_406, %shift_left3A_409 : vector<512x1024xi32>
    %shift_right_logical3A_411 = arith.constant 3 : i32
    %shift_right_logical3A_412 = vector.broadcast %shift_right_logical3A_411 : i32 to vector<512x1024xi32>
    %shift_right_logical3A_413 = arith.shrui %xor3A_406, %shift_right_logical3A_412 : vector<512x1024xi32>
    %or3A_414 = arith.ori %shift_left3A_410, %shift_right_logical3A_413 : vector<512x1024xi32>
    %xor3A_415 = arith.xori %add3A_407, %or3A_414 : vector<512x1024xi32>
    %add3A_416 = arith.addi %add3A_407, %xor3A_415 : vector<512x1024xi32>
    %shift_left3A_417 = arith.constant 16 : i32
    %shift_left3A_418 = vector.broadcast %shift_left3A_417 : i32 to vector<512x1024xi32>
    %shift_left3A_419 = arith.shli %xor3A_415, %shift_left3A_418 : vector<512x1024xi32>
    %shift_right_logical3A_420 = arith.constant 16 : i32
    %shift_right_logical3A_421 = vector.broadcast %shift_right_logical3A_420 : i32 to vector<512x1024xi32>
    %shift_right_logical3A_422 = arith.shrui %xor3A_415, %shift_right_logical3A_421 : vector<512x1024xi32>
    %or3A_423 = arith.ori %shift_left3A_419, %shift_right_logical3A_422 : vector<512x1024xi32>
    %xor3A_424 = arith.xori %add3A_416, %or3A_423 : vector<512x1024xi32>
    %add3A_425 = arith.addi %add3A_416, %xor3A_424 : vector<512x1024xi32>
    %shift_left3A_426 = arith.constant 24 : i32
    %shift_left3A_427 = vector.broadcast %shift_left3A_426 : i32 to vector<512x1024xi32>
    %shift_left3A_428 = arith.shli %xor3A_424, %shift_left3A_427 : vector<512x1024xi32>
    %shift_right_logical3A_429 = arith.constant 8 : i32
    %shift_right_logical3A_430 = vector.broadcast %shift_right_logical3A_429 : i32 to vector<512x1024xi32>
    %shift_right_logical3A_431 = arith.shrui %xor3A_424, %shift_right_logical3A_430 : vector<512x1024xi32>
    %or3A_432 = arith.ori %shift_left3A_428, %shift_right_logical3A_431 : vector<512x1024xi32>
    %xor3A_433 = arith.xori %add3A_425, %or3A_432 : vector<512x1024xi32>
    %add3A_434 = vector.broadcast %xor3A_353 : vector<512x1xi32> to vector<512x1024xi32>
    %add3A_435 = arith.addi %add3A_425, %add3A_434 : vector<512x1024xi32>
    %add3A_436 = vector.broadcast %select_n3A_344 : vector<512x1xi32> to vector<512x1024xi32>
    %add3A_437 = arith.addi %xor3A_433, %add3A_436 : vector<512x1024xi32>
    %add3A_438 = arith.constant 2 : i32
    %add3A_439 = vector.broadcast %add3A_438 : i32 to vector<512x1024xi32>
    %add3A_440 = arith.addi %add3A_437, %add3A_439 : vector<512x1024xi32>
    %add3A_441 = arith.addi %add3A_435, %add3A_440 : vector<512x1024xi32>
    %shift_left3A_442 = arith.constant 13 : i32
    %shift_left3A_443 = vector.broadcast %shift_left3A_442 : i32 to vector<512x1024xi32>
    %shift_left3A_444 = arith.shli %add3A_440, %shift_left3A_443 : vector<512x1024xi32>
    %shift_right_logical3A_445 = arith.constant 19 : i32
    %shift_right_logical3A_446 = vector.broadcast %shift_right_logical3A_445 : i32 to vector<512x1024xi32>
    %shift_right_logical3A_447 = arith.shrui %add3A_440, %shift_right_logical3A_446 : vector<512x1024xi32>
    %or3A_448 = arith.ori %shift_left3A_444, %shift_right_logical3A_447 : vector<512x1024xi32>
    %xor3A_449 = arith.xori %add3A_441, %or3A_448 : vector<512x1024xi32>
    %add3A_450 = arith.addi %add3A_441, %xor3A_449 : vector<512x1024xi32>
    %shift_left3A_451 = arith.constant 15 : i32
    %shift_left3A_452 = vector.broadcast %shift_left3A_451 : i32 to vector<512x1024xi32>
    %shift_left3A_453 = arith.shli %xor3A_449, %shift_left3A_452 : vector<512x1024xi32>
    %shift_right_logical3A_454 = arith.constant 17 : i32
    %shift_right_logical3A_455 = vector.broadcast %shift_right_logical3A_454 : i32 to vector<512x1024xi32>
    %shift_right_logical3A_456 = arith.shrui %xor3A_449, %shift_right_logical3A_455 : vector<512x1024xi32>
    %or3A_457 = arith.ori %shift_left3A_453, %shift_right_logical3A_456 : vector<512x1024xi32>
    %xor3A_458 = arith.xori %add3A_450, %or3A_457 : vector<512x1024xi32>
    %add3A_459 = arith.addi %add3A_450, %xor3A_458 : vector<512x1024xi32>
    %shift_left3A_460 = arith.constant 26 : i32
    %shift_left3A_461 = vector.broadcast %shift_left3A_460 : i32 to vector<512x1024xi32>
    %shift_left3A_462 = arith.shli %xor3A_458, %shift_left3A_461 : vector<512x1024xi32>
    %shift_right_logical3A_463 = arith.constant 6 : i32
    %shift_right_logical3A_464 = vector.broadcast %shift_right_logical3A_463 : i32 to vector<512x1024xi32>
    %shift_right_logical3A_465 = arith.shrui %xor3A_458, %shift_right_logical3A_464 : vector<512x1024xi32>
    %or3A_466 = arith.ori %shift_left3A_462, %shift_right_logical3A_465 : vector<512x1024xi32>
    %xor3A_467 = arith.xori %add3A_459, %or3A_466 : vector<512x1024xi32>
    %add3A_468 = arith.addi %add3A_459, %xor3A_467 : vector<512x1024xi32>
    %shift_left3A_469 = arith.constant 6 : i32
    %shift_left3A_470 = vector.broadcast %shift_left3A_469 : i32 to vector<512x1024xi32>
    %shift_left3A_471 = arith.shli %xor3A_467, %shift_left3A_470 : vector<512x1024xi32>
    %shift_right_logical3A_472 = arith.constant 26 : i32
    %shift_right_logical3A_473 = vector.broadcast %shift_right_logical3A_472 : i32 to vector<512x1024xi32>
    %shift_right_logical3A_474 = arith.shrui %xor3A_467, %shift_right_logical3A_473 : vector<512x1024xi32>
    %or3A_475 = arith.ori %shift_left3A_471, %shift_right_logical3A_474 : vector<512x1024xi32>
    %xor3A_476 = arith.xori %add3A_468, %or3A_475 : vector<512x1024xi32>
    %add3A_477 = vector.broadcast %select_n3A_344 : vector<512x1xi32> to vector<512x1024xi32>
    %add3A_478 = arith.addi %add3A_468, %add3A_477 : vector<512x1024xi32>
    %add3A_479 = vector.broadcast %select_n3A_350 : vector<512x1xi32> to vector<512x1024xi32>
    %add3A_480 = arith.addi %xor3A_476, %add3A_479 : vector<512x1024xi32>
    %add3A_481 = arith.constant 3 : i32
    %add3A_482 = vector.broadcast %add3A_481 : i32 to vector<512x1024xi32>
    %add3A_483 = arith.addi %add3A_480, %add3A_482 : vector<512x1024xi32>
    %add3A_484 = arith.addi %add3A_478, %add3A_483 : vector<512x1024xi32>
    %shift_left3A_485 = arith.constant 17 : i32
    %shift_left3A_486 = vector.broadcast %shift_left3A_485 : i32 to vector<512x1024xi32>
    %shift_left3A_487 = arith.shli %add3A_483, %shift_left3A_486 : vector<512x1024xi32>
    %shift_right_logical3A_488 = arith.constant 15 : i32
    %shift_right_logical3A_489 = vector.broadcast %shift_right_logical3A_488 : i32 to vector<512x1024xi32>
    %shift_right_logical3A_490 = arith.shrui %add3A_483, %shift_right_logical3A_489 : vector<512x1024xi32>
    %or3A_491 = arith.ori %shift_left3A_487, %shift_right_logical3A_490 : vector<512x1024xi32>
    %xor3A_492 = arith.xori %add3A_484, %or3A_491 : vector<512x1024xi32>
    %add3A_493 = arith.addi %add3A_484, %xor3A_492 : vector<512x1024xi32>
    %shift_left3A_494 = arith.constant 29 : i32
    %shift_left3A_495 = vector.broadcast %shift_left3A_494 : i32 to vector<512x1024xi32>
    %shift_left3A_496 = arith.shli %xor3A_492, %shift_left3A_495 : vector<512x1024xi32>
    %shift_right_logical3A_497 = arith.constant 3 : i32
    %shift_right_logical3A_498 = vector.broadcast %shift_right_logical3A_497 : i32 to vector<512x1024xi32>
    %shift_right_logical3A_499 = arith.shrui %xor3A_492, %shift_right_logical3A_498 : vector<512x1024xi32>
    %or3A_500 = arith.ori %shift_left3A_496, %shift_right_logical3A_499 : vector<512x1024xi32>
    %xor3A_501 = arith.xori %add3A_493, %or3A_500 : vector<512x1024xi32>
    %add3A_502 = arith.addi %add3A_493, %xor3A_501 : vector<512x1024xi32>
    %shift_left3A_503 = arith.constant 16 : i32
    %shift_left3A_504 = vector.broadcast %shift_left3A_503 : i32 to vector<512x1024xi32>
    %shift_left3A_505 = arith.shli %xor3A_501, %shift_left3A_504 : vector<512x1024xi32>
    %shift_right_logical3A_506 = arith.constant 16 : i32
    %shift_right_logical3A_507 = vector.broadcast %shift_right_logical3A_506 : i32 to vector<512x1024xi32>
    %shift_right_logical3A_508 = arith.shrui %xor3A_501, %shift_right_logical3A_507 : vector<512x1024xi32>
    %or3A_509 = arith.ori %shift_left3A_505, %shift_right_logical3A_508 : vector<512x1024xi32>
    %xor3A_510 = arith.xori %add3A_502, %or3A_509 : vector<512x1024xi32>
    %add3A_511 = arith.addi %add3A_502, %xor3A_510 : vector<512x1024xi32>
    %shift_left3A_512 = arith.constant 24 : i32
    %shift_left3A_513 = vector.broadcast %shift_left3A_512 : i32 to vector<512x1024xi32>
    %shift_left3A_514 = arith.shli %xor3A_510, %shift_left3A_513 : vector<512x1024xi32>
    %shift_right_logical3A_515 = arith.constant 8 : i32
    %shift_right_logical3A_516 = vector.broadcast %shift_right_logical3A_515 : i32 to vector<512x1024xi32>
    %shift_right_logical3A_517 = arith.shrui %xor3A_510, %shift_right_logical3A_516 : vector<512x1024xi32>
    %or3A_518 = arith.ori %shift_left3A_514, %shift_right_logical3A_517 : vector<512x1024xi32>
    %xor3A_519 = arith.xori %add3A_511, %or3A_518 : vector<512x1024xi32>
    %add3A_520 = vector.broadcast %select_n3A_350 : vector<512x1xi32> to vector<512x1024xi32>
    %add3A_521 = arith.addi %add3A_511, %add3A_520 : vector<512x1024xi32>
    %add3A_522 = vector.broadcast %xor3A_353 : vector<512x1xi32> to vector<512x1024xi32>
    %add3A_523 = arith.addi %xor3A_519, %add3A_522 : vector<512x1024xi32>
    %add3A_524 = arith.constant 4 : i32
    %add3A_525 = vector.broadcast %add3A_524 : i32 to vector<512x1024xi32>
    %add3A_526 = arith.addi %add3A_523, %add3A_525 : vector<512x1024xi32>
    %add3A_527 = arith.addi %add3A_521, %add3A_526 : vector<512x1024xi32>
    %shift_left3A_528 = arith.constant 13 : i32
    %shift_left3A_529 = vector.broadcast %shift_left3A_528 : i32 to vector<512x1024xi32>
    %shift_left3A_530 = arith.shli %add3A_526, %shift_left3A_529 : vector<512x1024xi32>
    %shift_right_logical3A_531 = arith.constant 19 : i32
    %shift_right_logical3A_532 = vector.broadcast %shift_right_logical3A_531 : i32 to vector<512x1024xi32>
    %shift_right_logical3A_533 = arith.shrui %add3A_526, %shift_right_logical3A_532 : vector<512x1024xi32>
    %or3A_534 = arith.ori %shift_left3A_530, %shift_right_logical3A_533 : vector<512x1024xi32>
    %xor3A_535 = arith.xori %add3A_527, %or3A_534 : vector<512x1024xi32>
    %add3A_536 = arith.addi %add3A_527, %xor3A_535 : vector<512x1024xi32>
    %shift_left3A_537 = arith.constant 15 : i32
    %shift_left3A_538 = vector.broadcast %shift_left3A_537 : i32 to vector<512x1024xi32>
    %shift_left3A_539 = arith.shli %xor3A_535, %shift_left3A_538 : vector<512x1024xi32>
    %shift_right_logical3A_540 = arith.constant 17 : i32
    %shift_right_logical3A_541 = vector.broadcast %shift_right_logical3A_540 : i32 to vector<512x1024xi32>
    %shift_right_logical3A_542 = arith.shrui %xor3A_535, %shift_right_logical3A_541 : vector<512x1024xi32>
    %or3A_543 = arith.ori %shift_left3A_539, %shift_right_logical3A_542 : vector<512x1024xi32>
    %xor3A_544 = arith.xori %add3A_536, %or3A_543 : vector<512x1024xi32>
    %add3A_545 = arith.addi %add3A_536, %xor3A_544 : vector<512x1024xi32>
    %shift_left3A_546 = arith.constant 26 : i32
    %shift_left3A_547 = vector.broadcast %shift_left3A_546 : i32 to vector<512x1024xi32>
    %shift_left3A_548 = arith.shli %xor3A_544, %shift_left3A_547 : vector<512x1024xi32>
    %shift_right_logical3A_549 = arith.constant 6 : i32
    %shift_right_logical3A_550 = vector.broadcast %shift_right_logical3A_549 : i32 to vector<512x1024xi32>
    %shift_right_logical3A_551 = arith.shrui %xor3A_544, %shift_right_logical3A_550 : vector<512x1024xi32>
    %or3A_552 = arith.ori %shift_left3A_548, %shift_right_logical3A_551 : vector<512x1024xi32>
    %xor3A_553 = arith.xori %add3A_545, %or3A_552 : vector<512x1024xi32>
    %add3A_554 = arith.addi %add3A_545, %xor3A_553 : vector<512x1024xi32>
    %shift_left3A_555 = arith.constant 6 : i32
    %shift_left3A_556 = vector.broadcast %shift_left3A_555 : i32 to vector<512x1024xi32>
    %shift_left3A_557 = arith.shli %xor3A_553, %shift_left3A_556 : vector<512x1024xi32>
    %shift_right_logical3A_558 = arith.constant 26 : i32
    %shift_right_logical3A_559 = vector.broadcast %shift_right_logical3A_558 : i32 to vector<512x1024xi32>
    %shift_right_logical3A_560 = arith.shrui %xor3A_553, %shift_right_logical3A_559 : vector<512x1024xi32>
    %or3A_561 = arith.ori %shift_left3A_557, %shift_right_logical3A_560 : vector<512x1024xi32>
    %xor3A_562 = arith.xori %add3A_554, %or3A_561 : vector<512x1024xi32>
    %add3A_563 = vector.broadcast %xor3A_353 : vector<512x1xi32> to vector<512x1024xi32>
    %add3A_564 = arith.addi %add3A_554, %add3A_563 : vector<512x1024xi32>
    %add3A_565 = vector.broadcast %select_n3A_344 : vector<512x1xi32> to vector<512x1024xi32>
    %add3A_566 = arith.addi %xor3A_562, %add3A_565 : vector<512x1024xi32>
    %add3A_567 = arith.constant 5 : i32
    %add3A_568 = vector.broadcast %add3A_567 : i32 to vector<512x1024xi32>
    %add3A_569 = arith.addi %add3A_566, %add3A_568 : vector<512x1024xi32>
    %xor3A_570 = arith.xori %add3A_564, %add3A_569 : vector<512x1024xi32>
    %shift_right_logical3A_571 = arith.constant 9 : i32
    %shift_right_logical3A_572 = vector.broadcast %shift_right_logical3A_571 : i32 to vector<512x1024xi32>
    %shift_right_logical3A_573 = arith.shrui %xor3A_570, %shift_right_logical3A_572 : vector<512x1024xi32>
    %or3A_574 = arith.constant 1065353216 : i32
    %or3A_575 = vector.broadcast %or3A_574 : i32 to vector<512x1024xi32>
    %or3A_576 = arith.ori %shift_right_logical3A_573, %or3A_575 : vector<512x1024xi32>
    %bitcast_convert_type3A = tpu.bitcast %or3A_576 : vector<512x1024xi32> -> vector<512x1024xf32>
    %sub3A = arith.constant 1.000000e+00 : f32
    %sub3A_577 = vector.broadcast %sub3A : f32 to vector<512x1024xf32>
    %sub3A_578 = arith.subf %bitcast_convert_type3A, %sub3A_577 : vector<512x1024xf32>
    %add3A_579 = arith.constant 1.17549435E-38 : f32
    %add3A_580 = vector.broadcast %add3A_579 : f32 to vector<512x1024xf32>
    %add3A_581 = arith.addf %sub3A_578, %add3A_580 : vector<512x1024xf32>
    %max3A = arith.constant 1.17549435E-38 : f32
    %max3A_582 = vector.broadcast %max3A : f32 to vector<512x1024xf32>
    %max3A_583 = arith.maximumf %max3A_582, %add3A_581 : vector<512x1024xf32>
    %log3A = math.log %max3A_583 : vector<512x1024xf32>
    %neg3A = arith.constant 0.000000e+00 : f32
    %neg3A_584 = vector.broadcast %neg3A : f32 to vector<512x1024xf32>
    %neg3A_585 = arith.subf %neg3A_584, %log3A : vector<512x1024xf32>
    %log3A_586 = math.log %neg3A_585 : vector<512x1024xf32>
    %neg3A_587 = arith.constant 0.000000e+00 : f32
    %neg3A_588 = vector.broadcast %neg3A_587 : f32 to vector<512x1024xf32>
    %neg3A_589 = arith.subf %neg3A_588, %log3A_586 : vector<512x1024xf32>
    %swap3A_590 = arith.constant 0 : index
    %swap3A_591 = arith.constant 0 : index
    %swap3A_592 = vector.load %arg11[%swap3A_590, %swap3A_591] : memref<512x1024xf32, #tpu.memory_space<vmem>>, vector<512x1024xf32>
    tpu.vector_store %arg11[%swap3A_590, %swap3A_591], %neg3A_589 {strides = array<i32>} : memref<512x1024xf32, #tpu.memory_space<vmem>>, vector<512x1024xf32>,
    return
  }
  func.func @transform_0(%arg0: i32) -> (i32, i32) {
    %c0_i32 = arith.constant 0 : i32
    %c0_i32_0 = arith.constant 0 : i32
    return %arg0, %c0_i32 : i32, i32
  }
  func.func @transform_1(%arg0: i32) -> (i32, i32) {
    %c0_i32 = arith.constant 0 : i32
    %c0_i32_0 = arith.constant 0 : i32
    return %arg0, %c0_i32 : i32, i32
  }
  func.func @transform_2(%arg0: i32) -> (i32, i32) {
    %c0_i32 = arith.constant 0 : i32
    %c0_i32_0 = arith.constant 0 : i32
    return %arg0, %c0_i32 : i32, i32
  }
  func.func @transform_3(%arg0: i32) -> (i32, i32) {
    %c0_i32 = arith.constant 0 : i32
    %c0_i32_0 = arith.constant 0 : i32
    return %arg0, %c0_i32 : i32, i32
  }
  func.func @transform_4(%arg0: i32) -> (i32, i32) {
    %c0_i32 = arith.constant 0 : i32
    %c0_i32_0 = arith.constant 0 : i32
    %c0_i32_1 = arith.constant 0 : i32
    return %c0_i32, %c0_i32_0 : i32, i32
  }
  func.func @transform_5(%arg0: i32) -> (i32, i32) {
    %c0_i32 = arith.constant 0 : i32
    %c0_i32_0 = arith.constant 0 : i32
    %c0_i32_1 = arith.constant 0 : i32
    return %c0_i32, %c0_i32_0 : i32, i32
  }
  func.func @transform_6(%arg0: i32) -> (i32, i32) {
    %c0_i32 = arith.constant 0 : i32
    %c0_i32_0 = arith.constant 0 : i32
    %c0_i32_1 = arith.constant 0 : i32
    return %c0_i32, %c0_i32_0 : i32, i32
  }
  func.func @transform_7(%arg0: i32) -> (i32, i32) {
    %c0_i32 = arith.constant 0 : i32
    %c0_i32_0 = arith.constant 0 : i32
    %c0_i32_1 = arith.constant 0 : i32
    return %c0_i32, %c0_i32_0 : i32, i32
  }
  func.func @transform_8(%arg0: i32) -> (i32, i32) {
    %c0_i32 = arith.constant 0 : i32
    %c0_i32_0 = arith.constant 0 : i32
    return %arg0, %c0_i32 : i32, i32
  }
  func.func @transform_9(%arg0: i32) -> (i32, i32) {
    %c0_i32 = arith.constant 0 : i32
    %c0_i32_0 = arith.constant 0 : i32
    return %arg0, %c0_i32 : i32, i32
  }
  func.func @transform_10(%arg0: i32) -> (i32, i32) {
    %c0_i32 = arith.constant 0 : i32
    %c0_i32_0 = arith.constant 0 : i32
    return %arg0, %c0_i32 : i32, i32
  }
}

module attributes {stable_mosaic.version = 14 : i64} {
  func.func @_decode_body(%arg0: i32, %arg1: memref<47xi32, #tpu.memory_space<smem>>, %arg2: memref<47xi32, #tpu.memory_space<smem>>, %arg3: memref<47xi32, #tpu.memory_space<smem>>, %arg4: memref<47xi32, #tpu.memory_space<smem>>, %arg5: memref<256x1024xf32, #tpu.memory_space<vmem>>, %arg6: memref<256x1024xf32, #tpu.memory_space<vmem>>, %arg7: memref<1x1024x1024xf32, #tpu.memory_space<vmem>>, %arg8: memref<1x1x1024xf32, #tpu.memory_space<vmem>>, %arg9: memref<1024x256xf32, #tpu.memory_space<vmem>>, %arg10: memref<1x256xf32, #tpu.memory_space<vmem>>, %arg11: memref<256x1xi32, #tpu.memory_space<vmem>>, %arg12: memref<256x1xi32, #tpu.memory_space<vmem>>, %arg13: memref<256x384xf32, #tpu.memory_space<vmem>>, %arg14: memref<1x1xf32, #tpu.memory_space<vmem>>) attributes {dimension_semantics = [#tpu.dimension_semantics<arbitrary>], iteration_bounds = array<i64: 47>, scalar_prefetch = 4 : i64, scratch_operands = 0 : i64, tpu.core_type = #tpu.core_type<tc>, window_params = [{transform_indices = @transform_0, window_bounds = array<i64: 256, 1024>}, {transform_indices = @transform_1, window_bounds = array<i64: 256, 1024>}, {transform_indices = @transform_2, window_bounds = array<i64: 1, 1024, 1024>}, {transform_indices = @transform_3, window_bounds = array<i64: 1, 1, 1024>}, {transform_indices = @transform_4, window_bounds = array<i64: 1024, 256>}, {pipeline_mode = #tpu.pipeline_mode<synchronous>, transform_indices = @transform_5, window_bounds = array<i64: 1, 256>}, {transform_indices = @transform_6, window_bounds = array<i64: 256, 1>}, {transform_indices = @transform_7, window_bounds = array<i64: 256, 1>}, {transform_indices = @transform_8, window_bounds = array<i64: 256, 384>}, {pipeline_mode = #tpu.pipeline_mode<synchronous>, transform_indices = @transform_9, window_bounds = array<i64: 1, 1>}]} {
    %get3A = arith.index_cast %arg0 : i32 to index
    %get3A_0 = memref.load %arg1[%get3A] : memref<47xi32, #tpu.memory_space<smem>>
    %get3A_1 = arith.index_cast %arg0 : i32 to index
    %get3A_2 = memref.load %arg3[%get3A_1] : memref<47xi32, #tpu.memory_space<smem>>
    %get3A_3 = arith.index_cast %arg0 : i32 to index
    %get3A_4 = memref.load %arg4[%get3A_3] : memref<47xi32, #tpu.memory_space<smem>>
    %get3A_5 = arith.constant 0 : index
    %get3A_6 = arith.constant 0 : index
    %get3A_7 = vector.load %arg5[%get3A_5, %get3A_6] : memref<256x1024xf32, #tpu.memory_space<vmem>>, vector<256x1024xf32>
    %get3A_8 = arith.constant 0 : index
    %get3A_9 = arith.constant 0 : index
    %get3A_10 = arith.constant 0 : index
    %get3A_11 = vector.load %arg7[%get3A_8, %get3A_9, %get3A_10] : memref<1x1024x1024xf32, #tpu.memory_space<vmem>>, vector<1x1024x1024xf32>
    %get3A_12 = vector.shape_cast %get3A_11 : vector<1x1024x1024xf32> to vector<1024x1024xf32>
    %dot_general3A = arith.constant dense<0.000000e+00> : vector<256x1024xf32>
    %dot_general3A_13 = tpu.matmul %get3A_7, %get3A_12, %dot_general3A {dimension_numbers = #tpu.dot_dimension_numbers<[1], [0], [0], [1], [0, 0, 1, 1], [], []>, transpose_lhs_hint = false} : vector<256x1024xf32>, vector<1024x1024xf32>, vector<256x1024xf32> -> vector<256x1024xf32>
    %get3A_14 = arith.constant 0 : index
    %get3A_15 = arith.constant 0 : index
    %get3A_16 = arith.constant 0 : index
    %get3A_17 = vector.load %arg8[%get3A_14, %get3A_15, %get3A_16] : memref<1x1x1024xf32, #tpu.memory_space<vmem>>, vector<1x1x1024xf32>
    %get3A_18 = vector.shape_cast %get3A_17 : vector<1x1x1024xf32> to vector<1x1024xf32>
    %add3A = vector.broadcast %get3A_18 : vector<1x1024xf32> to vector<256x1024xf32>
    %add3A_19 = arith.addf %dot_general3A_13, %add3A : vector<256x1024xf32>
    %get3A_20 = arith.constant 0 : index
    %get3A_21 = arith.constant 0 : index
    %get3A_22 = vector.load %arg11[%get3A_20, %get3A_21] : memref<256x1xi32, #tpu.memory_space<vmem>>, vector<256x1xi32>
    %eq3A = vector.broadcast %get3A_0 : i32 to vector<256x1xi32>
    %eq3A_23 = arith.cmpi eq, %get3A_22, %eq3A : vector<256x1xi32>
    %eq3A_24 = arith.constant 1 : i32
    %eq3A_25 = arith.cmpi eq, %get3A_4, %eq3A_24 : i32
    %and3A = vector.broadcast %eq3A_25 : i1 to vector<256x1xi1>
    %and3A_26 = arith.andi %eq3A_23, %and3A : vector<256x1xi1>
    %reduce_max3A = arith.constant dense<0xFF800000> : vector<256xf32>
    %reduce_max3A_27 = vector.multi_reduction <maximumf>, %add3A_19, %reduce_max3A [1] : vector<256x1024xf32> to vector<256xf32>
    %broadcast_in_dim3A = vector.shape_cast %reduce_max3A_27 : vector<256xf32> to vector<256x1xf32>
    %sub3A = vector.broadcast %broadcast_in_dim3A : vector<256x1xf32> to vector<256x1024xf32>
    %sub3A_28 = arith.subf %add3A_19, %sub3A : vector<256x1024xf32>
    %exp3A = math.exp %sub3A_28 : vector<256x1024xf32>
    %reduce_sum3A = arith.constant dense<0.000000e+00> : vector<256xf32>
    %reduce_sum3A_29 = vector.multi_reduction <add>, %exp3A, %reduce_sum3A [1] : vector<256x1024xf32> to vector<256xf32>
    %broadcast_in_dim3A_30 = vector.shape_cast %reduce_sum3A_29 : vector<256xf32> to vector<256x1xf32>
    %sub3A_31 = vector.broadcast %broadcast_in_dim3A : vector<256x1xf32> to vector<256x1024xf32>
    %sub3A_32 = arith.subf %add3A_19, %sub3A_31 : vector<256x1024xf32>
    %log3A = math.log %broadcast_in_dim3A_30 : vector<256x1xf32>
    %sub3A_33 = vector.broadcast %log3A : vector<256x1xf32> to vector<256x1024xf32>
    %sub3A_34 = arith.subf %sub3A_32, %sub3A_33 : vector<256x1024xf32>
    %div3A = vector.broadcast %broadcast_in_dim3A_30 : vector<256x1xf32> to vector<256x1024xf32>
    %div3A_35 = arith.divf %exp3A, %div3A : vector<256x1024xf32>
    %neg3A = arith.constant 0.000000e+00 : f32
    %neg3A_36 = vector.broadcast %neg3A : f32 to vector<256x1024xf32>
    %neg3A_37 = arith.subf %neg3A_36, %sub3A_34 : vector<256x1024xf32>
    %mul3A = arith.mulf %neg3A_37, %div3A_35 : vector<256x1024xf32>
    %reduce_sum3A_38 = arith.constant dense<0.000000e+00> : vector<256xf32>
    %reduce_sum3A_39 = vector.multi_reduction <add>, %mul3A, %reduce_sum3A_38 [1] : vector<256x1024xf32> to vector<256xf32>
    %broadcast_in_dim3A_40 = vector.shape_cast %reduce_sum3A_39 : vector<256xf32> to vector<256x1xf32>
    %jit3A = arith.constant 0.000000e+00 : f32
    %broadcast_in_dim3A_41 = vector.broadcast %jit3A : f32 to vector<256x1xf32>
    %select_n3A = arith.select %and3A_26, %broadcast_in_dim3A_40, %broadcast_in_dim3A_41 : vector<256x1xi1>, vector<256x1xf32>
    %reduce_sum3A_42 = vector.shape_cast %select_n3A : vector<256x1xf32> to vector<1x256x1xf32>
    %reduce_sum3A_43 = arith.constant dense<0.000000e+00> : vector<1xf32>
    %reduce_sum3A_44 = vector.multi_reduction <add>, %reduce_sum3A_42, %reduce_sum3A_43 [1, 2] : vector<1x256x1xf32> to vector<1xf32>
    %reduce_sum3A_45 = vector.shape_cast %reduce_sum3A_44 : vector<1xf32> to vector<1x1x1xf32>
    %reduce_sum3A_46 = vector.extract %reduce_sum3A_45[0, 0, 0] : f32 from vector<1x1x1xf32>
    %eq3A_47 = arith.constant 0 : i32
    %eq3A_48 = arith.cmpi eq, %arg0, %eq3A_47 : i32
    %convert_element_type3A = arith.extui %eq3A_48 : i1 to i32
    %cond3A = arith.constant 0 : i32
    %cond3A_49 = arith.cmpi ne, %convert_element_type3A, %cond3A : i32
    scf.if %cond3A_49 {
      %broadcast_in_dim3A_126 = arith.constant 0.000000e+00 : f32
      %broadcast_in_dim3A_127 = vector.broadcast %broadcast_in_dim3A_126 : f32 to vector<1x1xf32>
      %swap3A_128 = arith.constant 0 : index
      %swap3A_129 = arith.constant 0 : index
      %swap3A_130 = vector.load %arg14[%swap3A_128, %swap3A_129] : memref<1x1xf32, #tpu.memory_space<vmem>>, vector<1x1xf32>
      tpu.vector_store %arg14[%swap3A_128, %swap3A_129], %broadcast_in_dim3A_127 {strides = array<i32>} : memref<1x1xf32, #tpu.memory_space<vmem>>, vector<1x1xf32>,
    } else {
    }
    %get3A_50 = arith.constant 0 : index
    %get3A_51 = arith.constant 0 : index
    %get3A_52 = vector.load %arg14[%get3A_50, %get3A_51] : memref<1x1xf32, #tpu.memory_space<vmem>>, vector<1x1xf32>
    %mul3A_53 = arith.constant -1.19209287E-9 : f32
    %mul3A_54 = arith.mulf %reduce_sum3A_46, %mul3A_53 : f32
    %reshape3A = vector.broadcast %mul3A_54 : f32 to vector<1x1xf32>
    %add3A_55 = arith.addf %get3A_52, %reshape3A : vector<1x1xf32>
    %swap3A = arith.constant 0 : index
    %swap3A_56 = arith.constant 0 : index
    %swap3A_57 = vector.load %arg14[%swap3A, %swap3A_56] : memref<1x1xf32, #tpu.memory_space<vmem>>, vector<1x1xf32>
    tpu.vector_store %arg14[%swap3A, %swap3A_56], %add3A_55 {strides = array<i32>} : memref<1x1xf32, #tpu.memory_space<vmem>>, vector<1x1xf32>,
    %get3A_58 = arith.constant 0 : index
    %get3A_59 = arith.constant 0 : index
    %get3A_60 = vector.load %arg6[%get3A_58, %get3A_59] : memref<256x1024xf32, #tpu.memory_space<vmem>>, vector<256x1024xf32>
    %add3A_61 = arith.addf %add3A_19, %get3A_60 : vector<256x1024xf32>
    %reduce_max3A_62 = arith.constant dense<0xFF800000> : vector<256xf32>
    %reduce_max3A_63 = vector.multi_reduction <maximumf>, %add3A_61, %reduce_max3A_62 [1] : vector<256x1024xf32> to vector<256xf32>
    %broadcast_in_dim3A_64 = vector.shape_cast %reduce_max3A_63 : vector<256xf32> to vector<256x1xf32>
    %sub3A_65 = vector.broadcast %broadcast_in_dim3A_64 : vector<256x1xf32> to vector<256x1024xf32>
    %sub3A_66 = arith.subf %add3A_61, %sub3A_65 : vector<256x1024xf32>
    %exp3A_67 = math.exp %sub3A_66 : vector<256x1024xf32>
    %reduce_sum3A_68 = arith.constant dense<0.000000e+00> : vector<256xf32>
    %reduce_sum3A_69 = vector.multi_reduction <add>, %exp3A_67, %reduce_sum3A_68 [1] : vector<256x1024xf32> to vector<256xf32>
    %broadcast_in_dim3A_70 = vector.shape_cast %reduce_sum3A_69 : vector<256xf32> to vector<256x1xf32>
    %div3A_71 = vector.broadcast %broadcast_in_dim3A_70 : vector<256x1xf32> to vector<256x1024xf32>
    %div3A_72 = arith.divf %exp3A_67, %div3A_71 : vector<256x1024xf32>
    %get3A_73 = arith.constant 0 : index
    %get3A_74 = arith.constant 0 : index
    %get3A_75 = vector.load %arg9[%get3A_73, %get3A_74] : memref<1024x256xf32, #tpu.memory_space<vmem>>, vector<1024x256xf32>
    %dot_general3A_76 = arith.constant dense<0.000000e+00> : vector<256x256xf32>
    %dot_general3A_77 = tpu.matmul %div3A_72, %get3A_75, %dot_general3A_76 {dimension_numbers = #tpu.dot_dimension_numbers<[1], [0], [0], [1], [0, 0, 1, 1], [], []>, transpose_lhs_hint = false} : vector<256x1024xf32>, vector<1024x256xf32>, vector<256x256xf32> -> vector<256x256xf32>
    %iota3A = tpu.iota {dimensions = array<i32: 1>} : vector<256x1024xi32>
    %reduce_max3A_78 = arith.constant dense<0xFF800000> : vector<256xf32>
    %reduce_max3A_79 = vector.multi_reduction <maximumf>, %div3A_72, %reduce_max3A_78 [1] : vector<256x1024xf32> to vector<256xf32>
    %broadcast_in_dim3A_80 = vector.shape_cast %reduce_max3A_79 : vector<256xf32> to vector<256x1xf32>
    %eq3A_81 = vector.broadcast %broadcast_in_dim3A_80 : vector<256x1xf32> to vector<256x1024xf32>
    %eq3A_82 = arith.cmpf oeq, %div3A_72, %eq3A_81 : vector<256x1024xf32>
    %jit3A_83 = arith.constant 1024 : i32
    %broadcast_in_dim3A_84 = vector.broadcast %jit3A_83 : i32 to vector<256x1024xi32>
    %select_n3A_85 = arith.select %eq3A_82, %iota3A, %broadcast_in_dim3A_84 : vector<256x1024xi1>, vector<256x1024xi32>
    %reduce_min3A = arith.constant dense<2147483647> : vector<256xi32>
    %reduce_min3A_86 = vector.multi_reduction <minsi>, %select_n3A_85, %reduce_min3A [1] : vector<256x1024xi32> to vector<256xi32>
    %broadcast_in_dim3A_87 = vector.shape_cast %reduce_min3A_86 : vector<256xi32> to vector<256x1xi32>
    %mul3A_88 = arith.constant 1024 : i32
    %mul3A_89 = arith.muli %get3A_0, %mul3A_88 : i32
    %add3A_90 = vector.broadcast %mul3A_89 : i32 to vector<256x1xi32>
    %add3A_91 = arith.addi %broadcast_in_dim3A_87, %add3A_90 : vector<256x1xi32>
    %get3A_92 = arith.constant 0 : index
    %get3A_93 = arith.constant 0 : index
    %get3A_94 = vector.load %arg12[%get3A_92, %get3A_93] : memref<256x1xi32, #tpu.memory_space<vmem>>, vector<256x1xi32>
    %eq3A_95 = arith.cmpi eq, %add3A_91, %get3A_94 : vector<256x1xi32>
    %and3A_96 = arith.andi %eq3A_95, %and3A_26 : vector<256x1xi1>
    %jit3A_97 = arith.constant 0 : i32
    %broadcast_in_dim3A_98 = vector.broadcast %jit3A_97 : i32 to vector<256x1xi32>
    %select_n3A_99 = arith.select %and3A_96, %broadcast_in_dim3A_98, %add3A_91 : vector<256x1xi1>, vector<256x1xi32>
    %get3A_100 = arith.constant 0 : index
    %get3A_101 = arith.constant 0 : index
    %get3A_102 = vector.load %arg10[%get3A_100, %get3A_101] : memref<1x256xf32, #tpu.memory_space<vmem>>, vector<1x256xf32>
    %broadcast_in_dim3A_103 = vector.shape_cast %and3A_96 : vector<256x1xi1> to vector<256x1xi1>
    %broadcast_in_dim3A_104 = vector.broadcast %broadcast_in_dim3A_103 : vector<256x1xi1> to vector<256x256xi1>
    %broadcast_in_dim3A_105 = vector.shape_cast %get3A_102 : vector<1x256xf32> to vector<1x256xf32>
    %broadcast_in_dim3A_106 = vector.broadcast %broadcast_in_dim3A_105 : vector<1x256xf32> to vector<256x256xf32>
    %select_n3A_107 = arith.select %broadcast_in_dim3A_104, %broadcast_in_dim3A_106, %dot_general3A_77 : vector<256x256xi1>, vector<256x256xf32>
    %convert_element_type3A_108 = arith.sitofp %select_n3A_99 : vector<256x1xi32> to vector<256x1xf32>
    %broadcast_in_dim3A_109 = vector.shape_cast %convert_element_type3A_108 : vector<256x1xf32> to vector<256x1xf32>
    %broadcast_in_dim3A_110 = vector.broadcast %broadcast_in_dim3A_109 : vector<256x1xf32> to vector<256x128xf32>
    %concatenate3A = tpu.concatenate %select_n3A_107, %broadcast_in_dim3A_110 in 1 : vector<256x256xf32>, vector<256x128xf32> -> vector<256x384xf32>
    %jit3A_111 = arith.constant 0.000000e+00 : f32
    %broadcast_in_dim3A_112 = vector.shape_cast %and3A_26 : vector<256x1xi1> to vector<256x1xi1>
    %broadcast_in_dim3A_113 = vector.broadcast %broadcast_in_dim3A_112 : vector<256x1xi1> to vector<256x384xi1>
    %broadcast_in_dim3A_114 = vector.broadcast %jit3A_111 : f32 to vector<256x384xf32>
    %select_n3A_115 = arith.select %broadcast_in_dim3A_113, %concatenate3A, %broadcast_in_dim3A_114 : vector<256x384xi1>, vector<256x384xf32>
    %eq3A_116 = arith.constant 1 : i32
    %eq3A_117 = arith.cmpi eq, %get3A_2, %eq3A_116 : i32
    %convert_element_type3A_118 = arith.extui %eq3A_117 : i1 to i32
    %cond3A_119 = arith.constant 0 : i32
    %cond3A_120 = arith.cmpi ne, %convert_element_type3A_118, %cond3A_119 : i32
    scf.if %cond3A_120 {
      %swap3A_126 = arith.constant 0 : index
      %swap3A_127 = arith.constant 0 : index
      %swap3A_128 = vector.load %arg13[%swap3A_126, %swap3A_127] : memref<256x384xf32, #tpu.memory_space<vmem>>, vector<256x384xf32>
      tpu.vector_store %arg13[%swap3A_126, %swap3A_127], %select_n3A_115 {strides = array<i32>} : memref<256x384xf32, #tpu.memory_space<vmem>>, vector<256x384xf32>,
    } else {
    }
    %eq3A_121 = arith.constant 0 : i32
    %eq3A_122 = arith.cmpi eq, %get3A_2, %eq3A_121 : i32
    %convert_element_type3A_123 = arith.extui %eq3A_122 : i1 to i32
    %cond3A_124 = arith.constant 0 : i32
    %cond3A_125 = arith.cmpi ne, %convert_element_type3A_123, %cond3A_124 : i32
    scf.if %cond3A_125 {
      %get3A_126 = arith.constant 0 : index
      %get3A_127 = arith.constant 0 : index
      %get3A_128 = vector.load %arg13[%get3A_126, %get3A_127] : memref<256x384xf32, #tpu.memory_space<vmem>>, vector<256x384xf32>
      %add3A_129 = arith.addf %get3A_128, %select_n3A_115 : vector<256x384xf32>
      %swap3A_130 = arith.constant 0 : index
      %swap3A_131 = arith.constant 0 : index
      %swap3A_132 = vector.load %arg13[%swap3A_130, %swap3A_131] : memref<256x384xf32, #tpu.memory_space<vmem>>, vector<256x384xf32>
      tpu.vector_store %arg13[%swap3A_130, %swap3A_131], %add3A_129 {strides = array<i32>} : memref<256x384xf32, #tpu.memory_space<vmem>>, vector<256x384xf32>,
    } else {
    }
    return
  }
  func.func @transform_0(%arg0: i32, %arg1: memref<47xi32, #tpu.memory_space<smem>>, %arg2: memref<47xi32, #tpu.memory_space<smem>>, %arg3: memref<47xi32, #tpu.memory_space<smem>>, %arg4: memref<47xi32, #tpu.memory_space<smem>>) -> (i32, i32) {
    %get3A = arith.index_cast %arg0 : i32 to index
    %get3A_0 = memref.load %arg2[%get3A] : memref<47xi32, #tpu.memory_space<smem>>
    %c0_i32 = arith.constant 0 : i32
    %c0_i32_1 = arith.constant 0 : i32
    return %get3A_0, %c0_i32 : i32, i32
  }
  func.func @transform_1(%arg0: i32, %arg1: memref<47xi32, #tpu.memory_space<smem>>, %arg2: memref<47xi32, #tpu.memory_space<smem>>, %arg3: memref<47xi32, #tpu.memory_space<smem>>, %arg4: memref<47xi32, #tpu.memory_space<smem>>) -> (i32, i32) {
    %get3A = arith.index_cast %arg0 : i32 to index
    %get3A_0 = memref.load %arg2[%get3A] : memref<47xi32, #tpu.memory_space<smem>>
    %c0_i32 = arith.constant 0 : i32
    %c0_i32_1 = arith.constant 0 : i32
    return %get3A_0, %c0_i32 : i32, i32
  }
  func.func @transform_2(%arg0: i32, %arg1: memref<47xi32, #tpu.memory_space<smem>>, %arg2: memref<47xi32, #tpu.memory_space<smem>>, %arg3: memref<47xi32, #tpu.memory_space<smem>>, %arg4: memref<47xi32, #tpu.memory_space<smem>>) -> (i32, i32, i32) {
    %get3A = arith.index_cast %arg0 : i32 to index
    %get3A_0 = memref.load %arg1[%get3A] : memref<47xi32, #tpu.memory_space<smem>>
    %c0_i32 = arith.constant 0 : i32
    %c0_i32_1 = arith.constant 0 : i32
    %c0_i32_2 = arith.constant 0 : i32
    return %get3A_0, %c0_i32, %c0_i32_1 : i32, i32, i32
  }
  func.func @transform_3(%arg0: i32, %arg1: memref<47xi32, #tpu.memory_space<smem>>, %arg2: memref<47xi32, #tpu.memory_space<smem>>, %arg3: memref<47xi32, #tpu.memory_space<smem>>, %arg4: memref<47xi32, #tpu.memory_space<smem>>) -> (i32, i32, i32) {
    %get3A = arith.index_cast %arg0 : i32 to index
    %get3A_0 = memref.load %arg1[%get3A] : memref<47xi32, #tpu.memory_space<smem>>
    %c0_i32 = arith.constant 0 : i32
    %c0_i32_1 = arith.constant 0 : i32
    %c0_i32_2 = arith.constant 0 : i32
    return %get3A_0, %c0_i32, %c0_i32_1 : i32, i32, i32
  }
  func.func @transform_4(%arg0: i32, %arg1: memref<47xi32, #tpu.memory_space<smem>>, %arg2: memref<47xi32, #tpu.memory_space<smem>>, %arg3: memref<47xi32, #tpu.memory_space<smem>>, %arg4: memref<47xi32, #tpu.memory_space<smem>>) -> (i32, i32) {
    %get3A = arith.index_cast %arg0 : i32 to index
    %get3A_0 = memref.load %arg1[%get3A] : memref<47xi32, #tpu.memory_space<smem>>
    %c0_i32 = arith.constant 0 : i32
    %c0_i32_1 = arith.constant 0 : i32
    return %get3A_0, %c0_i32 : i32, i32
  }
  func.func @transform_5(%arg0: i32, %arg1: memref<47xi32, #tpu.memory_space<smem>>, %arg2: memref<47xi32, #tpu.memory_space<smem>>, %arg3: memref<47xi32, #tpu.memory_space<smem>>, %arg4: memref<47xi32, #tpu.memory_space<smem>>) -> (i32, i32) {
    %c0_i32 = arith.constant 0 : i32
    %c0_i32_0 = arith.constant 0 : i32
    %c0_i32_1 = arith.constant 0 : i32
    return %c0_i32, %c0_i32_0 : i32, i32
  }
  func.func @transform_6(%arg0: i32, %arg1: memref<47xi32, #tpu.memory_space<smem>>, %arg2: memref<47xi32, #tpu.memory_space<smem>>, %arg3: memref<47xi32, #tpu.memory_space<smem>>, %arg4: memref<47xi32, #tpu.memory_space<smem>>) -> (i32, i32) {
    %get3A = arith.index_cast %arg0 : i32 to index
    %get3A_0 = memref.load %arg2[%get3A] : memref<47xi32, #tpu.memory_space<smem>>
    %c0_i32 = arith.constant 0 : i32
    %c0_i32_1 = arith.constant 0 : i32
    return %get3A_0, %c0_i32 : i32, i32
  }
  func.func @transform_7(%arg0: i32, %arg1: memref<47xi32, #tpu.memory_space<smem>>, %arg2: memref<47xi32, #tpu.memory_space<smem>>, %arg3: memref<47xi32, #tpu.memory_space<smem>>, %arg4: memref<47xi32, #tpu.memory_space<smem>>) -> (i32, i32) {
    %get3A = arith.index_cast %arg0 : i32 to index
    %get3A_0 = memref.load %arg2[%get3A] : memref<47xi32, #tpu.memory_space<smem>>
    %c0_i32 = arith.constant 0 : i32
    %c0_i32_1 = arith.constant 0 : i32
    return %get3A_0, %c0_i32 : i32, i32
  }
  func.func @transform_8(%arg0: i32, %arg1: memref<47xi32, #tpu.memory_space<smem>>, %arg2: memref<47xi32, #tpu.memory_space<smem>>, %arg3: memref<47xi32, #tpu.memory_space<smem>>, %arg4: memref<47xi32, #tpu.memory_space<smem>>) -> (i32, i32) {
    %get3A = arith.index_cast %arg0 : i32 to index
    %get3A_0 = memref.load %arg2[%get3A] : memref<47xi32, #tpu.memory_space<smem>>
    %c0_i32 = arith.constant 0 : i32
    %c0_i32_1 = arith.constant 0 : i32
    return %get3A_0, %c0_i32 : i32, i32
  }
  func.func @transform_9(%arg0: i32, %arg1: memref<47xi32, #tpu.memory_space<smem>>, %arg2: memref<47xi32, #tpu.memory_space<smem>>, %arg3: memref<47xi32, #tpu.memory_space<smem>>, %arg4: memref<47xi32, #tpu.memory_space<smem>>) -> (i32, i32) {
    %c0_i32 = arith.constant 0 : i32
    %c0_i32_0 = arith.constant 0 : i32
    %c0_i32_1 = arith.constant 0 : i32
    return %c0_i32, %c0_i32_0 : i32, i32
  }
}

</mosaic_0001>

<sc_bundles>
// kernel: gather_offload_async_start.1
scs
__scs_entry_jumppad:
0x0: {  	(pc) =	sbr.rel $0x88, $3  }
0x1: {  	(tag) =	ssettag $0x0;
	lr =	simm.s32 $0x1  }
0x2: {  	[smem:$0x3F95] =	sst lr;
	_ =	strace $0xD0000000  }
0x3: {  	_ = 	snop  }
0x4: {  	_ = 	snop  }
0x5: {  	_ = 	snop  }
0x6: {  	_ = 	snop  }
0x7: {  	_ = 	snop  }
__scs_overlays_trampoline_lowered:
0x8: {  	[smem:$0x3FA4] =	sst s0  }
0x9: {  	[smem:$0x3FA5] =	sst s1  }
0xa: {  	[smem:$0x3FA6] =	sst s2  }
0xb: {  	[smem:$0x3FA7] =	sst s3  }
0xc: {  	[smem:$0x3FA8] =	sst s4  }
0xd: {  	[smem:$0x3FA9] =	sst s5  }
0xe: {  	[smem:$0x3FAA] =	sst s6  }
0xf: {  	[smem:$0x3FAB] =	sst s7  }
0x10: {  	[smem:$0x3FAC] =	sst s8  }
0x11: {  	[smem:$0x3FAD] =	sst s9;
	s0 =	simm.s32 @!p0 $0x0  }
0x12: {  	s1 =	sld [smem:$0x3F93];
	s0 =	simm.s32 @p0 $0x1  }
0x13: {  	[smem:$0x3FAE] =	sst s0;
	s0 =	simm.s32 @!p1 $0x0  }
0x14: {  	s2 =	sld [smem:$0x3F92];
	s0 =	simm.s32 @p1 $0x1  }
0x15: {  	[smem:$0x3FAF] =	sst s0;
	s0 =	simm.s32 @!p2 $0x0  }
0x16: {  	s3 =	sld [smem:$0x3FDB];
	s0 =	simm.s32 @p2 $0x1  }
0x17: {  	s4 =	simm.s32 $0x1BF5;
	[smem:$0x3FB1] =	sst s0  }
0x18: {  	s0 =	sld [smem:$0x3F94];
	_ =	swait.ge [sflag:s4], $0x0  }
0x19: {  	s7 =	sld [smem:$0x3F95]  }
0x1a: {  	s8 =	sadd.s32 $0xFFFFE003, lr  }
0x1b: {  	s9 =	sadd.s32 $0xFFFFFEF7, lr;
	s5 =	simm.s32 $0xFFFFFFFF;
	p2 =	slt.u32 s8, $0xFFFFF086  }
0x1c: {  	p1 =	slt.u32 s9, $0xF7A;
	s5 =	simm.s32 @!p2 $0x0  }
0x1d: {  	s5 =	simm.s32 @p1 $0x1;
	p0 =	seq.s32 s7, s2  }
0x1e: {  	s7 =	smul.u32 @!p0 $0xF7A, s2;
	p2 =	seq.s32 @!p0 s5, $0x0  }
0x1f: {  	s9 =	smul.u32 $0xF7A, s1;
	s8 =	simm.s32 @!p0 $0x1BF5;
	p2 =	por !p2, p0  }
0x20: {  	[sflag:s8] =	ssyncset.s32 @!p0 $0xFFFFF086;
	s6 =	sadd.s32 @!p0 s3, s7;
	s7 =	simm.s32 @!p0 $0x108  }
0x21: {  	s3 =	sadd.s32 s3, s9;
	s6 =	sadd.s32 @!p0 $0x88, s6;
	s7 =	simm.s32 @p2 $0x1082  }
0x22: {  	[simem:s7], [sflag:s8] =	dma.local @!p0 [hbm:s6], $0xF7A  }
0x23: {  	s9 =	sor.u32 $0xD0000000, s2;
	s6 =	simm.s32 $0x108;
	_ =	swait.ge @!p0 [sflag:s8], $0x0  }
0x24: {  	s3 =	sadd.s32 $0x88, s3;
	s6 =	simm.s32 @!p1 $0x1082;
	[sflag:s4] =	ssyncset.s32 $0xFFFFF086  }
0x25: {  	[simem:s6], [sflag:s4] =	dma.local [hbm:s3], $0xF7A  }
0x26: {  	[smem:$0x3F95] =	sst s1;
	(tag) =	ssettag s2;
	_ =	strace s9  }
0x27: {  	s1 =	sld [smem:$0x3FA5]  }
0x28: {  	s2 =	sld [smem:$0x3FA6]  }
0x29: {  	s4 =	sld [smem:$0x3FA8]  }
0x2a: {  	p0 =	seq.s32 s5, $0x0;
	s5 =	sld [smem:$0x3FA9]  }
0x2b: {  	s6 =	sld [smem:$0x3FAA]  }
0x2c: {  	s7 =	sld [smem:$0x3FAB]  }
0x2d: {  	s3 =	simm.s32 $0x108;
	s8 =	sld [smem:$0x3FAC]  }
0x2e: {  	s3 =	simm.s32 @!p0 $0x1082;
	s9 =	sld [smem:$0x3FAD]  }
0x2f: {  	lr =	sadd.s32 s0, s3;
	s0 =	sld [smem:$0x3FA4]  }
0x30: {  	s3 =	sld [smem:$0x3FA7]  }
0x31: {  	[smem:$0x3FB0] =	sst s10  }
0x32: {  	s10 =	sld [smem:$0x3FAE];
	_ =	sdelay $0x3  }
0x33: {  	p0 =	seq.s32 s10, $0x1;
	s10 =	sld [smem:$0x3FB0];
	_ =	sdelay $0x3  }
0x34: {  	[smem:$0x3FB0] =	sst s10  }
0x35: {  	s10 =	sld [smem:$0x3FAF];
	_ =	sdelay $0x3  }
0x36: {  	p1 =	seq.s32 s10, $0x1;
	s10 =	sld [smem:$0x3FB0];
	_ =	sdelay $0x3  }
0x37: {  	[smem:$0x3FB0] =	sst s10  }
0x38: {  	s10 =	sld [smem:$0x3FB1]  }
0x39: {  	_ = 	snop;
	(pc) =	sbr.ind lr, $3  }
0x3a: {  	_ = 	snop  }
0x3b: {  	_ = 	snop  }
0x3c: {  	p2 =	seq.s32 s10, $0x1;
	s10 =	sld [smem:$0x3FB0]  }
0x3d: {  	_ =	shalt  }
0x3e: {  	_ =	shalt  }
0x3f: {  	_ =	shalt  }
0x40: {  	_ =	shalt  }
0x41: {  	_ =	shalt  }
0x42: {  	_ =	shalt  }
0x43: {  	_ =	shalt  }
0x44: {  	_ =	shalt  }
0x45: {  	_ =	shalt  }
0x46: {  	_ =	shalt  }
0x47: {  	_ =	shalt  }
0x48: {  	_ =	shalt  }
0x49: {  	_ =	shalt  }
0x4a: {  	_ =	shalt  }
0x4b: {  	_ =	shalt  }
0x4c: {  	_ =	shalt  }
0x4d: {  	_ =	shalt  }
0x4e: {  	_ =	shalt  }
0x4f: {  	_ =	shalt  }
0x50: {  	_ =	shalt  }
0x51: {  	_ =	shalt  }
0x52: {  	_ =	shalt  }
0x53: {  	_ =	shalt  }
0x54: {  	_ =	shalt  }
0x55: {  	_ =	shalt  }
0x56: {  	_ =	shalt  }
0x57: {  	_ =	shalt  }
0x58: {  	_ =	shalt  }
0x59: {  	_ =	shalt  }
0x5a: {  	_ =	shalt  }
0x5b: {  	_ =	shalt  }
0x5c: {  	_ =	shalt  }
0x5d: {  	_ =	shalt  }
0x5e: {  	_ =	shalt  }
0x5f: {  	_ =	shalt  }
0x60: {  	_ =	shalt  }
0x61: {  	_ =	shalt  }
0x62: {  	_ =	shalt  }
0x63: {  	_ =	shalt  }
0x64: {  	_ =	shalt  }
0x65: {  	_ =	shalt  }
0x66: {  	_ =	shalt  }
0x67: {  	_ =	shalt  }
0x68: {  	_ =	shalt  }
0x69: {  	_ =	shalt  }
0x6a: {  	_ =	shalt  }
0x6b: {  	_ =	shalt  }
0x6c: {  	_ =	shalt  }
0x6d: {  	_ =	shalt  }
0x6e: {  	_ =	shalt  }
0x6f: {  	_ =	shalt  }
0x70: {  	_ =	shalt  }
0x71: {  	_ =	shalt  }
0x72: {  	_ =	shalt  }
0x73: {  	_ =	shalt  }
0x74: {  	_ =	shalt  }
0x75: {  	_ =	shalt  }
0x76: {  	_ =	shalt  }
0x77: {  	_ =	shalt  }
0x78: {  	_ =	shalt  }
0x79: {  	_ =	shalt  }
0x7a: {  	_ =	shalt  }
0x7b: {  	_ =	shalt  }
0x7c: {  	_ =	shalt  }
0x7d: {  	_ =	shalt  }
0x7e: {  	_ =	shalt  }
0x7f: {  	_ =	shalt  }
0x80: {  	_ =	shalt  }
0x81: {  	_ =	shalt  }
0x82: {  	_ =	shalt  }
0x83: {  	_ =	shalt  }
0x84: {  	_ =	shalt  }
0x85: {  	_ =	shalt  }
0x86: {  	_ =	shalt  }
0x87: {  	_ =	shalt  }
.Lfunc_end0:
.L_simem_size_0:
called_computation.1_lowered:
.L_overlay_start_0:
0x88: {  	s2 =	sld [smem:$0x3FD9]  }
0x89: {  	s3 =	sld [smem:$0x3FFE];
	_ =	sdelay $0x1  }
0x8a: {  	s1 =	srdreg.scid  }
0x8b: {  	s0 =	sand.u32 $0x1, s1  }
0x8c: {  	s17 =	sshll.u32 s0, $0xA;
	s2 =	sadd.s32 s3, s2  }
0x8d: {  	s2 =	sadd.s32 s2, s17  }
0x8e: {  	[smem:$0x3FBC] =	sst s2  }
0x8f: {  	_ = 	snop  }
0x90: {  	(tm) =	ssettm $0x1  }
0x91: {  	s18 =	sld [smem:$0x3FFB];
	_ =	sdelay $0x3  }
0x92: {  	_ =	strace s18  }
0x93: {  	s2 =	sld [smem:$0x3FFC];
	_ =	sdelay $0x3  }
0x94: {  	_ =	strace s2  }
0x95: {  	s2 =	sld [smem:$0x3FFD];
	_ =	sdelay $0x3  }
0x96: {  	_ =	strace s2  }
0x97: {  	_ =	strace $0x8FFFFFFF  }
0x98: {  	s19 =	sld [smem:$0x3FDB];
	_ =	sdelay $0x1  }
0x99: {  	s20 =	simm.s32 $_scs_section_size  }
0x9a: {  	s4 =	simm.s32 $_size__tile_overlayer_lowered;
	s5 =	simm.s32 $_tile_overlayer_lowered  }
0x9b: {  	s6 =	simm.s32 $0x1BFF;
	s21 =	sshll.u32 s5, $0x1;
	s3 =	sadd.s32 s20, s19  }
0x9c: {  	s22 =	simm.s32 $0x0;
	s4 =	sshll.u32 s4, $0x1;
	s5 =	sadd.s32 s21, s3  }
0x9d: {  	[timem:s22], [sflag:s6] =	dma.local [hbm:s5], s4  }
0x9e: {  	_ =	swait.ge [sflag:s6], s4  }
0x9f: {  	s4 =	ssub.s32 $0x0, s4;
	[sflag:s6] =	ssyncset.done $0x0  }
0xa0: {  	[sflag:s6] =	ssyncadd.s32 s4;
	_ =	sdelay $0x1  }
0xa1: {  	s23 =	simm.s32 $0x1B8B  }
0xa2: {  	_ =	swait.ge [sflag:s23], $0x1  }
0xa3: {  	[sflag:s23] =	ssyncset.done $0x0  }
0xa4: {  	[sflag:s23] =	ssyncadd.s32 $0xFFFFFFFF  }
0xa5: {  	s4 =	sld [smem:$0x0]  }
0xa6: {  	s5 =	sand.u32 $0xFFFFFFFE, s1  }
0xa7: {  	p0 =	sne.s32 s1, s5  }
0xa8: {  	s5 =	sshll.u32 @p0 s5, $0xE  }
0xa9: {  	s5 =	sadd.s32 @p0 $0x11B8D, s5;
	s6 =	sshll.u32 @p0 s4, $0x11  }
0xaa: {  	s5 =	sor.u32 @p0 s6, s5  }
0xab: {  	[sflag:s5] =	ssyncadd.remote.s32 @p0 $0x1;
	_ =	sdelay $0x1  }
0xac: {  	s5 =	simm.s32 @p0 $0x1B8D  }
0xad: {  	_ =	swait.eq @p0 [sflag:s5], $0x1  }
0xae: {  	[sflag:s5] =	ssyncadd.s32 @p0 $0xFFFFFFFF  }
0xaf: {  	s6 =	sshll.u32 @!p0 s1, $0xE  }
0xb0: {  	s6 =	sor.u32 @!p0 $0x4000, s6;
	s5 =	simm.s32 @!p0 $0x1B8D  }
0xb1: {  	s4 =	sshll.u32 @!p0 s4, $0x11;
	s6 =	sadd.s32 @!p0 $0x11B8D, s6;
	_ =	swait.eq @!p0 [sflag:s5], $0x1  }
0xb2: {  	s4 =	sor.u32 @!p0 s4, s6;
	[sflag:s5] =	ssyncadd.s32 @!p0 $0xFFFFFFFF  }
0xb3: {  	s25 =	simm.s32 $0x1B8E;
	s24 =	sld [smem:$0x3FFE];
	[sflag:s4] =	ssyncadd.remote.s32 @!p0 $0x1  }
0xb4: {  	s26 =	simm.s32 $execute0_lowered;
	[smem:$0x3FD2] =	sst s25  }
0xb5: {  	s5 =	sshll.u32 s26, $0x1;
	_ =	strace $0x80000049;
	[dreg:$0x1] =	wrdreg $0xFFFFFFFF  }
0xb6: {  	s28 =	simm.s32 $_size_execute0_lowered;
	s3 =	sadd.s32 s3, s5;
	[dreg:$0x0] =	wrdreg $0x0  }
0xb7: {  	s5 =	sshll.u32 s28, $0x1;
	[dreg:$0x2] =	wrdreg s3  }
0xb8: {  	[dreg:$0x3] =	wrdreg s5  }
0xb9: {  	[dreg:$0x4] =	wrdreg $0xC0  }
0xba: {  	_ =	task [dreg:s22], $0x5FFFF  }
0xbb: {  	[dreg:$0x1] =	wrdreg $0xFFFFFFFF  }
0xbc: {  	[dreg:$0x0] =	wrdreg $0x60  }
0xbd: {  	[dreg:$0x2] =	wrdreg s24  }
0xbe: {  	[dreg:$0x3] =	wrdreg $0x9  }
0xbf: {  	_ =	task.clear_ibuf [dreg:s22], $0x4FFFF;
	_ =	strace $0x90000049  }
0xc0: {  	s29 =	simm.s32 $0x9;
	_ =	strace $0x8000004B  }
0xc1: {  	_ =	swait.ge [sflag:s29], $0x1  }
0xc2: {  	[sflag:s29] =	ssyncadd.s32 $0xFFFFFFFF  }
0xc3: {  	_ =	strace $0x9000004B  }
0xc4: {  	_ =	sfence  }
0xc5: {  	s30 =	sld [smem:$0x0];
	_ =	sdelay $0x2  }
0xc6: {  	s31 =	sshll.u32 s1, $0xD;
	s1 =	sshrl.u32 s1, $0x2  }
0xc7: {  	s4 =	sand.u32 $0x4000, s31;
	s1 =	sadd.s32 s1, s30  }
0xc8: {  	s0 =	sor.u32 s4, s0;
	s1 =	sshll.u32 s1, $0x11  }
0xc9: {  	s0 =	sor.u32 s1, s0  }
0xca: {  	s0 =	sadd.s32 $0x8F2B, s0  }
0xcb: {  	[sflag:s0] =	ssyncadd.remote.s32 $0x1  }
0xcc: {  	_ =	sfence.sel $0xFFFF  }
0xcd: {  	[dreg:$0x0] =	wrdreg $0xFFFFFFFF;
	(pc) =	sbr.abs _section_cstart, $3  }
0xce: {  	[dreg:$0x1] =	wrdreg $0xFFFFFFFF  }
0xcf: {  	_ =	task.clear_ibuf [dreg:s22], $0x2FFFF;
	_ =	strace $0x9FFFFFFF  }
0xd0: {  	(tm) =	ssettm $0x7FFFFFFF  }
0xd1: {  	_ =	shalt  }
tec
execute0_lowered:
.L_overlay_start_1:
0x0: {  	(tag) =	ssettag $0x1  }
0x1: {  	s0 =	srdreg.scid;
	s5 =	rddreg [dreg:$0x0]  }
0x2: {  	s1 =	stileid.u32;
	s6 =	simm.s32 $0x1;
	s9 =	simm.s32 $0x1  }
0x3: {  	s10 =	simm.s32 $0x3;
	s13 =	simm.s32 $0x0;
	s2 =	sshll.u32 s0, $0x7  }
0x4: {  	s12 =	simm.s32 $0x0;
	s3 =	sshll.u32 s1, $0x8;
	s2 =	sand.u32 $0x80, s2  }
0x5: {  	s0 =	rddreg [dreg:$0x1];
	_ =	strace $0x8000004A;
	s2 =	sor.u32 s3, s2  }
0x6: {  	s4 =	sadd.s32 $0x1C00, s5;
	[sflag:s6] =	ssyncpa.u1 $0x0;
	s8 =	ssub.s32 $0x2000, s2  }
.Ltmp0:
0x7: {  	s3 =	sadd.s32 $0x22000, s5;
	s7 =	sand.u32 $0xF80, s8;
	(pc) =	sbr.rel .LBB2_1-.Ltmp0, $4  }
0x8: {  	s5 =	sadd.s32 $0x22C00, s5;
	s11 =	smov.u32 s2;
	p0 =	sne.s32 s7, $0x0  }
0x9: {  	s8 =	sshrl.u32 s8, $0xC;
	s7 =	simm.s32 $0x2;
	s9 =	simm.s32 @!p0 $0x0  }
0xa: {  	[sflag:s7] =	ssyncpa.u1 $0x0;
	p0 =	por $0x0, $0x0;
	s8 =	sadd.s32 s9, s8  }
0xb: {  	vm0 =	vmmov $0xffff;
	[sflag:s10] =	ssyncpa.u1 $0x0;
	s10 =	simm.s32 $0x0;
	s9 =	sadd.s32 $0x1, s8  }
.LBB2_4:
0xc: {  	v2 =	vnsel vm1, $0x0, v2  }
0xd: {  	vm1 =	vgt.s32 v0, $0x0;
	v2 =	vmin.u32 v2, $0x1FFF  }
0xe: {  	v0 =	vnsel vm1, $0x0, v0  }
0xf: {  	v0 =	vmin.u32 v0, $0x1FFF  }
0x10: {  	[tilespmem:s15], [sflag:$0x1] =	stream.indirect_vreg.gather [hbm4b:s3+s10], $0x1, v1, vm0, $0x4038;
	[tilespmem:$0x200] =	vst v63  }
0x11: {  	(ifvalue) =	ssetifvalue $0x7FFFFFFF  }
0x12: {  	[tilespmem:s16], [sflag:$0x1] =	stream.indirect_vreg.gather [hbm4b:s3+s10], $0x1, v2, vm0, $0x4038;
	[tilespmem:$0x200] =	vst v63  }
0x13: {  	s29 =	sadd.s32 $0x10, s16;
	(ifvalue) =	ssetifvalue $0x7FFFFFFF  }
0x14: {  	[tilespmem:s29], [sflag:$0x1] =	stream.indirect_vreg.gather [hbm4b:s3+s10], $0x1, v0, vm0, $0x4038;
	[tilespmem:$0x200] =	vst v63  }
0x15: {  	_ =	swait.ge [sflag:s6], $0x80  }
0x16: {  	s30 =	sshrl.u32 s13, $0x3;
	[sflag:s6] =	ssyncset.done $0x0  }
0x17: {  	s31 =	sand.u32 $0x7, s13;
	s15 =	sadd.s32 s5, s30;
	[sflag:s6] =	ssyncadd.s32 $0xFFFFFF80  }
0x18: {  	[hbm4b:s15+s31] =	stream.linear.scatter [tilespmem:s14], [sflag:$0x3], $0x80, $0x38;
	[tilespmem:$0x200] =	vst v63  }
.LBB2_5:
0x19: {  	s15 =	sadd.s32 $0x1000, s11  }
0x1a: {  	p2 =	sgt.s32 s15, $0x1FFF  }
0x1b: {  	s15 =	smov.u32 @p2 s2;
	p2 =	sne.s32 s12, s9  }
.Ltmp1:
0x1c: {  	p1 =	slt.u32 s12, $0x2;
	(pc) =	sbr.rel @!p2 .LBB2_6-.Ltmp1, $4  }
0x1d: {  	s14 =	simm.s32 @!p1 $0x3  }
0x1e: {  	s16 =	sadd.s32 $0x1, s12;
	_ =	swait.ge @!p1 [sflag:s14], $0x80  }
0x1f: {  	s13 =	smov.u32 s11;
	p0 =	por !p0, !p0;
	[sflag:s14] =	ssyncset.done @!p1 $0x0  }
0x20: {  	s12 =	smov.u32 s16;
	s11 =	smov.u32 s15;
	[sflag:s14] =	ssyncadd.s32 @!p1 $0xFFFFFF80  }
.LBB2_1:
0x21: {  	p1 =	sge.u32 s12, s8  }
0x22: {  	s14 =	sxor.u32 @!p1 $0xFFFFFFFF, s12  }
0x23: {  	s31 =	sadd.s32 $0xFFFFFFFF, s12;
	s15 =	sshrl.u32 @!p1 s11, $0x3;
	s14 =	sshll.u32 @!p1 s14, $0x7  }
0x24: {  	s16 =	sand.u32 @!p1 $0x7, s11;
	s15 =	sadd.s32 @!p1 s4, s15;
	s14 =	sand.u32 @!p1 $0x80, s14  }
0x25: {  	[tilespmem:s14], [sflag:$0x2] =	stream.linear.gather @!p1 [hbm4b:s15+s16], $0x80, $0x38;
	[tilespmem:$0x200] =	vst v63  }
0x26: {  	p1 =	sge.u32 s31, s8  }
.Ltmp2:
0x27: {  	_ = 	snop;
	(pc) =	sbr.rel @p1 .LBB2_5-.Ltmp2, $1  }
0x28: {  	_ =	sdelay $0x3  }
0x29: {  	s14 =	simm.s32 $0x1  }
0x2a: {  	_ =	swait.ge [sflag:s7], $0x80;
	s14 =	simm.s32 @!p0 $0x0  }
0x2b: {  	[sflag:s7] =	ssyncset.done $0x0;
	s14 =	sshll.u32 s14, $0x7  }
0x2c: {  	[sflag:s7] =	ssyncadd.s32 $0xFFFFFF80;
	(ifvalue) =	ssetifvalue $0x7FFFFFFF;
	v0 =	vld.msk [tilespmem:s14+$0x0 ss:$0x1], $0xffff;
	_ =	sdelay $0x4  }
0x2d: {  	s15 =	sadd.s32 $0x10, s14;
	vm1 =	vgt.s32 v0, $0x0  }
0x2e: {  	v2 =	vld.msk [tilespmem:s15+$0x0 ss:$0x1], $0xffff;
	v1 =	vnsel vm1, $0x0, v0  }
0x2f: {  	v1 =	vmin.u32 v1, $0x1FFF;
	_ =	sdelay $0x1  }
0x30: {  	s16 =	sshll.u32 s12, $0x7;
	s18 =	simm.s32 $0x20  }
0x31: {  	s16 =	sand.u32 $0x80, s16;
	s17 =	sadd.s32 $0x10, s15;
	s15 =	sor.u32 $0x100, s14  }
0x32: {  	s14 =	sor.u32 $0x100, s16;
	s16 =	sadd.s32 $0x10, s15;
	v0 =	vld.msk [tilespmem:s17+$0x0 ss:$0x1], $0xffff;
	vm1 =	vgt.s32 v2, $0x0;
	(ifvalue) =	ssetifvalue $0x7FFFFFFF  }
.LBB2_3:
0x33: {  	[tilespmem:s15], [sflag:$0x1] =	stream.indirect_vreg.gather [hbm4b:s3+s10], $0x1, v1, vm0, $0x4038;
	[tilespmem:$0x200] =	vst v63  }
0x34: {  	s18 =	sadd.s32 $0x10, s18  }
0x35: {  	v2 =	vnsel vm1, $0x0, v2;
	p1 =	slt.u32 s18, $0x70  }
.Ltmp3:
0x36: {  	s15 =	smov.u32 s16;
	v1 =	vmin.u32 v2, $0x1FFF;
	(pc) =	sbr.rel @p1 .LBB2_3-.Ltmp3, $3  }
0x37: {  	_ =	sdelay $0x1  }
0x38: {  	s17 =	sadd.s32 $0x10, s17  }
0x39: {  	vm1 =	vgt.s32 v0, $0x0;
	s16 =	sadd.s32 $0x10, s16;
	v2 =	vmov v0;
	(ifvalue) =	ssetifvalue $0x7FFFFFFF;
	v0 =	vld.msk [tilespmem:s17+$0x0 ss:$0x1], $0xffff  }
.Ltmp4:
0x3a: {  	_ = 	snop;
	(pc) =	sbr.rel .LBB2_4-.Ltmp4, $1  }
0x3b: {  	_ =	sdelay $0x3  }
.LBB2_6:
0x3c: {  	_ =	sfence.sel $0x180000  }
0x3d: {  	s2 =	simm.s32 $0x2;
	[bflag:$0x0] =	sbarrier.arrive $0xFFFF  }
0x3e: {  	s30 =	simm.s32 $0x3;
	[sflag:s2] =	ssyncpa.u1 $0x1  }
0x3f: {  	s31 =	simm.s32 $0x1;
	[sflag:s30] =	ssyncpa.u1 $0x1  }
0x40: {  	[sflag:s31] =	ssyncpa.u1 $0x1  }
0x41: {  	p0 =	sne.s32 s1, $0x0;
	_ =	strace $0x9000004A  }
0x42: {  	s0 =	sadd.s32 @!p0 $0x100000, s0;
	[bflag:$0x2] =	sbarrier.arrive $0xFFFF  }
0x43: {  	[sflag:s0] =	ssyncadd.tile.s32 @!p0 $0x1;
	_ =	shalt  }
.Lfunc_end2:
_tile_overlayer_lowered:
.L_overlay_start_2:
0x44: {  	(tag) =	ssettag $0x2  }
0x45: {  	s0 =	rddreg [dreg:$0x0];
	s2 =	stileid.u32  }
0x46: {  	s1 =	rddreg [dreg:$0x1];
	p0 =	sne.s32 s2, $0x0  }
0x47: {  	s3 =	rddreg [dreg:$0x2];
	[bflag:$0x3] =	sbarrier.arrive $0xFFFF;
	s2 =	simm.s32 @!p0 $0x1C01  }
0x48: {  	[timem:s3], [sflag:s2] =	dma.local @!p0 [hbm:s0], s1  }
0x49: {  	s0 =	simm.s32 @!p0 $0x1  }
0x4a: {  	_ =	swait.ge @!p0 [sflag:s0], s1  }
0x4b: {  	s1 =	ssub.s32 @!p0 $0x0, s1;
	[sflag:s0] =	ssyncset.done @!p0 $0x0  }
0x4c: {  	[sflag:s0] =	ssyncadd.s32 @!p0 s1  }
0x4d: {  	[bflag:$0x3] =	sbarrier.arrive $0xFFFF  }
0x4e: {  	_ =	shalt  }

// kernel: gather_offload_async_start.2
scs
__scs_entry_jumppad:
0x0: {  	(pc) =	sbr.rel $0x88, $3  }
0x1: {  	(tag) =	ssettag $0x0;
	lr =	simm.s32 $0x1  }
0x2: {  	[smem:$0x3F95] =	sst lr;
	_ =	strace $0xD0000000  }
0x3: {  	_ = 	snop  }
0x4: {  	_ = 	snop  }
0x5: {  	_ = 	snop  }
0x6: {  	_ = 	snop  }
0x7: {  	_ = 	snop  }
__scs_overlays_trampoline_lowered:
0x8: {  	[smem:$0x3FA4] =	sst s0  }
0x9: {  	[smem:$0x3FA5] =	sst s1  }
0xa: {  	[smem:$0x3FA6] =	sst s2  }
0xb: {  	[smem:$0x3FA7] =	sst s3  }
0xc: {  	[smem:$0x3FA8] =	sst s4  }
0xd: {  	[smem:$0x3FA9] =	sst s5  }
0xe: {  	[smem:$0x3FAA] =	sst s6  }
0xf: {  	[smem:$0x3FAB] =	sst s7  }
0x10: {  	[smem:$0x3FAC] =	sst s8  }
0x11: {  	[smem:$0x3FAD] =	sst s9;
	s0 =	simm.s32 @!p0 $0x0  }
0x12: {  	s1 =	sld [smem:$0x3F93];
	s0 =	simm.s32 @p0 $0x1  }
0x13: {  	[smem:$0x3FAE] =	sst s0;
	s0 =	simm.s32 @!p1 $0x0  }
0x14: {  	s2 =	sld [smem:$0x3F92];
	s0 =	simm.s32 @p1 $0x1  }
0x15: {  	[smem:$0x3FAF] =	sst s0;
	s0 =	simm.s32 @!p2 $0x0  }
0x16: {  	s3 =	sld [smem:$0x3FDB];
	s0 =	simm.s32 @p2 $0x1  }
0x17: {  	s4 =	simm.s32 $0x1BF5;
	[smem:$0x3FB1] =	sst s0  }
0x18: {  	s0 =	sld [smem:$0x3F94];
	_ =	swait.ge [sflag:s4], $0x0  }
0x19: {  	s7 =	sld [smem:$0x3F95]  }
0x1a: {  	s8 =	sadd.s32 $0xFFFFE003, lr  }
0x1b: {  	s9 =	sadd.s32 $0xFFFFFEF7, lr;
	s5 =	simm.s32 $0xFFFFFFFF;
	p2 =	slt.u32 s8, $0xFFFFF086  }
0x1c: {  	p1 =	slt.u32 s9, $0xF7A;
	s5 =	simm.s32 @!p2 $0x0  }
0x1d: {  	s5 =	simm.s32 @p1 $0x1;
	p0 =	seq.s32 s7, s2  }
0x1e: {  	s7 =	smul.u32 @!p0 $0xF7A, s2;
	p2 =	seq.s32 @!p0 s5, $0x0  }
0x1f: {  	s9 =	smul.u32 $0xF7A, s1;
	s8 =	simm.s32 @!p0 $0x1BF5;
	p2 =	por !p2, p0  }
0x20: {  	[sflag:s8] =	ssyncset.s32 @!p0 $0xFFFFF086;
	s6 =	sadd.s32 @!p0 s3, s7;
	s7 =	simm.s32 @!p0 $0x108  }
0x21: {  	s3 =	sadd.s32 s3, s9;
	s6 =	sadd.s32 @!p0 $0x88, s6;
	s7 =	simm.s32 @p2 $0x1082  }
0x22: {  	[simem:s7], [sflag:s8] =	dma.local @!p0 [hbm:s6], $0xF7A  }
0x23: {  	s9 =	sor.u32 $0xD0000000, s2;
	s6 =	simm.s32 $0x108;
	_ =	swait.ge @!p0 [sflag:s8], $0x0  }
0x24: {  	s3 =	sadd.s32 $0x88, s3;
	s6 =	simm.s32 @!p1 $0x1082;
	[sflag:s4] =	ssyncset.s32 $0xFFFFF086  }
0x25: {  	[simem:s6], [sflag:s4] =	dma.local [hbm:s3], $0xF7A  }
0x26: {  	[smem:$0x3F95] =	sst s1;
	(tag) =	ssettag s2;
	_ =	strace s9  }
0x27: {  	s1 =	sld [smem:$0x3FA5]  }
0x28: {  	s2 =	sld [smem:$0x3FA6]  }
0x29: {  	s4 =	sld [smem:$0x3FA8]  }
0x2a: {  	p0 =	seq.s32 s5, $0x0;
	s5 =	sld [smem:$0x3FA9]  }
0x2b: {  	s6 =	sld [smem:$0x3FAA]  }
0x2c: {  	s7 =	sld [smem:$0x3FAB]  }
0x2d: {  	s3 =	simm.s32 $0x108;
	s8 =	sld [smem:$0x3FAC]  }
0x2e: {  	s3 =	simm.s32 @!p0 $0x1082;
	s9 =	sld [smem:$0x3FAD]  }
0x2f: {  	lr =	sadd.s32 s0, s3;
	s0 =	sld [smem:$0x3FA4]  }
0x30: {  	s3 =	sld [smem:$0x3FA7]  }
0x31: {  	[smem:$0x3FB0] =	sst s10  }
0x32: {  	s10 =	sld [smem:$0x3FAE];
	_ =	sdelay $0x3  }
0x33: {  	p0 =	seq.s32 s10, $0x1;
	s10 =	sld [smem:$0x3FB0];
	_ =	sdelay $0x3  }
0x34: {  	[smem:$0x3FB0] =	sst s10  }
0x35: {  	s10 =	sld [smem:$0x3FAF];
	_ =	sdelay $0x3  }
0x36: {  	p1 =	seq.s32 s10, $0x1;
	s10 =	sld [smem:$0x3FB0];
	_ =	sdelay $0x3  }
0x37: {  	[smem:$0x3FB0] =	sst s10  }
0x38: {  	s10 =	sld [smem:$0x3FB1]  }
0x39: {  	_ = 	snop;
	(pc) =	sbr.ind lr, $3  }
0x3a: {  	_ = 	snop  }
0x3b: {  	_ = 	snop  }
0x3c: {  	p2 =	seq.s32 s10, $0x1;
	s10 =	sld [smem:$0x3FB0]  }
0x3d: {  	_ =	shalt  }
0x3e: {  	_ =	shalt  }
0x3f: {  	_ =	shalt  }
0x40: {  	_ =	shalt  }
0x41: {  	_ =	shalt  }
0x42: {  	_ =	shalt  }
0x43: {  	_ =	shalt  }
0x44: {  	_ =	shalt  }
0x45: {  	_ =	shalt  }
0x46: {  	_ =	shalt  }
0x47: {  	_ =	shalt  }
0x48: {  	_ =	shalt  }
0x49: {  	_ =	shalt  }
0x4a: {  	_ =	shalt  }
0x4b: {  	_ =	shalt  }
0x4c: {  	_ =	shalt  }
0x4d: {  	_ =	shalt  }
0x4e: {  	_ =	shalt  }
0x4f: {  	_ =	shalt  }
0x50: {  	_ =	shalt  }
0x51: {  	_ =	shalt  }
0x52: {  	_ =	shalt  }
0x53: {  	_ =	shalt  }
0x54: {  	_ =	shalt  }
0x55: {  	_ =	shalt  }
0x56: {  	_ =	shalt  }
0x57: {  	_ =	shalt  }
0x58: {  	_ =	shalt  }
0x59: {  	_ =	shalt  }
0x5a: {  	_ =	shalt  }
0x5b: {  	_ =	shalt  }
0x5c: {  	_ =	shalt  }
0x5d: {  	_ =	shalt  }
0x5e: {  	_ =	shalt  }
0x5f: {  	_ =	shalt  }
0x60: {  	_ =	shalt  }
0x61: {  	_ =	shalt  }
0x62: {  	_ =	shalt  }
0x63: {  	_ =	shalt  }
0x64: {  	_ =	shalt  }
0x65: {  	_ =	shalt  }
0x66: {  	_ =	shalt  }
0x67: {  	_ =	shalt  }
0x68: {  	_ =	shalt  }
0x69: {  	_ =	shalt  }
0x6a: {  	_ =	shalt  }
0x6b: {  	_ =	shalt  }
0x6c: {  	_ =	shalt  }
0x6d: {  	_ =	shalt  }
0x6e: {  	_ =	shalt  }
0x6f: {  	_ =	shalt  }
0x70: {  	_ =	shalt  }
0x71: {  	_ =	shalt  }
0x72: {  	_ =	shalt  }
0x73: {  	_ =	shalt  }
0x74: {  	_ =	shalt  }
0x75: {  	_ =	shalt  }
0x76: {  	_ =	shalt  }
0x77: {  	_ =	shalt  }
0x78: {  	_ =	shalt  }
0x79: {  	_ =	shalt  }
0x7a: {  	_ =	shalt  }
0x7b: {  	_ =	shalt  }
0x7c: {  	_ =	shalt  }
0x7d: {  	_ =	shalt  }
0x7e: {  	_ =	shalt  }
0x7f: {  	_ =	shalt  }
0x80: {  	_ =	shalt  }
0x81: {  	_ =	shalt  }
0x82: {  	_ =	shalt  }
0x83: {  	_ =	shalt  }
0x84: {  	_ =	shalt  }
0x85: {  	_ =	shalt  }
0x86: {  	_ =	shalt  }
0x87: {  	_ =	shalt  }
.Lfunc_end0:
.L_simem_size_0:
called_computation.2_lowered:
.L_overlay_start_0:
0x88: {  	s2 =	sld [smem:$0x3FD9]  }
0x89: {  	s3 =	sld [smem:$0x3FFE];
	_ =	sdelay $0x1  }
0x8a: {  	s1 =	srdreg.scid  }
0x8b: {  	s0 =	sand.u32 $0x1, s1  }
0x8c: {  	s17 =	sshll.u32 s0, $0xA;
	s2 =	sadd.s32 s3, s2  }
0x8d: {  	s2 =	sadd.s32 s2, s17  }
0x8e: {  	[smem:$0x3FBC] =	sst s2  }
0x8f: {  	_ = 	snop  }
0x90: {  	(tm) =	ssettm $0x1  }
0x91: {  	s18 =	sld [smem:$0x3FFB];
	_ =	sdelay $0x3  }
0x92: {  	_ =	strace s18  }
0x93: {  	s2 =	sld [smem:$0x3FFC];
	_ =	sdelay $0x3  }
0x94: {  	_ =	strace s2  }
0x95: {  	s2 =	sld [smem:$0x3FFD];
	_ =	sdelay $0x3  }
0x96: {  	_ =	strace s2  }
0x97: {  	_ =	strace $0x8FFFFFFF  }
0x98: {  	s19 =	sld [smem:$0x3FDB];
	_ =	sdelay $0x1  }
0x99: {  	s20 =	simm.s32 $_scs_section_size  }
0x9a: {  	s4 =	simm.s32 $_size__tile_overlayer_lowered;
	s5 =	simm.s32 $_tile_overlayer_lowered  }
0x9b: {  	s6 =	simm.s32 $0x1BFF;
	s21 =	sshll.u32 s5, $0x1;
	s3 =	sadd.s32 s20, s19  }
0x9c: {  	s22 =	simm.s32 $0x0;
	s4 =	sshll.u32 s4, $0x1;
	s5 =	sadd.s32 s21, s3  }
0x9d: {  	[timem:s22], [sflag:s6] =	dma.local [hbm:s5], s4  }
0x9e: {  	_ =	swait.ge [sflag:s6], s4  }
0x9f: {  	s4 =	ssub.s32 $0x0, s4;
	[sflag:s6] =	ssyncset.done $0x0  }
0xa0: {  	[sflag:s6] =	ssyncadd.s32 s4;
	_ =	sdelay $0x1  }
0xa1: {  	s23 =	simm.s32 $0x1B8B  }
0xa2: {  	_ =	swait.ge [sflag:s23], $0x1  }
0xa3: {  	[sflag:s23] =	ssyncset.done $0x0  }
0xa4: {  	[sflag:s23] =	ssyncadd.s32 $0xFFFFFFFF  }
0xa5: {  	s4 =	sld [smem:$0x0]  }
0xa6: {  	s5 =	sand.u32 $0xFFFFFFFE, s1  }
0xa7: {  	p0 =	sne.s32 s1, s5  }
0xa8: {  	s5 =	sshll.u32 @p0 s5, $0xE  }
0xa9: {  	s5 =	sadd.s32 @p0 $0x11B8D, s5;
	s6 =	sshll.u32 @p0 s4, $0x11  }
0xaa: {  	s5 =	sor.u32 @p0 s6, s5  }
0xab: {  	[sflag:s5] =	ssyncadd.remote.s32 @p0 $0x1;
	_ =	sdelay $0x1  }
0xac: {  	s5 =	simm.s32 @p0 $0x1B8D  }
0xad: {  	_ =	swait.eq @p0 [sflag:s5], $0x1  }
0xae: {  	[sflag:s5] =	ssyncadd.s32 @p0 $0xFFFFFFFF  }
0xaf: {  	s6 =	sshll.u32 @!p0 s1, $0xE  }
0xb0: {  	s6 =	sor.u32 @!p0 $0x4000, s6;
	s5 =	simm.s32 @!p0 $0x1B8D  }
0xb1: {  	s4 =	sshll.u32 @!p0 s4, $0x11;
	s6 =	sadd.s32 @!p0 $0x11B8D, s6;
	_ =	swait.eq @!p0 [sflag:s5], $0x1  }
0xb2: {  	s4 =	sor.u32 @!p0 s4, s6;
	[sflag:s5] =	ssyncadd.s32 @!p0 $0xFFFFFFFF  }
0xb3: {  	s25 =	simm.s32 $0x1B8E;
	s24 =	sld [smem:$0x3FFE];
	[sflag:s4] =	ssyncadd.remote.s32 @!p0 $0x1  }
0xb4: {  	s26 =	simm.s32 $execute0_lowered;
	[smem:$0x3FD2] =	sst s25  }
0xb5: {  	s5 =	sshll.u32 s26, $0x1;
	_ =	strace $0x8000004C;
	[dreg:$0x1] =	wrdreg $0xFFFFFFFF  }
0xb6: {  	s28 =	simm.s32 $_size_execute0_lowered;
	s3 =	sadd.s32 s3, s5;
	[dreg:$0x0] =	wrdreg $0x0  }
0xb7: {  	s5 =	sshll.u32 s28, $0x1;
	[dreg:$0x2] =	wrdreg s3  }
0xb8: {  	[dreg:$0x3] =	wrdreg s5  }
0xb9: {  	[dreg:$0x4] =	wrdreg $0xC0  }
0xba: {  	_ =	task [dreg:s22], $0x5FFFF  }
0xbb: {  	[dreg:$0x1] =	wrdreg $0xFFFFFFFF  }
0xbc: {  	[dreg:$0x0] =	wrdreg $0x60  }
0xbd: {  	[dreg:$0x2] =	wrdreg s24  }
0xbe: {  	[dreg:$0x3] =	wrdreg $0xA  }
0xbf: {  	_ =	task.clear_ibuf [dreg:s22], $0x4FFFF;
	_ =	strace $0x9000004C  }
0xc0: {  	s29 =	simm.s32 $0xA;
	_ =	strace $0x8000004E  }
0xc1: {  	_ =	swait.ge [sflag:s29], $0x1  }
0xc2: {  	[sflag:s29] =	ssyncadd.s32 $0xFFFFFFFF  }
0xc3: {  	_ =	strace $0x9000004E  }
0xc4: {  	_ =	sfence  }
0xc5: {  	s30 =	sld [smem:$0x0];
	_ =	sdelay $0x2  }
0xc6: {  	s31 =	sshll.u32 s1, $0xD;
	s1 =	sshrl.u32 s1, $0x2  }
0xc7: {  	s4 =	sand.u32 $0x4000, s31;
	s1 =	sadd.s32 s1, s30  }
0xc8: {  	s0 =	sor.u32 s4, s0;
	s1 =	sshll.u32 s1, $0x11  }
0xc9: {  	s0 =	sor.u32 s1, s0  }
0xca: {  	s0 =	sadd.s32 $0x8F2B, s0  }
0xcb: {  	[sflag:s0] =	ssyncadd.remote.s32 $0x1  }
0xcc: {  	_ =	sfence.sel $0xFFFF  }
0xcd: {  	[dreg:$0x0] =	wrdreg $0xFFFFFFFF;
	(pc) =	sbr.abs _section_cstart, $3  }
0xce: {  	[dreg:$0x1] =	wrdreg $0xFFFFFFFF  }
0xcf: {  	_ =	task.clear_ibuf [dreg:s22], $0x2FFFF;
	_ =	strace $0x9FFFFFFF  }
0xd0: {  	(tm) =	ssettm $0x7FFFFFFF  }
0xd1: {  	_ =	shalt  }
tec
execute0_lowered:
.L_overlay_start_1:
0x0: {  	(tag) =	ssettag $0x1  }
0x1: {  	s0 =	srdreg.scid;
	s5 =	rddreg [dreg:$0x0]  }
0x2: {  	s1 =	stileid.u32;
	s6 =	simm.s32 $0x1;
	s9 =	simm.s32 $0x1  }
0x3: {  	s10 =	simm.s32 $0x3;
	s13 =	simm.s32 $0x0;
	s2 =	sshll.u32 s0, $0x7  }
0x4: {  	s12 =	simm.s32 $0x0;
	s3 =	sshll.u32 s1, $0x8;
	s2 =	sand.u32 $0x80, s2  }
0x5: {  	s0 =	rddreg [dreg:$0x1];
	_ =	strace $0x8000004D;
	s2 =	sor.u32 s3, s2  }
0x6: {  	s4 =	sadd.s32 $0x1C00, s5;
	[sflag:s6] =	ssyncpa.u1 $0x0;
	s8 =	ssub.s32 $0x2000, s2  }
.Ltmp0:
0x7: {  	s3 =	sadd.s32 $0x22400, s5;
	s7 =	sand.u32 $0xF80, s8;
	(pc) =	sbr.rel .LBB2_1-.Ltmp0, $4  }
0x8: {  	s5 =	sadd.s32 $0x23000, s5;
	s11 =	smov.u32 s2;
	p0 =	sne.s32 s7, $0x0  }
0x9: {  	s8 =	sshrl.u32 s8, $0xC;
	s7 =	simm.s32 $0x2;
	s9 =	simm.s32 @!p0 $0x0  }
0xa: {  	[sflag:s7] =	ssyncpa.u1 $0x0;
	p0 =	por $0x0, $0x0;
	s8 =	sadd.s32 s9, s8  }
0xb: {  	vm0 =	vmmov $0xffff;
	[sflag:s10] =	ssyncpa.u1 $0x0;
	s10 =	simm.s32 $0x0;
	s9 =	sadd.s32 $0x1, s8  }
.LBB2_4:
0xc: {  	v2 =	vnsel vm1, $0x0, v2  }
0xd: {  	vm1 =	vgt.s32 v0, $0x0;
	v2 =	vmin.u32 v2, $0x1FFF  }
0xe: {  	v0 =	vnsel vm1, $0x0, v0  }
0xf: {  	v0 =	vmin.u32 v0, $0x1FFF  }
0x10: {  	[tilespmem:s15], [sflag:$0x1] =	stream.indirect_vreg.gather [hbm4b:s3+s10], $0x1, v1, vm0, $0x4038;
	[tilespmem:$0x200] =	vst v63  }
0x11: {  	(ifvalue) =	ssetifvalue $0x7FFFFFFF  }
0x12: {  	[tilespmem:s16], [sflag:$0x1] =	stream.indirect_vreg.gather [hbm4b:s3+s10], $0x1, v2, vm0, $0x4038;
	[tilespmem:$0x200] =	vst v63  }
0x13: {  	s29 =	sadd.s32 $0x10, s16;
	(ifvalue) =	ssetifvalue $0x7FFFFFFF  }
0x14: {  	[tilespmem:s29], [sflag:$0x1] =	stream.indirect_vreg.gather [hbm4b:s3+s10], $0x1, v0, vm0, $0x4038;
	[tilespmem:$0x200] =	vst v63  }
0x15: {  	_ =	swait.ge [sflag:s6], $0x80  }
0x16: {  	s30 =	sshrl.u32 s13, $0x3;
	[sflag:s6] =	ssyncset.done $0x0  }
0x17: {  	s31 =	sand.u32 $0x7, s13;
	s15 =	sadd.s32 s5, s30;
	[sflag:s6] =	ssyncadd.s32 $0xFFFFFF80  }
0x18: {  	[hbm4b:s15+s31] =	stream.linear.scatter [tilespmem:s14], [sflag:$0x3], $0x80, $0x38;
	[tilespmem:$0x200] =	vst v63  }
.LBB2_5:
0x19: {  	s15 =	sadd.s32 $0x1000, s11  }
0x1a: {  	p2 =	sgt.s32 s15, $0x1FFF  }
0x1b: {  	s15 =	smov.u32 @p2 s2;
	p2 =	sne.s32 s12, s9  }
.Ltmp1:
0x1c: {  	p1 =	slt.u32 s12, $0x2;
	(pc) =	sbr.rel @!p2 .LBB2_6-.Ltmp1, $4  }
0x1d: {  	s14 =	simm.s32 @!p1 $0x3  }
0x1e: {  	s16 =	sadd.s32 $0x1, s12;
	_ =	swait.ge @!p1 [sflag:s14], $0x80  }
0x1f: {  	s13 =	smov.u32 s11;
	p0 =	por !p0, !p0;
	[sflag:s14] =	ssyncset.done @!p1 $0x0  }
0x20: {  	s12 =	smov.u32 s16;
	s11 =	smov.u32 s15;
	[sflag:s14] =	ssyncadd.s32 @!p1 $0xFFFFFF80  }
.LBB2_1:
0x21: {  	p1 =	sge.u32 s12, s8  }
0x22: {  	s14 =	sxor.u32 @!p1 $0xFFFFFFFF, s12  }
0x23: {  	s31 =	sadd.s32 $0xFFFFFFFF, s12;
	s15 =	sshrl.u32 @!p1 s11, $0x3;
	s14 =	sshll.u32 @!p1 s14, $0x7  }
0x24: {  	s16 =	sand.u32 @!p1 $0x7, s11;
	s15 =	sadd.s32 @!p1 s4, s15;
	s14 =	sand.u32 @!p1 $0x80, s14  }
0x25: {  	[tilespmem:s14], [sflag:$0x2] =	stream.linear.gather @!p1 [hbm4b:s15+s16], $0x80, $0x38;
	[tilespmem:$0x200] =	vst v63  }
0x26: {  	p1 =	sge.u32 s31, s8  }
.Ltmp2:
0x27: {  	_ = 	snop;
	(pc) =	sbr.rel @p1 .LBB2_5-.Ltmp2, $1  }
0x28: {  	_ =	sdelay $0x3  }
0x29: {  	s14 =	simm.s32 $0x1  }
0x2a: {  	_ =	swait.ge [sflag:s7], $0x80;
	s14 =	simm.s32 @!p0 $0x0  }
0x2b: {  	[sflag:s7] =	ssyncset.done $0x0;
	s14 =	sshll.u32 s14, $0x7  }
0x2c: {  	[sflag:s7] =	ssyncadd.s32 $0xFFFFFF80;
	(ifvalue) =	ssetifvalue $0x7FFFFFFF;
	v0 =	vld.msk [tilespmem:s14+$0x0 ss:$0x1], $0xffff;
	_ =	sdelay $0x4  }
0x2d: {  	s15 =	sadd.s32 $0x10, s14;
	vm1 =	vgt.s32 v0, $0x0  }
0x2e: {  	v2 =	vld.msk [tilespmem:s15+$0x0 ss:$0x1], $0xffff;
	v1 =	vnsel vm1, $0x0, v0  }
0x2f: {  	v1 =	vmin.u32 v1, $0x1FFF;
	_ =	sdelay $0x1  }
0x30: {  	s16 =	sshll.u32 s12, $0x7;
	s18 =	simm.s32 $0x20  }
0x31: {  	s16 =	sand.u32 $0x80, s16;
	s17 =	sadd.s32 $0x10, s15;
	s15 =	sor.u32 $0x100, s14  }
0x32: {  	s14 =	sor.u32 $0x100, s16;
	s16 =	sadd.s32 $0x10, s15;
	v0 =	vld.msk [tilespmem:s17+$0x0 ss:$0x1], $0xffff;
	vm1 =	vgt.s32 v2, $0x0;
	(ifvalue) =	ssetifvalue $0x7FFFFFFF  }
.LBB2_3:
0x33: {  	[tilespmem:s15], [sflag:$0x1] =	stream.indirect_vreg.gather [hbm4b:s3+s10], $0x1, v1, vm0, $0x4038;
	[tilespmem:$0x200] =	vst v63  }
0x34: {  	s18 =	sadd.s32 $0x10, s18  }
0x35: {  	v2 =	vnsel vm1, $0x0, v2;
	p1 =	slt.u32 s18, $0x70  }
.Ltmp3:
0x36: {  	s15 =	smov.u32 s16;
	v1 =	vmin.u32 v2, $0x1FFF;
	(pc) =	sbr.rel @p1 .LBB2_3-.Ltmp3, $3  }
0x37: {  	_ =	sdelay $0x1  }
0x38: {  	s17 =	sadd.s32 $0x10, s17  }
0x39: {  	vm1 =	vgt.s32 v0, $0x0;
	s16 =	sadd.s32 $0x10, s16;
	v2 =	vmov v0;
	(ifvalue) =	ssetifvalue $0x7FFFFFFF;
	v0 =	vld.msk [tilespmem:s17+$0x0 ss:$0x1], $0xffff  }
.Ltmp4:
0x3a: {  	_ = 	snop;
	(pc) =	sbr.rel .LBB2_4-.Ltmp4, $1  }
0x3b: {  	_ =	sdelay $0x3  }
.LBB2_6:
0x3c: {  	_ =	sfence.sel $0x180000  }
0x3d: {  	s2 =	simm.s32 $0x2;
	[bflag:$0x0] =	sbarrier.arrive $0xFFFF  }
0x3e: {  	s30 =	simm.s32 $0x3;
	[sflag:s2] =	ssyncpa.u1 $0x1  }
0x3f: {  	s31 =	simm.s32 $0x1;
	[sflag:s30] =	ssyncpa.u1 $0x1  }
0x40: {  	[sflag:s31] =	ssyncpa.u1 $0x1  }
0x41: {  	p0 =	sne.s32 s1, $0x0;
	_ =	strace $0x9000004D  }
0x42: {  	s0 =	sadd.s32 @!p0 $0x100000, s0;
	[bflag:$0x2] =	sbarrier.arrive $0xFFFF  }
0x43: {  	[sflag:s0] =	ssyncadd.tile.s32 @!p0 $0x1;
	_ =	shalt  }
.Lfunc_end2:
_tile_overlayer_lowered:
.L_overlay_start_2:
0x44: {  	(tag) =	ssettag $0x2  }
0x45: {  	s0 =	rddreg [dreg:$0x0];
	s2 =	stileid.u32  }
0x46: {  	s1 =	rddreg [dreg:$0x1];
	p0 =	sne.s32 s2, $0x0  }
0x47: {  	s3 =	rddreg [dreg:$0x2];
	[bflag:$0x3] =	sbarrier.arrive $0xFFFF;
	s2 =	simm.s32 @!p0 $0x1C01  }
0x48: {  	[timem:s3], [sflag:s2] =	dma.local @!p0 [hbm:s0], s1  }
0x49: {  	s0 =	simm.s32 @!p0 $0x1  }
0x4a: {  	_ =	swait.ge @!p0 [sflag:s0], s1  }
0x4b: {  	s1 =	ssub.s32 @!p0 $0x0, s1;
	[sflag:s0] =	ssyncset.done @!p0 $0x0  }
0x4c: {  	[sflag:s0] =	ssyncadd.s32 @!p0 s1  }
0x4d: {  	[bflag:$0x3] =	sbarrier.arrive $0xFFFF  }
0x4e: {  	_ =	shalt  }

// kernel: gather_offload_async_start.3
scs
__scs_entry_jumppad:
0x0: {  	(pc) =	sbr.rel $0x88, $3  }
0x1: {  	(tag) =	ssettag $0x0;
	lr =	simm.s32 $0x1  }
0x2: {  	[smem:$0x3F95] =	sst lr;
	_ =	strace $0xD0000000  }
0x3: {  	_ = 	snop  }
0x4: {  	_ = 	snop  }
0x5: {  	_ = 	snop  }
0x6: {  	_ = 	snop  }
0x7: {  	_ = 	snop  }
__scs_overlays_trampoline_lowered:
0x8: {  	[smem:$0x3FA4] =	sst s0  }
0x9: {  	[smem:$0x3FA5] =	sst s1  }
0xa: {  	[smem:$0x3FA6] =	sst s2  }
0xb: {  	[smem:$0x3FA7] =	sst s3  }
0xc: {  	[smem:$0x3FA8] =	sst s4  }
0xd: {  	[smem:$0x3FA9] =	sst s5  }
0xe: {  	[smem:$0x3FAA] =	sst s6  }
0xf: {  	[smem:$0x3FAB] =	sst s7  }
0x10: {  	[smem:$0x3FAC] =	sst s8  }
0x11: {  	[smem:$0x3FAD] =	sst s9;
	s0 =	simm.s32 @!p0 $0x0  }
0x12: {  	s1 =	sld [smem:$0x3F93];
	s0 =	simm.s32 @p0 $0x1  }
0x13: {  	[smem:$0x3FAE] =	sst s0;
	s0 =	simm.s32 @!p1 $0x0  }
0x14: {  	s2 =	sld [smem:$0x3F92];
	s0 =	simm.s32 @p1 $0x1  }
0x15: {  	[smem:$0x3FAF] =	sst s0;
	s0 =	simm.s32 @!p2 $0x0  }
0x16: {  	s3 =	sld [smem:$0x3FDB];
	s0 =	simm.s32 @p2 $0x1  }
0x17: {  	s4 =	simm.s32 $0x1BF5;
	[smem:$0x3FB1] =	sst s0  }
0x18: {  	s0 =	sld [smem:$0x3F94];
	_ =	swait.ge [sflag:s4], $0x0  }
0x19: {  	s7 =	sld [smem:$0x3F95]  }
0x1a: {  	s8 =	sadd.s32 $0xFFFFE003, lr  }
0x1b: {  	s9 =	sadd.s32 $0xFFFFFEF7, lr;
	s5 =	simm.s32 $0xFFFFFFFF;
	p2 =	slt.u32 s8, $0xFFFFF086  }
0x1c: {  	p1 =	slt.u32 s9, $0xF7A;
	s5 =	simm.s32 @!p2 $0x0  }
0x1d: {  	s5 =	simm.s32 @p1 $0x1;
	p0 =	seq.s32 s7, s2  }
0x1e: {  	s7 =	smul.u32 @!p0 $0xF7A, s2;
	p2 =	seq.s32 @!p0 s5, $0x0  }
0x1f: {  	s9 =	smul.u32 $0xF7A, s1;
	s8 =	simm.s32 @!p0 $0x1BF5;
	p2 =	por !p2, p0  }
0x20: {  	[sflag:s8] =	ssyncset.s32 @!p0 $0xFFFFF086;
	s6 =	sadd.s32 @!p0 s3, s7;
	s7 =	simm.s32 @!p0 $0x108  }
0x21: {  	s3 =	sadd.s32 s3, s9;
	s6 =	sadd.s32 @!p0 $0x88, s6;
	s7 =	simm.s32 @p2 $0x1082  }
0x22: {  	[simem:s7], [sflag:s8] =	dma.local @!p0 [hbm:s6], $0xF7A  }
0x23: {  	s9 =	sor.u32 $0xD0000000, s2;
	s6 =	simm.s32 $0x108;
	_ =	swait.ge @!p0 [sflag:s8], $0x0  }
0x24: {  	s3 =	sadd.s32 $0x88, s3;
	s6 =	simm.s32 @!p1 $0x1082;
	[sflag:s4] =	ssyncset.s32 $0xFFFFF086  }
0x25: {  	[simem:s6], [sflag:s4] =	dma.local [hbm:s3], $0xF7A  }
0x26: {  	[smem:$0x3F95] =	sst s1;
	(tag) =	ssettag s2;
	_ =	strace s9  }
0x27: {  	s1 =	sld [smem:$0x3FA5]  }
0x28: {  	s2 =	sld [smem:$0x3FA6]  }
0x29: {  	s4 =	sld [smem:$0x3FA8]  }
0x2a: {  	p0 =	seq.s32 s5, $0x0;
	s5 =	sld [smem:$0x3FA9]  }
0x2b: {  	s6 =	sld [smem:$0x3FAA]  }
0x2c: {  	s7 =	sld [smem:$0x3FAB]  }
0x2d: {  	s3 =	simm.s32 $0x108;
	s8 =	sld [smem:$0x3FAC]  }
0x2e: {  	s3 =	simm.s32 @!p0 $0x1082;
	s9 =	sld [smem:$0x3FAD]  }
0x2f: {  	lr =	sadd.s32 s0, s3;
	s0 =	sld [smem:$0x3FA4]  }
0x30: {  	s3 =	sld [smem:$0x3FA7]  }
0x31: {  	[smem:$0x3FB0] =	sst s10  }
0x32: {  	s10 =	sld [smem:$0x3FAE];
	_ =	sdelay $0x3  }
0x33: {  	p0 =	seq.s32 s10, $0x1;
	s10 =	sld [smem:$0x3FB0];
	_ =	sdelay $0x3  }
0x34: {  	[smem:$0x3FB0] =	sst s10  }
0x35: {  	s10 =	sld [smem:$0x3FAF];
	_ =	sdelay $0x3  }
0x36: {  	p1 =	seq.s32 s10, $0x1;
	s10 =	sld [smem:$0x3FB0];
	_ =	sdelay $0x3  }
0x37: {  	[smem:$0x3FB0] =	sst s10  }
0x38: {  	s10 =	sld [smem:$0x3FB1]  }
0x39: {  	_ = 	snop;
	(pc) =	sbr.ind lr, $3  }
0x3a: {  	_ = 	snop  }
0x3b: {  	_ = 	snop  }
0x3c: {  	p2 =	seq.s32 s10, $0x1;
	s10 =	sld [smem:$0x3FB0]  }
0x3d: {  	_ =	shalt  }
0x3e: {  	_ =	shalt  }
0x3f: {  	_ =	shalt  }
0x40: {  	_ =	shalt  }
0x41: {  	_ =	shalt  }
0x42: {  	_ =	shalt  }
0x43: {  	_ =	shalt  }
0x44: {  	_ =	shalt  }
0x45: {  	_ =	shalt  }
0x46: {  	_ =	shalt  }
0x47: {  	_ =	shalt  }
0x48: {  	_ =	shalt  }
0x49: {  	_ =	shalt  }
0x4a: {  	_ =	shalt  }
0x4b: {  	_ =	shalt  }
0x4c: {  	_ =	shalt  }
0x4d: {  	_ =	shalt  }
0x4e: {  	_ =	shalt  }
0x4f: {  	_ =	shalt  }
0x50: {  	_ =	shalt  }
0x51: {  	_ =	shalt  }
0x52: {  	_ =	shalt  }
0x53: {  	_ =	shalt  }
0x54: {  	_ =	shalt  }
0x55: {  	_ =	shalt  }
0x56: {  	_ =	shalt  }
0x57: {  	_ =	shalt  }
0x58: {  	_ =	shalt  }
0x59: {  	_ =	shalt  }
0x5a: {  	_ =	shalt  }
0x5b: {  	_ =	shalt  }
0x5c: {  	_ =	shalt  }
0x5d: {  	_ =	shalt  }
0x5e: {  	_ =	shalt  }
0x5f: {  	_ =	shalt  }
0x60: {  	_ =	shalt  }
0x61: {  	_ =	shalt  }
0x62: {  	_ =	shalt  }
0x63: {  	_ =	shalt  }
0x64: {  	_ =	shalt  }
0x65: {  	_ =	shalt  }
0x66: {  	_ =	shalt  }
0x67: {  	_ =	shalt  }
0x68: {  	_ =	shalt  }
0x69: {  	_ =	shalt  }
0x6a: {  	_ =	shalt  }
0x6b: {  	_ =	shalt  }
0x6c: {  	_ =	shalt  }
0x6d: {  	_ =	shalt  }
0x6e: {  	_ =	shalt  }
0x6f: {  	_ =	shalt  }
0x70: {  	_ =	shalt  }
0x71: {  	_ =	shalt  }
0x72: {  	_ =	shalt  }
0x73: {  	_ =	shalt  }
0x74: {  	_ =	shalt  }
0x75: {  	_ =	shalt  }
0x76: {  	_ =	shalt  }
0x77: {  	_ =	shalt  }
0x78: {  	_ =	shalt  }
0x79: {  	_ =	shalt  }
0x7a: {  	_ =	shalt  }
0x7b: {  	_ =	shalt  }
0x7c: {  	_ =	shalt  }
0x7d: {  	_ =	shalt  }
0x7e: {  	_ =	shalt  }
0x7f: {  	_ =	shalt  }
0x80: {  	_ =	shalt  }
0x81: {  	_ =	shalt  }
0x82: {  	_ =	shalt  }
0x83: {  	_ =	shalt  }
0x84: {  	_ =	shalt  }
0x85: {  	_ =	shalt  }
0x86: {  	_ =	shalt  }
0x87: {  	_ =	shalt  }
.Lfunc_end0:
.L_simem_size_0:
called_computation.3_lowered:
.L_overlay_start_0:
0x88: {  	s2 =	sld [smem:$0x3FD9]  }
0x89: {  	s3 =	sld [smem:$0x3FFE];
	_ =	sdelay $0x1  }
0x8a: {  	s1 =	srdreg.scid  }
0x8b: {  	s0 =	sand.u32 $0x1, s1  }
0x8c: {  	s17 =	sshll.u32 s0, $0xA;
	s2 =	sadd.s32 s3, s2  }
0x8d: {  	s2 =	sadd.s32 s2, s17  }
0x8e: {  	[smem:$0x3FBC] =	sst s2  }
0x8f: {  	_ = 	snop  }
0x90: {  	(tm) =	ssettm $0x1  }
0x91: {  	s18 =	sld [smem:$0x3FFB];
	_ =	sdelay $0x3  }
0x92: {  	_ =	strace s18  }
0x93: {  	s2 =	sld [smem:$0x3FFC];
	_ =	sdelay $0x3  }
0x94: {  	_ =	strace s2  }
0x95: {  	s2 =	sld [smem:$0x3FFD];
	_ =	sdelay $0x3  }
0x96: {  	_ =	strace s2  }
0x97: {  	_ =	strace $0x8FFFFFFF  }
0x98: {  	s19 =	sld [smem:$0x3FDB];
	_ =	sdelay $0x1  }
0x99: {  	s20 =	simm.s32 $_scs_section_size  }
0x9a: {  	s4 =	simm.s32 $_size__tile_overlayer_lowered;
	s5 =	simm.s32 $_tile_overlayer_lowered  }
0x9b: {  	s6 =	simm.s32 $0x1BFF;
	s21 =	sshll.u32 s5, $0x1;
	s3 =	sadd.s32 s20, s19  }
0x9c: {  	s22 =	simm.s32 $0x0;
	s4 =	sshll.u32 s4, $0x1;
	s5 =	sadd.s32 s21, s3  }
0x9d: {  	[timem:s22], [sflag:s6] =	dma.local [hbm:s5], s4  }
0x9e: {  	_ =	swait.ge [sflag:s6], s4  }
0x9f: {  	s4 =	ssub.s32 $0x0, s4;
	[sflag:s6] =	ssyncset.done $0x0  }
0xa0: {  	[sflag:s6] =	ssyncadd.s32 s4;
	_ =	sdelay $0x1  }
0xa1: {  	s23 =	simm.s32 $0x1B8B  }
0xa2: {  	_ =	swait.ge [sflag:s23], $0x1  }
0xa3: {  	[sflag:s23] =	ssyncset.done $0x0  }
0xa4: {  	[sflag:s23] =	ssyncadd.s32 $0xFFFFFFFF  }
0xa5: {  	s4 =	sld [smem:$0x0]  }
0xa6: {  	s5 =	sand.u32 $0xFFFFFFFE, s1  }
0xa7: {  	p0 =	sne.s32 s1, s5  }
0xa8: {  	s5 =	sshll.u32 @p0 s5, $0xE  }
0xa9: {  	s5 =	sadd.s32 @p0 $0x11B8D, s5;
	s6 =	sshll.u32 @p0 s4, $0x11  }
0xaa: {  	s5 =	sor.u32 @p0 s6, s5  }
0xab: {  	[sflag:s5] =	ssyncadd.remote.s32 @p0 $0x1;
	_ =	sdelay $0x1  }
0xac: {  	s5 =	simm.s32 @p0 $0x1B8D  }
0xad: {  	_ =	swait.eq @p0 [sflag:s5], $0x1  }
0xae: {  	[sflag:s5] =	ssyncadd.s32 @p0 $0xFFFFFFFF  }
0xaf: {  	s6 =	sshll.u32 @!p0 s1, $0xE  }
0xb0: {  	s6 =	sor.u32 @!p0 $0x4000, s6;
	s5 =	simm.s32 @!p0 $0x1B8D  }
0xb1: {  	s4 =	sshll.u32 @!p0 s4, $0x11;
	s6 =	sadd.s32 @!p0 $0x11B8D, s6;
	_ =	swait.eq @!p0 [sflag:s5], $0x1  }
0xb2: {  	s4 =	sor.u32 @!p0 s4, s6;
	[sflag:s5] =	ssyncadd.s32 @!p0 $0xFFFFFFFF  }
0xb3: {  	s25 =	simm.s32 $0x1B8E;
	s24 =	sld [smem:$0x3FFE];
	[sflag:s4] =	ssyncadd.remote.s32 @!p0 $0x1  }
0xb4: {  	s26 =	simm.s32 $execute0_lowered;
	[smem:$0x3FD2] =	sst s25  }
0xb5: {  	s5 =	sshll.u32 s26, $0x1;
	_ =	strace $0x8000004F;
	[dreg:$0x1] =	wrdreg $0xFFFFFFFF  }
0xb6: {  	s28 =	simm.s32 $_size_execute0_lowered;
	s3 =	sadd.s32 s3, s5;
	[dreg:$0x0] =	wrdreg $0x0  }
0xb7: {  	s5 =	sshll.u32 s28, $0x1;
	[dreg:$0x2] =	wrdreg s3  }
0xb8: {  	[dreg:$0x3] =	wrdreg s5  }
0xb9: {  	[dreg:$0x4] =	wrdreg $0xC0  }
0xba: {  	_ =	task [dreg:s22], $0x5FFFF  }
0xbb: {  	[dreg:$0x1] =	wrdreg $0xFFFFFFFF  }
0xbc: {  	[dreg:$0x0] =	wrdreg $0x60  }
0xbd: {  	[dreg:$0x2] =	wrdreg s24  }
0xbe: {  	[dreg:$0x3] =	wrdreg $0xB  }
0xbf: {  	_ =	task.clear_ibuf [dreg:s22], $0x4FFFF;
	_ =	strace $0x9000004F  }
0xc0: {  	s29 =	simm.s32 $0xB;
	_ =	strace $0x80000051  }
0xc1: {  	_ =	swait.ge [sflag:s29], $0x1  }
0xc2: {  	[sflag:s29] =	ssyncadd.s32 $0xFFFFFFFF  }
0xc3: {  	_ =	strace $0x90000051  }
0xc4: {  	_ =	sfence  }
0xc5: {  	s30 =	sld [smem:$0x0];
	_ =	sdelay $0x2  }
0xc6: {  	s31 =	sshll.u32 s1, $0xD;
	s1 =	sshrl.u32 s1, $0x2  }
0xc7: {  	s4 =	sand.u32 $0x4000, s31;
	s1 =	sadd.s32 s1, s30  }
0xc8: {  	s0 =	sor.u32 s4, s0;
	s1 =	sshll.u32 s1, $0x11  }
0xc9: {  	s0 =	sor.u32 s1, s0  }
0xca: {  	s0 =	sadd.s32 $0x8F2B, s0  }
0xcb: {  	[sflag:s0] =	ssyncadd.remote.s32 $0x1  }
0xcc: {  	_ =	sfence.sel $0xFFFF  }
0xcd: {  	[dreg:$0x0] =	wrdreg $0xFFFFFFFF;
	(pc) =	sbr.abs _section_cstart, $3  }
0xce: {  	[dreg:$0x1] =	wrdreg $0xFFFFFFFF  }
0xcf: {  	_ =	task.clear_ibuf [dreg:s22], $0x2FFFF;
	_ =	strace $0x9FFFFFFF  }
0xd0: {  	(tm) =	ssettm $0x7FFFFFFF  }
0xd1: {  	_ =	shalt  }
tec
execute0_lowered:
.L_overlay_start_1:
0x0: {  	(tag) =	ssettag $0x1  }
0x1: {  	s7 =	rddreg [dreg:$0x0]  }
0x2: {  	s0 =	rddreg [dreg:$0x1];
	_ =	strace $0x80000050  }
0x3: {  	s1 =	srdreg.scid;
	s4 =	simm.s32 $0x1;
	s9 =	simm.s32 $0x3  }
0x4: {  	s12 =	simm.s32 $0x0;
	s10 =	simm.s32 $0x0;
	s5 =	sshll.u32 s1, $0x4  }
.Ltmp0:
0x5: {  	s1 =	stileid.u32;
	s5 =	sand.u32 $0x10, s5;
	(pc) =	sbr.rel .LBB2_1-.Ltmp0, $4  }
0x6: {  	s2 =	sadd.s32 $0x2000, s7;
	s3 =	sadd.s32 $0x1C00, s7;
	s6 =	sor.u32 s1, s5  }
0x7: {  	[sflag:s4] =	ssyncpa.u1 $0x0;
	s5 =	simm.s32 $0x2;
	s6 =	sshll.u32 s6, $0x8  }
0x8: {  	s7 =	sadd.s32 $0x23400, s7;
	[sflag:s5] =	ssyncpa.u1 $0x0;
	s8 =	sadd.s32 $0x100, s6  }
0x9: {  	vm0 =	vmmov $0xff;
	vm1 =	vcmask $0x3F20;
	[sflag:s9] =	ssyncpa.u1 $0x0;
	s9 =	simm.s32 $0x100;
	s11 =	smov.u32 s6  }
.LBB2_9:
0xa: {  	p0 =	seq.s32 s10, $0x2  }
.Ltmp1:
0xb: {  	_ = 	snop;
	(pc) =	sbr.rel @p0 .LBB2_11-.Ltmp1, $1  }
0xc: {  	_ =	sdelay $0x3  }
.LBB2_10:
0xd: {  	s12 =	sadd.s32 $0x100, s11  }
0xe: {  	s13 =	smov.u32 s6;
	p0 =	slt.s32 s12, s8  }
0xf: {  	s13 =	smov.u32 @p0 s12  }
0x10: {  	s10 =	sadd.s32 $0x1, s10;
	s12 =	smov.u32 s11;
	s11 =	smov.u32 s13  }
.LBB2_1:
0x11: {  	p0 =	sne.s32 s10, $0x0  }
.Ltmp2:
0x12: {  	_ = 	snop;
	(pc) =	sbr.rel @!p0 .LBB2_2-.Ltmp2, $1  }
0x13: {  	_ =	sdelay $0x3  }
0x14: {  	s13 =	sand.u32 $0x1, s10  }
0x15: {  	p0 =	seq.s32 s13, $0x0  }
.Ltmp3:
0x16: {  	_ = 	snop;
	(pc) =	sbr.rel @p0 .LBB2_9-.Ltmp3, $1  }
0x17: {  	_ =	sdelay $0x3  }
0x18: {  	_ =	swait.ge [sflag:s5], $0x100  }
0x19: {  	[sflag:s5] =	ssyncset.done $0x0  }
0x1a: {  	s13 =	simm.s32 $0x0;
	[sflag:s5] =	ssyncadd.s32 $0xFFFFFF00  }
0x1b: {  	v0 =	vld.msk [tilespmem:s13+$0x100 ss:$0x1], $0xffff;
	_ =	sdelay $0x4  }
0x1c: {  	vm2 =	vgt.s32 v0, $0x0  }
0x1d: {  	v0 =	vnsel vm2, $0x0, v0  }
0x1e: {  	v0 =	vmin.u32 v0, $0x1FFF  }
0x1f: {  	v0 =	vshll.u32 v0, $0x4;
	_ =	sdelay $0x3  }
0x20: {  	s13 =	simm.s32 $0x8200  }
0x21: {  	[tilespmem:s13], [sflag:$0x1] =	stream.indirect_vreg.gather [hbm:s2], $0x80, v0, vm0, $0x38;
	[tilespmem:$0x10200] =	vst v63  }
0x22: {  	s14 =	simm.s32 $0x8600;
	s31 =	simm.s32 $0x10  }
0x23: {  	[tilespmem:s14], [sflag:$0x1] =	stream.indirect_vreg.gather [hbm:s2], $0x80, v0, vm1, $0x38;
	[tilespmem:$0x10200] =	vst v63  }
0x24: {  	s14 =	simm.s32 $0x80;
	v0 =	vld.msk [tilespmem:s31+$0x100 ss:$0x1], $0xffff  }
.LBB2_5:
0x25: {  	p0 =	sne.s32 s14, $0x3C0;
	_ =	sdelay $0x4  }
0x26: {  	vm2 =	vgt.s32 v0, $0x0  }
0x27: {  	v0 =	vnsel vm2, $0x0, v0  }
0x28: {  	v0 =	vmin.u32 v0, $0x1FFF  }
0x29: {  	v0 =	vshll.u32 v0, $0x4;
	_ =	sdelay $0x3  }
.Ltmp4:
0x2a: {  	s13 =	sadd.s32 $0x800, s13;
	(pc) =	sbr.rel @p0 .LBB2_5-.Ltmp4, $4  }
0x2b: {  	[tilespmem:s13], [sflag:$0x1] =	stream.indirect_vreg.gather [hbm:s2], $0x80, v0, vm0, $0x38;
	[tilespmem:$0x10200] =	vst v63  }
0x2c: {  	s15 =	sshra.s32 s14, $0x2;
	s16 =	sadd.s32 $0x400, s13  }
0x2d: {  	[tilespmem:s16], [sflag:$0x1] =	stream.indirect_vreg.gather [hbm:s2], $0x80, v0, vm1, $0x38;
	[tilespmem:$0x10200] =	vst v63  }
0x2e: {  	s14 =	sadd.s32 $0x40, s14;
	v0 =	vld.msk [tilespmem:s15+$0x100 ss:$0x1], $0xffff  }
0x2f: {  	_ =	sdelay $0x3  }
0x30: {  	vm2 =	vgt.s32 v0, $0x0  }
0x31: {  	v0 =	vnsel vm2, $0x0, v0  }
0x32: {  	v0 =	vmin.u32 v0, $0x1FFF  }
0x33: {  	v0 =	vshll.u32 v0, $0x4;
	_ =	sdelay $0x3  }
0x34: {  	s13 =	sadd.s32 $0x800, s13  }
0x35: {  	[tilespmem:s13], [sflag:$0x1] =	stream.indirect_vreg.gather [hbm:s2], $0x80, v0, vm0, $0x38;
	[tilespmem:$0x10200] =	vst v63  }
0x36: {  	s13 =	sadd.s32 $0x400, s13  }
0x37: {  	[tilespmem:s13], [sflag:$0x1] =	stream.indirect_vreg.gather [hbm:s2], $0x80, v0, vm1, $0x38;
	[tilespmem:$0x10200] =	vst v63  }
0x38: {  	s12 =	sshll.u32 s12, $0x4;
	s14 =	simm.s32 $0x80;
	_ =	swait.ge [sflag:s4], $0x8000  }
0x39: {  	s15 =	simm.s32 $0x8600;
	s12 =	sadd.s32 s12, s7;
	[sflag:s4] =	ssyncset.done $0x0  }
0x3a: {  	s16 =	sadd.s32 $0x0, s12;
	s13 =	simm.s32 $0x8200;
	[sflag:s4] =	ssyncadd.s32 $0xFFFF8000  }
.LBB2_7:
0x3b: {  	[hbm:s16] =	stream.linear.scatter [tilespmem:s13], [sflag:$0x3], $0x400, $0x38;
	[tilespmem:$0x10200] =	vst v63  }
0x3c: {  	s16 =	smov.u32 s14;
	s13 =	smov.u32 s15;
	p0 =	sne.s32 s14, $0xF80  }
.Ltmp5:
0x3d: {  	s14 =	sadd.s32 $0x80, s14;
	(pc) =	sbr.rel @p0 .LBB2_7-.Ltmp5, $2  }
0x3e: {  	_ =	sdelay $0x2  }
0x3f: {  	s15 =	sadd.s32 $0x400, s15;
	s16 =	sadd.s32 s16, s12  }
.Ltmp6:
0x40: {  	(pc) =	sbr.rel .LBB2_9-.Ltmp6, $2  }
0x41: {  	_ =	sdelay $0x2  }
0x42: {  	[hbm:s16] =	stream.linear.scatter [tilespmem:s13], [sflag:$0x3], $0x400, $0x38;
	[tilespmem:$0x10200] =	vst v63  }
.LBB2_2:
.Ltmp7:
0x43: {  	(pc) =	sbr.rel .LBB2_10-.Ltmp7, $4  }
0x44: {  	_ = 	snop  }
0x45: {  	s12 =	sshrl.u32 s11, $0x3  }
0x46: {  	s13 =	sand.u32 $0x7, s11;
	s12 =	sadd.s32 s3, s12  }
0x47: {  	[tilespmem:s9], [sflag:$0x2] =	stream.linear.gather [hbm4b:s12+s13], $0x100, $0x38;
	[tilespmem:$0x10200] =	vst v63  }
.LBB2_11:
0x48: {  	s2 =	simm.s32 $0x3  }
0x49: {  	_ =	swait.ge [sflag:s2], $0x8000  }
0x4a: {  	[sflag:s2] =	ssyncset.done $0x0  }
0x4b: {  	[sflag:s2] =	ssyncadd.s32 $0xFFFF8000  }
0x4c: {  	_ =	sfence.sel $0x180000  }
0x4d: {  	s3 =	simm.s32 $0x2;
	[bflag:$0x0] =	sbarrier.arrive $0xFFFF  }
0x4e: {  	[sflag:s3] =	ssyncpa.u1 $0x1  }
0x4f: {  	s31 =	simm.s32 $0x1;
	[sflag:s2] =	ssyncpa.u1 $0x1  }
0x50: {  	[sflag:s31] =	ssyncpa.u1 $0x1  }
0x51: {  	p0 =	sne.s32 s1, $0x0;
	_ =	strace $0x90000050  }
0x52: {  	s0 =	sadd.s32 @!p0 $0x100000, s0;
	[bflag:$0x2] =	sbarrier.arrive $0xFFFF  }
0x53: {  	[sflag:s0] =	ssyncadd.tile.s32 @!p0 $0x1;
	_ =	shalt  }
.Lfunc_end2:
_tile_overlayer_lowered:
.L_overlay_start_2:
0x54: {  	(tag) =	ssettag $0x2  }
0x55: {  	s0 =	rddreg [dreg:$0x0];
	s2 =	stileid.u32  }
0x56: {  	s1 =	rddreg [dreg:$0x1];
	p0 =	sne.s32 s2, $0x0  }
0x57: {  	s3 =	rddreg [dreg:$0x2];
	[bflag:$0x3] =	sbarrier.arrive $0xFFFF;
	s2 =	simm.s32 @!p0 $0x1C01  }
0x58: {  	[timem:s3], [sflag:s2] =	dma.local @!p0 [hbm:s0], s1  }
0x59: {  	s0 =	simm.s32 @!p0 $0x1  }
0x5a: {  	_ =	swait.ge @!p0 [sflag:s0], s1  }
0x5b: {  	s1 =	ssub.s32 @!p0 $0x0, s1;
	[sflag:s0] =	ssyncset.done @!p0 $0x0  }
0x5c: {  	[sflag:s0] =	ssyncadd.s32 @!p0 s1  }
0x5d: {  	[bflag:$0x3] =	sbarrier.arrive $0xFFFF  }
0x5e: {  	_ =	shalt  }

// kernel: gather_offload_async_start
scs
__scs_entry_jumppad:
0x0: {  	(pc) =	sbr.rel $0x88, $3  }
0x1: {  	(tag) =	ssettag $0x0;
	lr =	simm.s32 $0x1  }
0x2: {  	[smem:$0x3F95] =	sst lr;
	_ =	strace $0xD0000000  }
0x3: {  	_ = 	snop  }
0x4: {  	_ = 	snop  }
0x5: {  	_ = 	snop  }
0x6: {  	_ = 	snop  }
0x7: {  	_ = 	snop  }
__scs_overlays_trampoline_lowered:
0x8: {  	[smem:$0x3FA4] =	sst s0  }
0x9: {  	[smem:$0x3FA5] =	sst s1  }
0xa: {  	[smem:$0x3FA6] =	sst s2  }
0xb: {  	[smem:$0x3FA7] =	sst s3  }
0xc: {  	[smem:$0x3FA8] =	sst s4  }
0xd: {  	[smem:$0x3FA9] =	sst s5  }
0xe: {  	[smem:$0x3FAA] =	sst s6  }
0xf: {  	[smem:$0x3FAB] =	sst s7  }
0x10: {  	[smem:$0x3FAC] =	sst s8  }
0x11: {  	[smem:$0x3FAD] =	sst s9;
	s0 =	simm.s32 @!p0 $0x0  }
0x12: {  	s1 =	sld [smem:$0x3F93];
	s0 =	simm.s32 @p0 $0x1  }
0x13: {  	[smem:$0x3FAE] =	sst s0;
	s0 =	simm.s32 @!p1 $0x0  }
0x14: {  	s2 =	sld [smem:$0x3F92];
	s0 =	simm.s32 @p1 $0x1  }
0x15: {  	[smem:$0x3FAF] =	sst s0;
	s0 =	simm.s32 @!p2 $0x0  }
0x16: {  	s3 =	sld [smem:$0x3FDB];
	s0 =	simm.s32 @p2 $0x1  }
0x17: {  	s4 =	simm.s32 $0x1BF5;
	[smem:$0x3FB1] =	sst s0  }
0x18: {  	s0 =	sld [smem:$0x3F94];
	_ =	swait.ge [sflag:s4], $0x0  }
0x19: {  	s7 =	sld [smem:$0x3F95]  }
0x1a: {  	s8 =	sadd.s32 $0xFFFFE003, lr  }
0x1b: {  	s9 =	sadd.s32 $0xFFFFFEF7, lr;
	s5 =	simm.s32 $0xFFFFFFFF;
	p2 =	slt.u32 s8, $0xFFFFF086  }
0x1c: {  	p1 =	slt.u32 s9, $0xF7A;
	s5 =	simm.s32 @!p2 $0x0  }
0x1d: {  	s5 =	simm.s32 @p1 $0x1;
	p0 =	seq.s32 s7, s2  }
0x1e: {  	s7 =	smul.u32 @!p0 $0xF7A, s2;
	p2 =	seq.s32 @!p0 s5, $0x0  }
0x1f: {  	s9 =	smul.u32 $0xF7A, s1;
	s8 =	simm.s32 @!p0 $0x1BF5;
	p2 =	por !p2, p0  }
0x20: {  	[sflag:s8] =	ssyncset.s32 @!p0 $0xFFFFF086;
	s6 =	sadd.s32 @!p0 s3, s7;
	s7 =	simm.s32 @!p0 $0x108  }
0x21: {  	s3 =	sadd.s32 s3, s9;
	s6 =	sadd.s32 @!p0 $0x88, s6;
	s7 =	simm.s32 @p2 $0x1082  }
0x22: {  	[simem:s7], [sflag:s8] =	dma.local @!p0 [hbm:s6], $0xF7A  }
0x23: {  	s9 =	sor.u32 $0xD0000000, s2;
	s6 =	simm.s32 $0x108;
	_ =	swait.ge @!p0 [sflag:s8], $0x0  }
0x24: {  	s3 =	sadd.s32 $0x88, s3;
	s6 =	simm.s32 @!p1 $0x1082;
	[sflag:s4] =	ssyncset.s32 $0xFFFFF086  }
0x25: {  	[simem:s6], [sflag:s4] =	dma.local [hbm:s3], $0xF7A  }
0x26: {  	[smem:$0x3F95] =	sst s1;
	(tag) =	ssettag s2;
	_ =	strace s9  }
0x27: {  	s1 =	sld [smem:$0x3FA5]  }
0x28: {  	s2 =	sld [smem:$0x3FA6]  }
0x29: {  	s4 =	sld [smem:$0x3FA8]  }
0x2a: {  	p0 =	seq.s32 s5, $0x0;
	s5 =	sld [smem:$0x3FA9]  }
0x2b: {  	s6 =	sld [smem:$0x3FAA]  }
0x2c: {  	s7 =	sld [smem:$0x3FAB]  }
0x2d: {  	s3 =	simm.s32 $0x108;
	s8 =	sld [smem:$0x3FAC]  }
0x2e: {  	s3 =	simm.s32 @!p0 $0x1082;
	s9 =	sld [smem:$0x3FAD]  }
0x2f: {  	lr =	sadd.s32 s0, s3;
	s0 =	sld [smem:$0x3FA4]  }
0x30: {  	s3 =	sld [smem:$0x3FA7]  }
0x31: {  	[smem:$0x3FB0] =	sst s10  }
0x32: {  	s10 =	sld [smem:$0x3FAE];
	_ =	sdelay $0x3  }
0x33: {  	p0 =	seq.s32 s10, $0x1;
	s10 =	sld [smem:$0x3FB0];
	_ =	sdelay $0x3  }
0x34: {  	[smem:$0x3FB0] =	sst s10  }
0x35: {  	s10 =	sld [smem:$0x3FAF];
	_ =	sdelay $0x3  }
0x36: {  	p1 =	seq.s32 s10, $0x1;
	s10 =	sld [smem:$0x3FB0];
	_ =	sdelay $0x3  }
0x37: {  	[smem:$0x3FB0] =	sst s10  }
0x38: {  	s10 =	sld [smem:$0x3FB1]  }
0x39: {  	_ = 	snop;
	(pc) =	sbr.ind lr, $3  }
0x3a: {  	_ = 	snop  }
0x3b: {  	_ = 	snop  }
0x3c: {  	p2 =	seq.s32 s10, $0x1;
	s10 =	sld [smem:$0x3FB0]  }
0x3d: {  	_ =	shalt  }
0x3e: {  	_ =	shalt  }
0x3f: {  	_ =	shalt  }
0x40: {  	_ =	shalt  }
0x41: {  	_ =	shalt  }
0x42: {  	_ =	shalt  }
0x43: {  	_ =	shalt  }
0x44: {  	_ =	shalt  }
0x45: {  	_ =	shalt  }
0x46: {  	_ =	shalt  }
0x47: {  	_ =	shalt  }
0x48: {  	_ =	shalt  }
0x49: {  	_ =	shalt  }
0x4a: {  	_ =	shalt  }
0x4b: {  	_ =	shalt  }
0x4c: {  	_ =	shalt  }
0x4d: {  	_ =	shalt  }
0x4e: {  	_ =	shalt  }
0x4f: {  	_ =	shalt  }
0x50: {  	_ =	shalt  }
0x51: {  	_ =	shalt  }
0x52: {  	_ =	shalt  }
0x53: {  	_ =	shalt  }
0x54: {  	_ =	shalt  }
0x55: {  	_ =	shalt  }
0x56: {  	_ =	shalt  }
0x57: {  	_ =	shalt  }
0x58: {  	_ =	shalt  }
0x59: {  	_ =	shalt  }
0x5a: {  	_ =	shalt  }
0x5b: {  	_ =	shalt  }
0x5c: {  	_ =	shalt  }
0x5d: {  	_ =	shalt  }
0x5e: {  	_ =	shalt  }
0x5f: {  	_ =	shalt  }
0x60: {  	_ =	shalt  }
0x61: {  	_ =	shalt  }
0x62: {  	_ =	shalt  }
0x63: {  	_ =	shalt  }
0x64: {  	_ =	shalt  }
0x65: {  	_ =	shalt  }
0x66: {  	_ =	shalt  }
0x67: {  	_ =	shalt  }
0x68: {  	_ =	shalt  }
0x69: {  	_ =	shalt  }
0x6a: {  	_ =	shalt  }
0x6b: {  	_ =	shalt  }
0x6c: {  	_ =	shalt  }
0x6d: {  	_ =	shalt  }
0x6e: {  	_ =	shalt  }
0x6f: {  	_ =	shalt  }
0x70: {  	_ =	shalt  }
0x71: {  	_ =	shalt  }
0x72: {  	_ =	shalt  }
0x73: {  	_ =	shalt  }
0x74: {  	_ =	shalt  }
0x75: {  	_ =	shalt  }
0x76: {  	_ =	shalt  }
0x77: {  	_ =	shalt  }
0x78: {  	_ =	shalt  }
0x79: {  	_ =	shalt  }
0x7a: {  	_ =	shalt  }
0x7b: {  	_ =	shalt  }
0x7c: {  	_ =	shalt  }
0x7d: {  	_ =	shalt  }
0x7e: {  	_ =	shalt  }
0x7f: {  	_ =	shalt  }
0x80: {  	_ =	shalt  }
0x81: {  	_ =	shalt  }
0x82: {  	_ =	shalt  }
0x83: {  	_ =	shalt  }
0x84: {  	_ =	shalt  }
0x85: {  	_ =	shalt  }
0x86: {  	_ =	shalt  }
0x87: {  	_ =	shalt  }
.Lfunc_end0:
.L_simem_size_0:
called_computation_lowered:
.L_overlay_start_0:
0x88: {  	s2 =	sld [smem:$0x3FD9]  }
0x89: {  	s3 =	sld [smem:$0x3FFE];
	_ =	sdelay $0x1  }
0x8a: {  	s1 =	srdreg.scid  }
0x8b: {  	s0 =	sand.u32 $0x1, s1  }
0x8c: {  	s14 =	sshll.u32 s0, $0xA;
	s2 =	sadd.s32 s3, s2  }
0x8d: {  	s2 =	sadd.s32 s2, s14  }
0x8e: {  	[smem:$0x3FBC] =	sst s2  }
0x8f: {  	_ = 	snop  }
0x90: {  	s2 =	sld [smem:$0x3FD0];
	_ =	sdelay $0x2  }
0x91: {  	s15 =	simm.s32 $0xD;
	s4 =	simm.s32 $0x10  }
0x92: {  	[smem:s4], [sflag:s15] =	dma.local [hbm:s2], $0x1  }
0x93: {  	_ =	swait.eq [sflag:s15], $0x1  }
0x94: {  	[sflag:s15] =	ssyncset.done $0x0  }
0x95: {  	[sflag:s15] =	ssyncadd.s32 $0xFFFFFFFF  }
0x96: {  	s16 =	sld [smem:$0x11];
	(tm) =	ssettm $0x1  }
0x97: {  	s17 =	sld [smem:$0x3FFB];
	_ =	sdelay $0x3  }
0x98: {  	_ =	strace s17  }
0x99: {  	s3 =	sld [smem:$0x3FFC];
	_ =	sdelay $0x3  }
0x9a: {  	_ =	strace s3  }
0x9b: {  	s3 =	sld [smem:$0x3FFD];
	_ =	sdelay $0x3  }
0x9c: {  	_ =	strace s3  }
0x9d: {  	_ =	strace $0x8FFFFFFF  }
0x9e: {  	s18 =	sld [smem:$0x3FDB];
	_ =	sdelay $0x1  }
0x9f: {  	s19 =	simm.s32 $_scs_section_size  }
0xa0: {  	s5 =	simm.s32 $_size__tile_overlayer_lowered;
	s6 =	simm.s32 $_tile_overlayer_lowered  }
0xa1: {  	s22 =	simm.s32 $0x1BFF;
	s21 =	sshll.u32 s6, $0x1;
	s3 =	sadd.s32 s19, s18  }
0xa2: {  	s7 =	simm.s32 $0x0;
	s20 =	sshll.u32 s5, $0x1;
	s5 =	sadd.s32 s21, s3  }
0xa3: {  	[timem:s7], [sflag:s22] =	dma.local [hbm:s5], s20  }
0xa4: {  	_ =	swait.ge [sflag:s22], s20  }
0xa5: {  	s4 =	ssub.s32 $0x0, s20;
	[sflag:s22] =	ssyncset.done $0x0  }
0xa6: {  	[sflag:s22] =	ssyncadd.s32 s4;
	_ =	sdelay $0x1  }
0xa7: {  	s23 =	simm.s32 $0x1B8B  }
0xa8: {  	_ =	swait.ge [sflag:s23], $0x1  }
0xa9: {  	[sflag:s23] =	ssyncset.done $0x0  }
0xaa: {  	s25 =	simm.s32 $0x1B8E;
	s24 =	sld [smem:$0x3FFE];
	[sflag:s23] =	ssyncadd.s32 $0xFFFFFFFF  }
0xab: {  	s26 =	simm.s32 $execute0_lowered;
	[smem:$0x3FD2] =	sst s25  }
0xac: {  	s5 =	sshll.u32 s26, $0x1;
	_ =	strace $0x80000046;
	[dreg:$0x1] =	wrdreg $0xFFFFFFFF  }
0xad: {  	s28 =	simm.s32 $_size_execute0_lowered;
	s3 =	sadd.s32 s3, s5;
	[dreg:$0x0] =	wrdreg $0x0  }
0xae: {  	s5 =	sshll.u32 s28, $0x1;
	[dreg:$0x2] =	wrdreg s3  }
0xaf: {  	[dreg:$0x3] =	wrdreg s5  }
0xb0: {  	[dreg:$0x4] =	wrdreg $0xC0  }
0xb1: {  	_ =	task [dreg:s7], $0x5FFFF  }
0xb2: {  	[dreg:$0x1] =	wrdreg $0xFFFFFFFF  }
0xb3: {  	[dreg:$0x0] =	wrdreg $0x60  }
0xb4: {  	[dreg:$0x2] =	wrdreg s16  }
0xb5: {  	[dreg:$0x3] =	wrdreg s24  }
0xb6: {  	[dreg:$0x4] =	wrdreg $0xC  }
0xb7: {  	_ =	task.clear_ibuf [dreg:s7], $0x5FFFF;
	_ =	strace $0x90000046  }
0xb8: {  	s29 =	simm.s32 $0xC;
	_ =	strace $0x80000048  }
0xb9: {  	_ =	swait.ge [sflag:s29], $0x1  }
0xba: {  	[sflag:s29] =	ssyncadd.s32 $0xFFFFFFFF  }
0xbb: {  	_ =	strace $0x90000048  }
0xbc: {  	_ =	sfence  }
0xbd: {  	s30 =	sld [smem:$0x0];
	_ =	sdelay $0x2  }
0xbe: {  	s31 =	sshll.u32 s1, $0xD;
	s1 =	sshrl.u32 s1, $0x2  }
0xbf: {  	s3 =	sand.u32 $0x4000, s31;
	s1 =	sadd.s32 s1, s30  }
0xc0: {  	s0 =	sor.u32 s3, s0;
	s1 =	sshll.u32 s1, $0x11  }
0xc1: {  	s0 =	sor.u32 s1, s0  }
0xc2: {  	s0 =	sadd.s32 $0x8F2B, s0  }
0xc3: {  	[sflag:s0] =	ssyncadd.remote.s32 $0x1  }
0xc4: {  	_ =	sfence.sel $0xFFFF  }
0xc5: {  	[dreg:$0x0] =	wrdreg $0xFFFFFFFF;
	(pc) =	sbr.abs _section_cstart, $3  }
0xc6: {  	[dreg:$0x1] =	wrdreg $0xFFFFFFFF  }
0xc7: {  	_ =	task.clear_ibuf [dreg:s7], $0x2FFFF;
	_ =	strace $0x9FFFFFFF  }
0xc8: {  	(tm) =	ssettm $0x7FFFFFFF  }
0xc9: {  	_ =	shalt  }
tec
execute0_lowered:
.L_overlay_start_1:
0x0: {  	(tag) =	ssettag $0x1  }
0x1: {  	s1 =	srdreg.scid;
	s2 =	rddreg [dreg:$0x0]  }
0x2: {  	s0 =	stileid.u32;
	s5 =	rddreg [dreg:$0x1];
	s6 =	simm.s32 $0x1  }
0x3: {  	s9 =	simm.s32 $0x1;
	s10 =	simm.s32 $0x3;
	s1 =	sshll.u32 s1, $0x7  }
0x4: {  	s13 =	simm.s32 $0x0;
	s3 =	sshll.u32 s0, $0x8;
	s4 =	sand.u32 $0x80, s1  }
0x5: {  	s12 =	simm.s32 $0x0;
	s1 =	rddreg [dreg:$0x2];
	s3 =	sor.u32 s3, s4  }
0x6: {  	_ =	strace $0x80000047;
	s4 =	sadd.s32 $0x1C00, s5;
	s8 =	ssub.s32 $0x2000, s3  }
.Ltmp0:
0x7: {  	s5 =	sadd.s32 $0x22800, s5;
	s7 =	sand.u32 $0xF80, s8;
	(pc) =	sbr.rel .LBB2_1-.Ltmp0, $4  }
0x8: {  	[sflag:s6] =	ssyncpa.u1 $0x0;
	s11 =	smov.u32 s3;
	p0 =	sne.s32 s7, $0x0  }
0x9: {  	s8 =	sshrl.u32 s8, $0xC;
	s7 =	simm.s32 $0x2;
	s9 =	simm.s32 @!p0 $0x0  }
0xa: {  	[sflag:s7] =	ssyncpa.u1 $0x0;
	p0 =	por $0x0, $0x0;
	s8 =	sadd.s32 s9, s8  }
0xb: {  	vm0 =	vmmov $0xffff;
	[sflag:s10] =	ssyncpa.u1 $0x0;
	s10 =	simm.s32 $0x0;
	s9 =	sadd.s32 $0x1, s8  }
.LBB2_4:
0xc: {  	v2 =	vnsel vm1, $0x0, v2  }
0xd: {  	vm1 =	vgt.s32 v0, $0x0;
	v2 =	vmin.u32 v2, $0x1FFF  }
0xe: {  	v0 =	vnsel vm1, $0x0, v0  }
0xf: {  	v0 =	vmin.u32 v0, $0x1FFF  }
0x10: {  	[tilespmem:s15], [sflag:$0x1] =	stream.indirect_vreg.gather [hbm4b:s2+s10], $0x1, v1, vm0, $0x4038;
	[tilespmem:$0x200] =	vst v63  }
0x11: {  	(ifvalue) =	ssetifvalue $0x7FFFFFFF  }
0x12: {  	[tilespmem:s16], [sflag:$0x1] =	stream.indirect_vreg.gather [hbm4b:s2+s10], $0x1, v2, vm0, $0x4038;
	[tilespmem:$0x200] =	vst v63  }
0x13: {  	s29 =	sadd.s32 $0x10, s16;
	(ifvalue) =	ssetifvalue $0x7FFFFFFF  }
0x14: {  	[tilespmem:s29], [sflag:$0x1] =	stream.indirect_vreg.gather [hbm4b:s2+s10], $0x1, v0, vm0, $0x4038;
	[tilespmem:$0x200] =	vst v63  }
0x15: {  	_ =	swait.ge [sflag:s6], $0x80  }
0x16: {  	s30 =	sshrl.u32 s13, $0x3;
	[sflag:s6] =	ssyncset.done $0x0  }
0x17: {  	s31 =	sand.u32 $0x7, s13;
	s15 =	sadd.s32 s5, s30;
	[sflag:s6] =	ssyncadd.s32 $0xFFFFFF80  }
0x18: {  	[hbm4b:s15+s31] =	stream.linear.scatter [tilespmem:s14], [sflag:$0x3], $0x80, $0x38;
	[tilespmem:$0x200] =	vst v63  }
.LBB2_5:
0x19: {  	s15 =	sadd.s32 $0x1000, s11  }
0x1a: {  	p2 =	sgt.s32 s15, $0x1FFF  }
0x1b: {  	s15 =	smov.u32 @p2 s3;
	p2 =	sne.s32 s12, s9  }
.Ltmp1:
0x1c: {  	p1 =	slt.u32 s12, $0x2;
	(pc) =	sbr.rel @!p2 .LBB2_6-.Ltmp1, $4  }
0x1d: {  	s14 =	simm.s32 @!p1 $0x3  }
0x1e: {  	s16 =	sadd.s32 $0x1, s12;
	_ =	swait.ge @!p1 [sflag:s14], $0x80  }
0x1f: {  	s13 =	smov.u32 s11;
	p0 =	por !p0, !p0;
	[sflag:s14] =	ssyncset.done @!p1 $0x0  }
0x20: {  	s12 =	smov.u32 s16;
	s11 =	smov.u32 s15;
	[sflag:s14] =	ssyncadd.s32 @!p1 $0xFFFFFF80  }
.LBB2_1:
0x21: {  	p1 =	sge.u32 s12, s8  }
0x22: {  	s14 =	sxor.u32 @!p1 $0xFFFFFFFF, s12  }
0x23: {  	s31 =	sadd.s32 $0xFFFFFFFF, s12;
	s15 =	sshrl.u32 @!p1 s11, $0x3;
	s14 =	sshll.u32 @!p1 s14, $0x7  }
0x24: {  	s16 =	sand.u32 @!p1 $0x7, s11;
	s15 =	sadd.s32 @!p1 s4, s15;
	s14 =	sand.u32 @!p1 $0x80, s14  }
0x25: {  	[tilespmem:s14], [sflag:$0x2] =	stream.linear.gather @!p1 [hbm4b:s15+s16], $0x80, $0x38;
	[tilespmem:$0x200] =	vst v63  }
0x26: {  	p1 =	sge.u32 s31, s8  }
.Ltmp2:
0x27: {  	_ = 	snop;
	(pc) =	sbr.rel @p1 .LBB2_5-.Ltmp2, $1  }
0x28: {  	_ =	sdelay $0x3  }
0x29: {  	s14 =	simm.s32 $0x1  }
0x2a: {  	_ =	swait.ge [sflag:s7], $0x80;
	s14 =	simm.s32 @!p0 $0x0  }
0x2b: {  	[sflag:s7] =	ssyncset.done $0x0;
	s14 =	sshll.u32 s14, $0x7  }
0x2c: {  	[sflag:s7] =	ssyncadd.s32 $0xFFFFFF80;
	(ifvalue) =	ssetifvalue $0x7FFFFFFF;
	v0 =	vld.msk [tilespmem:s14+$0x0 ss:$0x1], $0xffff;
	_ =	sdelay $0x4  }
0x2d: {  	s15 =	sadd.s32 $0x10, s14;
	vm1 =	vgt.s32 v0, $0x0  }
0x2e: {  	v2 =	vld.msk [tilespmem:s15+$0x0 ss:$0x1], $0xffff;
	v1 =	vnsel vm1, $0x0, v0  }
0x2f: {  	v1 =	vmin.u32 v1, $0x1FFF;
	_ =	sdelay $0x1  }
0x30: {  	s16 =	sshll.u32 s12, $0x7;
	s18 =	simm.s32 $0x20  }
0x31: {  	s16 =	sand.u32 $0x80, s16;
	s17 =	sadd.s32 $0x10, s15;
	s15 =	sor.u32 $0x100, s14  }
0x32: {  	s14 =	sor.u32 $0x100, s16;
	s16 =	sadd.s32 $0x10, s15;
	v0 =	vld.msk [tilespmem:s17+$0x0 ss:$0x1], $0xffff;
	vm1 =	vgt.s32 v2, $0x0;
	(ifvalue) =	ssetifvalue $0x7FFFFFFF  }
.LBB2_3:
0x33: {  	[tilespmem:s15], [sflag:$0x1] =	stream.indirect_vreg.gather [hbm4b:s2+s10], $0x1, v1, vm0, $0x4038;
	[tilespmem:$0x200] =	vst v63  }
0x34: {  	s18 =	sadd.s32 $0x10, s18  }
0x35: {  	v2 =	vnsel vm1, $0x0, v2;
	p1 =	slt.u32 s18, $0x70  }
.Ltmp3:
0x36: {  	s15 =	smov.u32 s16;
	v1 =	vmin.u32 v2, $0x1FFF;
	(pc) =	sbr.rel @p1 .LBB2_3-.Ltmp3, $3  }
0x37: {  	_ =	sdelay $0x1  }
0x38: {  	s17 =	sadd.s32 $0x10, s17  }
0x39: {  	vm1 =	vgt.s32 v0, $0x0;
	s16 =	sadd.s32 $0x10, s16;
	v2 =	vmov v0;
	(ifvalue) =	ssetifvalue $0x7FFFFFFF;
	v0 =	vld.msk [tilespmem:s17+$0x0 ss:$0x1], $0xffff  }
.Ltmp4:
0x3a: {  	_ = 	snop;
	(pc) =	sbr.rel .LBB2_4-.Ltmp4, $1  }
0x3b: {  	_ =	sdelay $0x3  }
.LBB2_6:
0x3c: {  	_ =	sfence.sel $0x180000  }
0x3d: {  	s2 =	simm.s32 $0x2;
	[bflag:$0x0] =	sbarrier.arrive $0xFFFF  }
0x3e: {  	s30 =	simm.s32 $0x3;
	[sflag:s2] =	ssyncpa.u1 $0x1  }
0x3f: {  	s31 =	simm.s32 $0x1;
	[sflag:s30] =	ssyncpa.u1 $0x1  }
0x40: {  	[sflag:s31] =	ssyncpa.u1 $0x1  }
0x41: {  	p0 =	sne.s32 s0, $0x0;
	_ =	strace $0x90000047  }
0x42: {  	s0 =	sadd.s32 @!p0 $0x100000, s1;
	[bflag:$0x2] =	sbarrier.arrive $0xFFFF  }
0x43: {  	[sflag:s0] =	ssyncadd.tile.s32 @!p0 $0x1;
	_ =	shalt  }
.Lfunc_end2:
_tile_overlayer_lowered:
.L_overlay_start_2:
0x44: {  	(tag) =	ssettag $0x2  }
0x45: {  	s0 =	rddreg [dreg:$0x0];
	s2 =	stileid.u32  }
0x46: {  	s1 =	rddreg [dreg:$0x1];
	p0 =	sne.s32 s2, $0x0  }
0x47: {  	s3 =	rddreg [dreg:$0x2];
	[bflag:$0x3] =	sbarrier.arrive $0xFFFF;
	s2 =	simm.s32 @!p0 $0x1C01  }
0x48: {  	[timem:s3], [sflag:s2] =	dma.local @!p0 [hbm:s0], s1  }
0x49: {  	s0 =	simm.s32 @!p0 $0x1  }
0x4a: {  	_ =	swait.ge @!p0 [sflag:s0], s1  }
0x4b: {  	s1 =	ssub.s32 @!p0 $0x0, s1;
	[sflag:s0] =	ssyncset.done @!p0 $0x0  }
0x4c: {  	[sflag:s0] =	ssyncadd.s32 @!p0 s1  }
0x4d: {  	[bflag:$0x3] =	sbarrier.arrive $0xFFFF  }
0x4e: {  	_ =	shalt  }

// kernel: kernel.6.cloned.1.call-start
scs
__scs_entry_jumppad:
0x0: {  	(pc) =	sbr.rel $0x88, $3  }
0x1: {  	(tag) =	ssettag $0x0;
	lr =	simm.s32 $0x1  }
0x2: {  	[smem:$0x3F95] =	sst lr;
	_ =	strace $0xD0000000  }
0x3: {  	_ = 	snop  }
0x4: {  	_ = 	snop  }
0x5: {  	_ = 	snop  }
0x6: {  	_ = 	snop  }
0x7: {  	_ = 	snop  }
__scs_overlays_trampoline_lowered:
0x8: {  	[smem:$0x3FA4] =	sst s0  }
0x9: {  	[smem:$0x3FA5] =	sst s1  }
0xa: {  	[smem:$0x3FA6] =	sst s2  }
0xb: {  	[smem:$0x3FA7] =	sst s3  }
0xc: {  	[smem:$0x3FA8] =	sst s4  }
0xd: {  	[smem:$0x3FA9] =	sst s5  }
0xe: {  	[smem:$0x3FAA] =	sst s6  }
0xf: {  	[smem:$0x3FAB] =	sst s7  }
0x10: {  	[smem:$0x3FAC] =	sst s8  }
0x11: {  	[smem:$0x3FAD] =	sst s9;
	s0 =	simm.s32 @!p0 $0x0  }
0x12: {  	s1 =	sld [smem:$0x3F93];
	s0 =	simm.s32 @p0 $0x1  }
0x13: {  	[smem:$0x3FAE] =	sst s0;
	s0 =	simm.s32 @!p1 $0x0  }
0x14: {  	s2 =	sld [smem:$0x3F92];
	s0 =	simm.s32 @p1 $0x1  }
0x15: {  	[smem:$0x3FAF] =	sst s0;
	s0 =	simm.s32 @!p2 $0x0  }
0x16: {  	s3 =	sld [smem:$0x3FDB];
	s0 =	simm.s32 @p2 $0x1  }
0x17: {  	s4 =	simm.s32 $0x1BF5;
	[smem:$0x3FB1] =	sst s0  }
0x18: {  	s0 =	sld [smem:$0x3F94];
	_ =	swait.ge [sflag:s4], $0x0  }
0x19: {  	s7 =	sld [smem:$0x3F95]  }
0x1a: {  	s8 =	sadd.s32 $0xFFFFE003, lr  }
0x1b: {  	s9 =	sadd.s32 $0xFFFFFEF7, lr;
	s5 =	simm.s32 $0xFFFFFFFF;
	p2 =	slt.u32 s8, $0xFFFFF086  }
0x1c: {  	p1 =	slt.u32 s9, $0xF7A;
	s5 =	simm.s32 @!p2 $0x0  }
0x1d: {  	s5 =	simm.s32 @p1 $0x1;
	p0 =	seq.s32 s7, s2  }
0x1e: {  	s7 =	smul.u32 @!p0 $0xF7A, s2;
	p2 =	seq.s32 @!p0 s5, $0x0  }
0x1f: {  	s9 =	smul.u32 $0xF7A, s1;
	s8 =	simm.s32 @!p0 $0x1BF5;
	p2 =	por !p2, p0  }
0x20: {  	[sflag:s8] =	ssyncset.s32 @!p0 $0xFFFFF086;
	s6 =	sadd.s32 @!p0 s3, s7;
	s7 =	simm.s32 @!p0 $0x108  }
0x21: {  	s3 =	sadd.s32 s3, s9;
	s6 =	sadd.s32 @!p0 $0x88, s6;
	s7 =	simm.s32 @p2 $0x1082  }
0x22: {  	[simem:s7], [sflag:s8] =	dma.local @!p0 [hbm:s6], $0xF7A  }
0x23: {  	s9 =	sor.u32 $0xD0000000, s2;
	s6 =	simm.s32 $0x108;
	_ =	swait.ge @!p0 [sflag:s8], $0x0  }
0x24: {  	s3 =	sadd.s32 $0x88, s3;
	s6 =	simm.s32 @!p1 $0x1082;
	[sflag:s4] =	ssyncset.s32 $0xFFFFF086  }
0x25: {  	[simem:s6], [sflag:s4] =	dma.local [hbm:s3], $0xF7A  }
0x26: {  	[smem:$0x3F95] =	sst s1;
	(tag) =	ssettag s2;
	_ =	strace s9  }
0x27: {  	s1 =	sld [smem:$0x3FA5]  }
0x28: {  	s2 =	sld [smem:$0x3FA6]  }
0x29: {  	s4 =	sld [smem:$0x3FA8]  }
0x2a: {  	p0 =	seq.s32 s5, $0x0;
	s5 =	sld [smem:$0x3FA9]  }
0x2b: {  	s6 =	sld [smem:$0x3FAA]  }
0x2c: {  	s7 =	sld [smem:$0x3FAB]  }
0x2d: {  	s3 =	simm.s32 $0x108;
	s8 =	sld [smem:$0x3FAC]  }
0x2e: {  	s3 =	simm.s32 @!p0 $0x1082;
	s9 =	sld [smem:$0x3FAD]  }
0x2f: {  	lr =	sadd.s32 s0, s3;
	s0 =	sld [smem:$0x3FA4]  }
0x30: {  	s3 =	sld [smem:$0x3FA7]  }
0x31: {  	[smem:$0x3FB0] =	sst s10  }
0x32: {  	s10 =	sld [smem:$0x3FAE];
	_ =	sdelay $0x3  }
0x33: {  	p0 =	seq.s32 s10, $0x1;
	s10 =	sld [smem:$0x3FB0];
	_ =	sdelay $0x3  }
0x34: {  	[smem:$0x3FB0] =	sst s10  }
0x35: {  	s10 =	sld [smem:$0x3FAF];
	_ =	sdelay $0x3  }
0x36: {  	p1 =	seq.s32 s10, $0x1;
	s10 =	sld [smem:$0x3FB0];
	_ =	sdelay $0x3  }
0x37: {  	[smem:$0x3FB0] =	sst s10  }
0x38: {  	s10 =	sld [smem:$0x3FB1]  }
0x39: {  	_ = 	snop;
	(pc) =	sbr.ind lr, $3  }
0x3a: {  	_ = 	snop  }
0x3b: {  	_ = 	snop  }
0x3c: {  	p2 =	seq.s32 s10, $0x1;
	s10 =	sld [smem:$0x3FB0]  }
0x3d: {  	_ =	shalt  }
0x3e: {  	_ =	shalt  }
0x3f: {  	_ =	shalt  }
0x40: {  	_ =	shalt  }
0x41: {  	_ =	shalt  }
0x42: {  	_ =	shalt  }
0x43: {  	_ =	shalt  }
0x44: {  	_ =	shalt  }
0x45: {  	_ =	shalt  }
0x46: {  	_ =	shalt  }
0x47: {  	_ =	shalt  }
0x48: {  	_ =	shalt  }
0x49: {  	_ =	shalt  }
0x4a: {  	_ =	shalt  }
0x4b: {  	_ =	shalt  }
0x4c: {  	_ =	shalt  }
0x4d: {  	_ =	shalt  }
0x4e: {  	_ =	shalt  }
0x4f: {  	_ =	shalt  }
0x50: {  	_ =	shalt  }
0x51: {  	_ =	shalt  }
0x52: {  	_ =	shalt  }
0x53: {  	_ =	shalt  }
0x54: {  	_ =	shalt  }
0x55: {  	_ =	shalt  }
0x56: {  	_ =	shalt  }
0x57: {  	_ =	shalt  }
0x58: {  	_ =	shalt  }
0x59: {  	_ =	shalt  }
0x5a: {  	_ =	shalt  }
0x5b: {  	_ =	shalt  }
0x5c: {  	_ =	shalt  }
0x5d: {  	_ =	shalt  }
0x5e: {  	_ =	shalt  }
0x5f: {  	_ =	shalt  }
0x60: {  	_ =	shalt  }
0x61: {  	_ =	shalt  }
0x62: {  	_ =	shalt  }
0x63: {  	_ =	shalt  }
0x64: {  	_ =	shalt  }
0x65: {  	_ =	shalt  }
0x66: {  	_ =	shalt  }
0x67: {  	_ =	shalt  }
0x68: {  	_ =	shalt  }
0x69: {  	_ =	shalt  }
0x6a: {  	_ =	shalt  }
0x6b: {  	_ =	shalt  }
0x6c: {  	_ =	shalt  }
0x6d: {  	_ =	shalt  }
0x6e: {  	_ =	shalt  }
0x6f: {  	_ =	shalt  }
0x70: {  	_ =	shalt  }
0x71: {  	_ =	shalt  }
0x72: {  	_ =	shalt  }
0x73: {  	_ =	shalt  }
0x74: {  	_ =	shalt  }
0x75: {  	_ =	shalt  }
0x76: {  	_ =	shalt  }
0x77: {  	_ =	shalt  }
0x78: {  	_ =	shalt  }
0x79: {  	_ =	shalt  }
0x7a: {  	_ =	shalt  }
0x7b: {  	_ =	shalt  }
0x7c: {  	_ =	shalt  }
0x7d: {  	_ =	shalt  }
0x7e: {  	_ =	shalt  }
0x7f: {  	_ =	shalt  }
0x80: {  	_ =	shalt  }
0x81: {  	_ =	shalt  }
0x82: {  	_ =	shalt  }
0x83: {  	_ =	shalt  }
0x84: {  	_ =	shalt  }
0x85: {  	_ =	shalt  }
0x86: {  	_ =	shalt  }
0x87: {  	_ =	shalt  }
.Lfunc_end0:
.L_simem_size_0:
called_computation.4_lowered:
.L_overlay_start_0:
0x88: {  	s2 =	sld [smem:$0x3FD9]  }
0x89: {  	s3 =	sld [smem:$0x3FFE];
	_ =	sdelay $0x1  }
0x8a: {  	s1 =	srdreg.scid  }
0x8b: {  	s0 =	sand.u32 $0x1, s1  }
0x8c: {  	s15 =	sshll.u32 s0, $0xA;
	s2 =	sadd.s32 s3, s2  }
0x8d: {  	s2 =	sadd.s32 s2, s15  }
0x8e: {  	[smem:$0x3FBC] =	sst s2  }
0x8f: {  	_ = 	snop  }
0x90: {  	s16 =	sld [smem:$0x3FD0];
	_ =	sdelay $0x2  }
0x91: {  	s4 =	simm.s32 $0xD;
	s5 =	simm.s32 $0x10;
	s2 =	sld [smem:$0x3FC5]  }
0x92: {  	[smem:s5], [sflag:s4] =	dma.local [hbm:s16], $0x1  }
0x93: {  	_ =	swait.eq [sflag:s4], $0x1  }
0x94: {  	[sflag:s4] =	ssyncset.done $0x0  }
0x95: {  	[sflag:s4] =	ssyncadd.s32 $0xFFFFFFFF  }
0x96: {  	s17 =	sld [smem:$0x10];
	(tm) =	ssettm $0x1  }
0x97: {  	s18 =	sld [smem:$0x3FFB];
	_ =	sdelay $0x3  }
0x98: {  	_ =	strace s18  }
0x99: {  	s3 =	sld [smem:$0x3FFC];
	_ =	sdelay $0x3  }
0x9a: {  	_ =	strace s3  }
0x9b: {  	s3 =	sld [smem:$0x3FFD];
	_ =	sdelay $0x3  }
0x9c: {  	_ =	strace s3  }
0x9d: {  	_ =	strace $0x8FFFFFFF  }
0x9e: {  	s19 =	sld [smem:$0x3FDB];
	_ =	sdelay $0x1  }
0x9f: {  	s20 =	simm.s32 $_scs_section_size  }
0xa0: {  	s6 =	simm.s32 $_size__tile_overlayer_lowered;
	s7 =	simm.s32 $_tile_overlayer_lowered  }
0xa1: {  	s8 =	simm.s32 $0x1BFF;
	s21 =	sshll.u32 s7, $0x1;
	s5 =	sadd.s32 s20, s19  }
0xa2: {  	s22 =	simm.s32 $0x0;
	s6 =	sshll.u32 s6, $0x1;
	s7 =	sadd.s32 s21, s5  }
0xa3: {  	[timem:s22], [sflag:s8] =	dma.local [hbm:s7], s6  }
0xa4: {  	_ =	swait.ge [sflag:s8], s6  }
0xa5: {  	s6 =	ssub.s32 $0x0, s6;
	[sflag:s8] =	ssyncset.done $0x0  }
0xa6: {  	[sflag:s8] =	ssyncadd.s32 s6;
	_ =	sdelay $0x1  }
0xa7: {  	s23 =	simm.s32 $0x1B8B  }
0xa8: {  	_ =	swait.ge [sflag:s23], $0x1  }
0xa9: {  	[sflag:s23] =	ssyncset.done $0x0  }
0xaa: {  	[sflag:s23] =	ssyncadd.s32 $0xFFFFFFFF  }
0xab: {  	s6 =	sld [smem:$0x0]  }
0xac: {  	s7 =	sand.u32 $0xFFFFFFFE, s1  }
0xad: {  	p0 =	sne.s32 s1, s7  }
0xae: {  	s7 =	sshll.u32 @p0 s7, $0xE  }
0xaf: {  	s7 =	sadd.s32 @p0 $0x11B8D, s7;
	s8 =	sshll.u32 @p0 s6, $0x11  }
0xb0: {  	s7 =	sor.u32 @p0 s8, s7  }
0xb1: {  	[sflag:s7] =	ssyncadd.remote.s32 @p0 $0x1;
	_ =	sdelay $0x1  }
0xb2: {  	s7 =	simm.s32 @p0 $0x1B8D  }
0xb3: {  	_ =	swait.eq @p0 [sflag:s7], $0x1  }
0xb4: {  	[sflag:s7] =	ssyncadd.s32 @p0 $0xFFFFFFFF  }
0xb5: {  	s8 =	sshll.u32 @!p0 s1, $0xE  }
0xb6: {  	s8 =	sor.u32 @!p0 $0x4000, s8;
	s7 =	simm.s32 @!p0 $0x1B8D  }
0xb7: {  	s6 =	sshll.u32 @!p0 s6, $0x11;
	s8 =	sadd.s32 @!p0 $0x11B8D, s8;
	_ =	swait.eq @!p0 [sflag:s7], $0x1  }
0xb8: {  	s6 =	sor.u32 @!p0 s6, s8;
	[sflag:s7] =	ssyncadd.s32 @!p0 $0xFFFFFFFF  }
0xb9: {  	s25 =	simm.s32 $0x1B8E;
	s24 =	sld [smem:$0x3FFE];
	[sflag:s6] =	ssyncadd.remote.s32 @!p0 $0x1  }
0xba: {  	s26 =	simm.s32 $execute0_lowered;
	[smem:$0x3FD2] =	sst s25  }
0xbb: {  	s7 =	sshll.u32 s26, $0x1;
	_ =	strace $0x80000052;
	[dreg:$0x1] =	wrdreg $0xFFFFFFFF  }
0xbc: {  	s28 =	simm.s32 $_size_execute0_lowered;
	s5 =	sadd.s32 s5, s7;
	[dreg:$0x0] =	wrdreg $0x0  }
0xbd: {  	s7 =	sshll.u32 s28, $0x1;
	[dreg:$0x2] =	wrdreg s5  }
0xbe: {  	[dreg:$0x3] =	wrdreg s7  }
0xbf: {  	[dreg:$0x4] =	wrdreg $0xC0  }
0xc0: {  	_ =	task [dreg:s22], $0x5FFFF  }
0xc1: {  	[dreg:$0x1] =	wrdreg $0xFFFFFFFF  }
0xc2: {  	[dreg:$0x0] =	wrdreg $0x60  }
0xc3: {  	[dreg:$0x2] =	wrdreg s2  }
0xc4: {  	[dreg:$0x3] =	wrdreg s24  }
0xc5: {  	[dreg:$0x4] =	wrdreg s17  }
0xc6: {  	[dreg:$0x5] =	wrdreg $0xC  }
0xc7: {  	_ =	task.clear_ibuf [dreg:s22], $0x6FFFF;
	_ =	strace $0x90000052  }
0xc8: {  	s29 =	simm.s32 $0xC;
	_ =	strace $0x8000005B  }
0xc9: {  	_ =	swait.ge [sflag:s29], $0x1  }
0xca: {  	[sflag:s29] =	ssyncadd.s32 $0xFFFFFFFF  }
0xcb: {  	_ =	strace $0x9000005B  }
0xcc: {  	_ =	sfence  }
0xcd: {  	s30 =	sld [smem:$0x0];
	_ =	sdelay $0x2  }
0xce: {  	s31 =	sshll.u32 s1, $0xD;
	s1 =	sshrl.u32 s1, $0x2  }
0xcf: {  	s4 =	sand.u32 $0x4000, s31;
	s1 =	sadd.s32 s1, s30  }
0xd0: {  	s0 =	sor.u32 s4, s0;
	s1 =	sshll.u32 s1, $0x11  }
0xd1: {  	s0 =	sor.u32 s1, s0  }
0xd2: {  	s0 =	sadd.s32 $0x8F2B, s0  }
0xd3: {  	[sflag:s0] =	ssyncadd.remote.s32 $0x1  }
0xd4: {  	_ =	sfence.sel $0xFFFF  }
0xd5: {  	[dreg:$0x0] =	wrdreg $0xFFFFFFFF;
	(pc) =	sbr.abs _section_cstart, $3  }
0xd6: {  	[dreg:$0x1] =	wrdreg $0xFFFFFFFF  }
0xd7: {  	_ =	task.clear_ibuf [dreg:s22], $0x2FFFF;
	_ =	strace $0x9FFFFFFF  }
0xd8: {  	(tm) =	ssettm $0x7FFFFFFF  }
0xd9: {  	_ =	shalt  }
tec
execute0_lowered:
.L_overlay_start_1:
0x0: {  	(tag) =	ssettag $0x1  }
0x1: {  	s1 =	rddreg [dreg:$0x0]  }
0x2: {  	s5 =	rddreg [dreg:$0x1]  }
0x3: {  	s2 =	rddreg [dreg:$0x2]  }
0x4: {  	s0 =	rddreg [dreg:$0x3];
	s4 =	simm.s32 $0x0;
	s3 =	srdreg.scid  }
0x5: {  	s9 =	simm.s32 $0x5;
	s10 =	simm.s32 $0x4;
	s11 =	simm.s32 $0x0  }
.Ltmp0:
0x6: {  	[smem:$0x7FF] =	sst s4;
	s6 =	sand.u32 $0x1, s3;
	(pc) =	sbr.rel .LBB2_1-.Ltmp0, $4  }
0x7: {  	s3 =	stileid.u32;
	s7 =	ssub.s32 $0x2, s6;
	s6 =	sshll.u32 s6, $0x4  }
0x8: {  	v2 =	vlaneseq.u32;
	s5 =	sadd.s32 $0x22800, s5;
	s8 =	sshrl.u32 s7, $0x1;
	s6 =	sor.u32 s3, s6  }
0x9: {  	vm0 =	vmmov $0xffff;
	v1 =	vshrl.u32 v2, $0x3;
	_ =	strace $0x80000053;
	s8 =	ssub.s32 s7, s8;
	s31 =	sshll.u32 s6, $0x5  }
0xa: {  	v0 =	vand.u32 $0x7, v2;
	v2 =	vor.u32 $0x8, v2;
	v1 =	vmul.u32 $0x8, v1;
	s6 =	sshll.u32 s6, $0x1;
	s7 =	sadd.s32 s5, s31;
	s8 =	smax.u32 s8, $0x1  }
.LBB2_4:
0xb: {  	s12 =	sand.u32 $0x1, s12  }
0xc: {  	_ =	strace $0x80000059;
	s12 =	sadd.s32 $0x3, s12  }
0xd: {  	_ =	swait.ge [sflag:s12], $0x8000  }
0xe: {  	[sflag:s12] =	ssyncset.done $0x0  }
0xf: {  	s11 =	sadd.s32 $0x1, s11;
	[sflag:s12] =	ssyncadd.s32 $0xFFFF8000  }
0x10: {  	p0 =	sne.s32 s11, s8;
	_ =	strace $0x90000059  }
.Ltmp1:
0x11: {  	_ =	strace $0x8000005A;
	(pc) =	sbr.rel @!p0 .LBB2_5-.Ltmp1, $4  }
0x12: {  	_ =	swait.ge [sflag:s10], $0x8000  }
0x13: {  	[sflag:s10] =	ssyncset.done $0x0  }
0x14: {  	[sflag:s10] =	ssyncadd.s32 $0xFFFF8000  }
0x15: {  	_ =	strace $0x9000005A  }
.LBB2_1:
0x16: {  	_ =	strace $0x80000054  }
0x17: {  	p0 =	por $0x1, $0x1;
	p2 =	por $0x0, $0x0;
	s13 =	simm.s32 $0x0  }
0x18: {  	s12 =	simm.s32 $0x0;
	s17 =	simm.s32 $0x0;
	s14 =	simm.s32 $0x0  }
0x19: {  	[tilespmem:s4], [sflag:$0x1] =	stream.linear.gather [hbm4b:s7+s4], $0x80, $0x200038;
	[tilespmem:$0x10100] =	vst v63  }
0x1a: {  	s15 =	simm.s32 $0x1;
	s16 =	simm.s32 $0x0;
	_ =	strace $0x90000054  }
.LBB2_2:
0x1b: {  	s18 =	smov.u32 s13;
	s13 =	sadd.s32 $0x1, s13  }
0x1c: {  	p1 =	seq.s32 s13, $0x2  }
0x1d: {  	s13 =	simm.s32 @p1 $0x0  }
0x1e: {  	p1 =	sne.s32 s18, s13  }
0x1f: {  	p1 =	por !p0, !p1  }
0x20: {  	p1 =	por !p1, !p1  }
0x21: {  	s19 =	sadd.s32 @p1 s6, s13  }
0x22: {  	s20 =	sand.u32 @p1 $0x1, s15;
	s19 =	sshll.u32 @p1 s19, $0x4  }
0x23: {  	_ =	strace @p1 $0x80000055;
	s22 =	simm.s32 @p1 $0x0;
	s19 =	sand.u32 @p1 $0x1FFFFFF0, s19  }
0x24: {  	s21 =	sshll.u32 @p1 s20, $0x7;
	s20 =	sadd.s32 @p1 $0x1, s20;
	s19 =	sadd.s32 @p1 s5, s19  }
0x25: {  	[tilespmem:s21], [sflag:s20] =	stream.linear.gather @p1 [hbm4b:s19+s22], $0x80, $0x200038;
	[tilespmem:$0x10100] =	vst v63  }
0x26: {  	s23 =	sand.u32 $0x1, s14;
	_ =	strace @p1 $0x90000055  }
0x27: {  	s19 =	sadd.s32 $0x1, s23;
	_ =	strace $0x80000056  }
0x28: {  	_ =	swait.ge [sflag:s19], $0x80  }
0x29: {  	[sflag:s19] =	ssyncset.done $0x0  }
0x2a: {  	[sflag:s19] =	ssyncadd.s32 $0xFFFFFF80  }
0x2b: {  	s24 =	sshll.u32 s14, $0x7;
	_ =	strace $0x90000056  }
0x2c: {  	s22 =	sand.u32 $0x80, s24;
	_ =	strace $0x80000057  }
0x2d: {  	v3 =	vld [tilespmem:s22+$0x0];
	_ =	sdelay $0x4  }
0x2e: {  	v4 =	vshll.u32 v3, $0x1  }
0x2f: {  	v3 =	vand.u32 $0x7, v3;
	v4 =	vand.u32 $0xFFFFFFF0, v4  }
0x30: {  	v3 =	vor.u32 v3, v4  }
0x31: {  	v4 =	vperm.xlane v3, v0;
	_ =	sdelay $0x1  }
0x32: {  	v3 =	vperm.xlane v3, v2;
	v4 =	vadd.s32 v1, v4;
	_ =	sdelay $0x1  }
0x33: {  	s19 =	sand.u32 $0x1, s17;
	v3 =	vadd.s32 v1, v3  }
0x34: {  	s21 =	sshll.u32 s19, $0xF  }
0x35: {  	s20 =	sor.u32 $0x100, s21  }
0x36: {  	[tilespmem:s20], [sflag:$0x5] =	stream.indirect_vreg.gather [hbm4b:s1+s4], $0x80, v4, vm0, $0x2000b8;
	[tilespmem:$0x10100] =	vst v63  }
0x37: {  	s23 =	sor.u32 $0x900, s21  }
0x38: {  	[tilespmem:s23], [sflag:$0x5] =	stream.indirect_vreg.gather [hbm4b:s1+s4], $0x80, v3, vm0, $0x2000b8;
	[tilespmem:$0x10100] =	vst v63  }
0x39: {  	v3 =	vld [tilespmem:s22+$0x10];
	_ =	sdelay $0x4  }
0x3a: {  	v57 =	vshll.u32 v3, $0x1  }
0x3b: {  	v3 =	vand.u32 $0x7, v3;
	v4 =	vand.u32 $0xFFFFFFF0, v57  }
0x3c: {  	v3 =	vor.u32 v3, v4  }
0x3d: {  	v4 =	vperm.xlane v3, v0;
	_ =	sdelay $0x1  }
0x3e: {  	v3 =	vperm.xlane v3, v2;
	v4 =	vadd.s32 v1, v4;
	_ =	sdelay $0x1  }
0x3f: {  	v3 =	vadd.s32 v1, v3;
	_ =	sdelay $0x1  }
0x40: {  	s25 =	sor.u32 $0x1100, s21  }
0x41: {  	[tilespmem:s25], [sflag:$0x5] =	stream.indirect_vreg.gather [hbm4b:s1+s4], $0x80, v4, vm0, $0x2000b8;
	[tilespmem:$0x10100] =	vst v63  }
0x42: {  	s26 =	sor.u32 $0x1900, s21  }
0x43: {  	[tilespmem:s26], [sflag:$0x5] =	stream.indirect_vreg.gather [hbm4b:s1+s4], $0x80, v3, vm0, $0x2000b8;
	[tilespmem:$0x10100] =	vst v63  }
0x44: {  	v3 =	vld [tilespmem:s22+$0x20];
	_ =	sdelay $0x4  }
0x45: {  	v58 =	vshll.u32 v3, $0x1  }
0x46: {  	v3 =	vand.u32 $0x7, v3;
	v4 =	vand.u32 $0xFFFFFFF0, v58  }
0x47: {  	v3 =	vor.u32 v3, v4  }
0x48: {  	v4 =	vperm.xlane v3, v0;
	_ =	sdelay $0x1  }
0x49: {  	v3 =	vperm.xlane v3, v2;
	v4 =	vadd.s32 v1, v4;
	_ =	sdelay $0x1  }
0x4a: {  	v3 =	vadd.s32 v1, v3;
	_ =	sdelay $0x1  }
0x4b: {  	s28 =	sor.u32 $0x2100, s21  }
0x4c: {  	[tilespmem:s28], [sflag:$0x5] =	stream.indirect_vreg.gather [hbm4b:s1+s4], $0x80, v4, vm0, $0x2000b8;
	[tilespmem:$0x10100] =	vst v63  }
0x4d: {  	s29 =	sor.u32 $0x2900, s21  }
0x4e: {  	[tilespmem:s29], [sflag:$0x5] =	stream.indirect_vreg.gather [hbm4b:s1+s4], $0x80, v3, vm0, $0x2000b8;
	[tilespmem:$0x10100] =	vst v63  }
0x4f: {  	v3 =	vld [tilespmem:s22+$0x30];
	_ =	sdelay $0x4  }
0x50: {  	v59 =	vshll.u32 v3, $0x1  }
0x51: {  	v3 =	vand.u32 $0x7, v3;
	v4 =	vand.u32 $0xFFFFFFF0, v59  }
0x52: {  	v3 =	vor.u32 v3, v4  }
0x53: {  	v4 =	vperm.xlane v3, v0;
	_ =	sdelay $0x1  }
0x54: {  	v3 =	vperm.xlane v3, v2;
	v4 =	vadd.s32 v1, v4;
	_ =	sdelay $0x1  }
0x55: {  	v3 =	vadd.s32 v1, v3;
	_ =	sdelay $0x1  }
0x56: {  	s30 =	sor.u32 $0x3100, s21  }
0x57: {  	[tilespmem:s30], [sflag:$0x5] =	stream.indirect_vreg.gather [hbm4b:s1+s4], $0x80, v4, vm0, $0x2000b8;
	[tilespmem:$0x10100] =	vst v63  }
0x58: {  	s31 =	sor.u32 $0x3900, s21  }
0x59: {  	[tilespmem:s31], [sflag:$0x5] =	stream.indirect_vreg.gather [hbm4b:s1+s4], $0x80, v3, vm0, $0x2000b8;
	[tilespmem:$0x10100] =	vst v63  }
0x5a: {  	v3 =	vld [tilespmem:s22+$0x40];
	_ =	sdelay $0x4  }
0x5b: {  	v60 =	vshll.u32 v3, $0x1  }
0x5c: {  	v3 =	vand.u32 $0x7, v3;
	v4 =	vand.u32 $0xFFFFFFF0, v60  }
0x5d: {  	v3 =	vor.u32 v3, v4  }
0x5e: {  	v4 =	vperm.xlane v3, v0;
	_ =	sdelay $0x1  }
0x5f: {  	v3 =	vperm.xlane v3, v2;
	v4 =	vadd.s32 v1, v4;
	_ =	sdelay $0x1  }
0x60: {  	v3 =	vadd.s32 v1, v3;
	_ =	sdelay $0x1  }
0x61: {  	s24 =	sor.u32 $0x4100, s21  }
0x62: {  	[tilespmem:s24], [sflag:$0x5] =	stream.indirect_vreg.gather [hbm4b:s1+s4], $0x80, v4, vm0, $0x2000b8;
	[tilespmem:$0x10100] =	vst v63  }
0x63: {  	s25 =	sor.u32 $0x4900, s21  }
0x64: {  	[tilespmem:s25], [sflag:$0x5] =	stream.indirect_vreg.gather [hbm4b:s1+s4], $0x80, v3, vm0, $0x2000b8;
	[tilespmem:$0x10100] =	vst v63  }
0x65: {  	v3 =	vld [tilespmem:s22+$0x50];
	_ =	sdelay $0x4  }
0x66: {  	v61 =	vshll.u32 v3, $0x1  }
0x67: {  	v3 =	vand.u32 $0x7, v3;
	v4 =	vand.u32 $0xFFFFFFF0, v61  }
0x68: {  	v3 =	vor.u32 v3, v4  }
0x69: {  	v4 =	vperm.xlane v3, v0;
	_ =	sdelay $0x1  }
0x6a: {  	v3 =	vperm.xlane v3, v2;
	v4 =	vadd.s32 v1, v4;
	_ =	sdelay $0x1  }
0x6b: {  	v3 =	vadd.s32 v1, v3;
	_ =	sdelay $0x1  }
0x6c: {  	s26 =	sor.u32 $0x5100, s21  }
0x6d: {  	[tilespmem:s26], [sflag:$0x5] =	stream.indirect_vreg.gather [hbm4b:s1+s4], $0x80, v4, vm0, $0x2000b8;
	[tilespmem:$0x10100] =	vst v63  }
0x6e: {  	s28 =	sor.u32 $0x5900, s21  }
0x6f: {  	[tilespmem:s28], [sflag:$0x5] =	stream.indirect_vreg.gather [hbm4b:s1+s4], $0x80, v3, vm0, $0x2000b8;
	[tilespmem:$0x10100] =	vst v63  }
0x70: {  	v3 =	vld [tilespmem:s22+$0x60];
	_ =	sdelay $0x4  }
0x71: {  	v62 =	vshll.u32 v3, $0x1  }
0x72: {  	v3 =	vand.u32 $0x7, v3;
	v4 =	vand.u32 $0xFFFFFFF0, v62  }
0x73: {  	v3 =	vor.u32 v3, v4  }
0x74: {  	v4 =	vperm.xlane v3, v0;
	_ =	sdelay $0x1  }
0x75: {  	v3 =	vperm.xlane v3, v2;
	v4 =	vadd.s32 v1, v4;
	_ =	sdelay $0x1  }
0x76: {  	v3 =	vadd.s32 v1, v3;
	_ =	sdelay $0x1  }
0x77: {  	s29 =	sor.u32 $0x6100, s21  }
0x78: {  	[tilespmem:s29], [sflag:$0x5] =	stream.indirect_vreg.gather [hbm4b:s1+s4], $0x80, v4, vm0, $0x2000b8;
	[tilespmem:$0x10100] =	vst v63  }
0x79: {  	s30 =	sor.u32 $0x6900, s21  }
0x7a: {  	[tilespmem:s30], [sflag:$0x5] =	stream.indirect_vreg.gather [hbm4b:s1+s4], $0x80, v3, vm0, $0x2000b8;
	[tilespmem:$0x10100] =	vst v63  }
0x7b: {  	v3 =	vld [tilespmem:s22+$0x70];
	_ =	sdelay $0x4  }
0x7c: {  	v63 =	vshll.u32 v3, $0x1  }
0x7d: {  	v3 =	vand.u32 $0x7, v3;
	v4 =	vand.u32 $0xFFFFFFF0, v63  }
0x7e: {  	v3 =	vor.u32 v3, v4  }
0x7f: {  	v4 =	vperm.xlane v3, v0;
	_ =	sdelay $0x1  }
0x80: {  	v3 =	vperm.xlane v3, v2;
	v4 =	vadd.s32 v1, v4;
	_ =	sdelay $0x1  }
0x81: {  	v3 =	vadd.s32 v1, v3;
	_ =	sdelay $0x1  }
0x82: {  	p2 =	por !p2, !p2;
	p3 =	seq.s32 s18, s13;
	s31 =	sor.u32 $0x7100, s21  }
0x83: {  	[tilespmem:s31], [sflag:$0x5] =	stream.indirect_vreg.gather [hbm4b:s1+s4], $0x80, v4, vm0, $0x2000b8;
	[tilespmem:$0x10100] =	vst v63  }
0x84: {  	p2 =	por !p2, !p3;
	s21 =	sor.u32 $0x7900, s21  }
0x85: {  	[tilespmem:s21], [sflag:$0x5] =	stream.indirect_vreg.gather [hbm4b:s1+s4], $0x80, v3, vm0, $0x2000b8;
	[tilespmem:$0x10100] =	vst v63  }
0x86: {  	s18 =	sadd.s32 s6, s18;
	p2 =	por !p2, !p2;
	_ =	swait.ge [sflag:s9], $0x8000  }
0x87: {  	s18 =	sshll.u32 @!p2 s18, $0xC;
	p0 =	por p2, p0;
	[sflag:s9] =	ssyncset.done $0x0  }
.Ltmp2:
0x88: {  	s18 =	sand.u32 @!p2 $0x1FFFF000, s18;
	[sflag:s9] =	ssyncadd.s32 $0xFFFF8000;
	(pc) =	sbr.rel @!p0 .LBB2_4-.Ltmp2, $4  }
0x89: {  	s18 =	sadd.s32 @!p2 s2, s18;
	_ =	strace $0x90000057  }
0x8a: {  	s19 =	sadd.s32 @!p2 $0x3, s19;
	s21 =	simm.s32 @!p2 $0x0;
	_ =	strace @!p2 $0x80000058  }
0x8b: {  	[hbm4b:s18+s21] =	stream.linear.scatter @!p2 [tilespmem:s20], [sflag:s19], $0x8000, $0x200038;
	[tilespmem:$0x10100] =	vst v63  }
0x8c: {  	_ =	strace @!p2 $0x90000058  }
.Ltmp3:
0x8d: {  	s18 =	simm.s32 $0x1;
	(pc) =	sbr.rel .LBB2_2-.Ltmp3, $4  }
0x8e: {  	s19 =	simm.s32 @!p2 $0x1;
	s12 =	sadd.s32 s16, s12;
	s18 =	simm.s32 @!p1 $0x0  }
0x8f: {  	s16 =	simm.s32 $0x1;
	s15 =	sadd.s32 s18, s15;
	s18 =	sadd.s32 @!p2 $0x1, s17  }
0x90: {  	p0 =	por $0x0, $0x0;
	s19 =	simm.s32 @p2 $0x0;
	s18 =	smov.u32 @p2 s17  }
0x91: {  	s14 =	sadd.s32 s14, s19;
	p2 =	por $0x1, $0x1;
	s17 =	smov.u32 s18  }
.LBB2_5:
0x92: {  	_ =	sfence.sel $0x180000  }
0x93: {  	[bflag:$0x0] =	sbarrier.arrive $0xFFFF  }
0x94: {  	p0 =	sne.s32 s3, $0x0;
	_ =	strace $0x90000053  }
0x95: {  	s0 =	sadd.s32 @!p0 $0x100000, s0;
	[bflag:$0x2] =	sbarrier.arrive $0xFFFF  }
0x96: {  	[sflag:s0] =	ssyncadd.tile.s32 @!p0 $0x1;
	_ =	shalt  }
.Lfunc_end2:
_tile_overlayer_lowered:
.L_overlay_start_2:
0x97: {  	(tag) =	ssettag $0x2  }
0x98: {  	s0 =	rddreg [dreg:$0x0];
	s2 =	stileid.u32  }
0x99: {  	s1 =	rddreg [dreg:$0x1];
	p0 =	sne.s32 s2, $0x0  }
0x9a: {  	s3 =	rddreg [dreg:$0x2];
	[bflag:$0x3] =	sbarrier.arrive $0xFFFF;
	s2 =	simm.s32 @!p0 $0x1C01  }
0x9b: {  	[timem:s3], [sflag:s2] =	dma.local @!p0 [hbm:s0], s1  }
0x9c: {  	s0 =	simm.s32 @!p0 $0x1  }
0x9d: {  	_ =	swait.ge @!p0 [sflag:s0], s1  }
0x9e: {  	s1 =	ssub.s32 @!p0 $0x0, s1;
	[sflag:s0] =	ssyncset.done @!p0 $0x0  }
0x9f: {  	[sflag:s0] =	ssyncadd.s32 @!p0 s1  }
0xa0: {  	[bflag:$0x3] =	sbarrier.arrive $0xFFFF  }
0xa1: {  	_ =	shalt  }

// kernel: kernel.9.cloned.1.call-start
scs
__scs_entry_jumppad:
0x0: {  	(pc) =	sbr.rel $0x88, $3  }
0x1: {  	(tag) =	ssettag $0x0;
	lr =	simm.s32 $0x1  }
0x2: {  	[smem:$0x3F95] =	sst lr;
	_ =	strace $0xD0000000  }
0x3: {  	_ = 	snop  }
0x4: {  	_ = 	snop  }
0x5: {  	_ = 	snop  }
0x6: {  	_ = 	snop  }
0x7: {  	_ = 	snop  }
__scs_overlays_trampoline_lowered:
0x8: {  	[smem:$0x3FA4] =	sst s0  }
0x9: {  	[smem:$0x3FA5] =	sst s1  }
0xa: {  	[smem:$0x3FA6] =	sst s2  }
0xb: {  	[smem:$0x3FA7] =	sst s3  }
0xc: {  	[smem:$0x3FA8] =	sst s4  }
0xd: {  	[smem:$0x3FA9] =	sst s5  }
0xe: {  	[smem:$0x3FAA] =	sst s6  }
0xf: {  	[smem:$0x3FAB] =	sst s7  }
0x10: {  	[smem:$0x3FAC] =	sst s8  }
0x11: {  	[smem:$0x3FAD] =	sst s9;
	s0 =	simm.s32 @!p0 $0x0  }
0x12: {  	s1 =	sld [smem:$0x3F93];
	s0 =	simm.s32 @p0 $0x1  }
0x13: {  	[smem:$0x3FAE] =	sst s0;
	s0 =	simm.s32 @!p1 $0x0  }
0x14: {  	s2 =	sld [smem:$0x3F92];
	s0 =	simm.s32 @p1 $0x1  }
0x15: {  	[smem:$0x3FAF] =	sst s0;
	s0 =	simm.s32 @!p2 $0x0  }
0x16: {  	s3 =	sld [smem:$0x3FDB];
	s0 =	simm.s32 @p2 $0x1  }
0x17: {  	s4 =	simm.s32 $0x1BF5;
	[smem:$0x3FB1] =	sst s0  }
0x18: {  	s0 =	sld [smem:$0x3F94];
	_ =	swait.ge [sflag:s4], $0x0  }
0x19: {  	s7 =	sld [smem:$0x3F95]  }
0x1a: {  	s8 =	sadd.s32 $0xFFFFE003, lr  }
0x1b: {  	s9 =	sadd.s32 $0xFFFFFEF7, lr;
	s5 =	simm.s32 $0xFFFFFFFF;
	p2 =	slt.u32 s8, $0xFFFFF086  }
0x1c: {  	p1 =	slt.u32 s9, $0xF7A;
	s5 =	simm.s32 @!p2 $0x0  }
0x1d: {  	s5 =	simm.s32 @p1 $0x1;
	p0 =	seq.s32 s7, s2  }
0x1e: {  	s7 =	smul.u32 @!p0 $0xF7A, s2;
	p2 =	seq.s32 @!p0 s5, $0x0  }
0x1f: {  	s9 =	smul.u32 $0xF7A, s1;
	s8 =	simm.s32 @!p0 $0x1BF5;
	p2 =	por !p2, p0  }
0x20: {  	[sflag:s8] =	ssyncset.s32 @!p0 $0xFFFFF086;
	s6 =	sadd.s32 @!p0 s3, s7;
	s7 =	simm.s32 @!p0 $0x108  }
0x21: {  	s3 =	sadd.s32 s3, s9;
	s6 =	sadd.s32 @!p0 $0x88, s6;
	s7 =	simm.s32 @p2 $0x1082  }
0x22: {  	[simem:s7], [sflag:s8] =	dma.local @!p0 [hbm:s6], $0xF7A  }
0x23: {  	s9 =	sor.u32 $0xD0000000, s2;
	s6 =	simm.s32 $0x108;
	_ =	swait.ge @!p0 [sflag:s8], $0x0  }
0x24: {  	s3 =	sadd.s32 $0x88, s3;
	s6 =	simm.s32 @!p1 $0x1082;
	[sflag:s4] =	ssyncset.s32 $0xFFFFF086  }
0x25: {  	[simem:s6], [sflag:s4] =	dma.local [hbm:s3], $0xF7A  }
0x26: {  	[smem:$0x3F95] =	sst s1;
	(tag) =	ssettag s2;
	_ =	strace s9  }
0x27: {  	s1 =	sld [smem:$0x3FA5]  }
0x28: {  	s2 =	sld [smem:$0x3FA6]  }
0x29: {  	s4 =	sld [smem:$0x3FA8]  }
0x2a: {  	p0 =	seq.s32 s5, $0x0;
	s5 =	sld [smem:$0x3FA9]  }
0x2b: {  	s6 =	sld [smem:$0x3FAA]  }
0x2c: {  	s7 =	sld [smem:$0x3FAB]  }
0x2d: {  	s3 =	simm.s32 $0x108;
	s8 =	sld [smem:$0x3FAC]  }
0x2e: {  	s3 =	simm.s32 @!p0 $0x1082;
	s9 =	sld [smem:$0x3FAD]  }
0x2f: {  	lr =	sadd.s32 s0, s3;
	s0 =	sld [smem:$0x3FA4]  }
0x30: {  	s3 =	sld [smem:$0x3FA7]  }
0x31: {  	[smem:$0x3FB0] =	sst s10  }
0x32: {  	s10 =	sld [smem:$0x3FAE];
	_ =	sdelay $0x3  }
0x33: {  	p0 =	seq.s32 s10, $0x1;
	s10 =	sld [smem:$0x3FB0];
	_ =	sdelay $0x3  }
0x34: {  	[smem:$0x3FB0] =	sst s10  }
0x35: {  	s10 =	sld [smem:$0x3FAF];
	_ =	sdelay $0x3  }
0x36: {  	p1 =	seq.s32 s10, $0x1;
	s10 =	sld [smem:$0x3FB0];
	_ =	sdelay $0x3  }
0x37: {  	[smem:$0x3FB0] =	sst s10  }
0x38: {  	s10 =	sld [smem:$0x3FB1]  }
0x39: {  	_ = 	snop;
	(pc) =	sbr.ind lr, $3  }
0x3a: {  	_ = 	snop  }
0x3b: {  	_ = 	snop  }
0x3c: {  	p2 =	seq.s32 s10, $0x1;
	s10 =	sld [smem:$0x3FB0]  }
0x3d: {  	_ =	shalt  }
0x3e: {  	_ =	shalt  }
0x3f: {  	_ =	shalt  }
0x40: {  	_ =	shalt  }
0x41: {  	_ =	shalt  }
0x42: {  	_ =	shalt  }
0x43: {  	_ =	shalt  }
0x44: {  	_ =	shalt  }
0x45: {  	_ =	shalt  }
0x46: {  	_ =	shalt  }
0x47: {  	_ =	shalt  }
0x48: {  	_ =	shalt  }
0x49: {  	_ =	shalt  }
0x4a: {  	_ =	shalt  }
0x4b: {  	_ =	shalt  }
0x4c: {  	_ =	shalt  }
0x4d: {  	_ =	shalt  }
0x4e: {  	_ =	shalt  }
0x4f: {  	_ =	shalt  }
0x50: {  	_ =	shalt  }
0x51: {  	_ =	shalt  }
0x52: {  	_ =	shalt  }
0x53: {  	_ =	shalt  }
0x54: {  	_ =	shalt  }
0x55: {  	_ =	shalt  }
0x56: {  	_ =	shalt  }
0x57: {  	_ =	shalt  }
0x58: {  	_ =	shalt  }
0x59: {  	_ =	shalt  }
0x5a: {  	_ =	shalt  }
0x5b: {  	_ =	shalt  }
0x5c: {  	_ =	shalt  }
0x5d: {  	_ =	shalt  }
0x5e: {  	_ =	shalt  }
0x5f: {  	_ =	shalt  }
0x60: {  	_ =	shalt  }
0x61: {  	_ =	shalt  }
0x62: {  	_ =	shalt  }
0x63: {  	_ =	shalt  }
0x64: {  	_ =	shalt  }
0x65: {  	_ =	shalt  }
0x66: {  	_ =	shalt  }
0x67: {  	_ =	shalt  }
0x68: {  	_ =	shalt  }
0x69: {  	_ =	shalt  }
0x6a: {  	_ =	shalt  }
0x6b: {  	_ =	shalt  }
0x6c: {  	_ =	shalt  }
0x6d: {  	_ =	shalt  }
0x6e: {  	_ =	shalt  }
0x6f: {  	_ =	shalt  }
0x70: {  	_ =	shalt  }
0x71: {  	_ =	shalt  }
0x72: {  	_ =	shalt  }
0x73: {  	_ =	shalt  }
0x74: {  	_ =	shalt  }
0x75: {  	_ =	shalt  }
0x76: {  	_ =	shalt  }
0x77: {  	_ =	shalt  }
0x78: {  	_ =	shalt  }
0x79: {  	_ =	shalt  }
0x7a: {  	_ =	shalt  }
0x7b: {  	_ =	shalt  }
0x7c: {  	_ =	shalt  }
0x7d: {  	_ =	shalt  }
0x7e: {  	_ =	shalt  }
0x7f: {  	_ =	shalt  }
0x80: {  	_ =	shalt  }
0x81: {  	_ =	shalt  }
0x82: {  	_ =	shalt  }
0x83: {  	_ =	shalt  }
0x84: {  	_ =	shalt  }
0x85: {  	_ =	shalt  }
0x86: {  	_ =	shalt  }
0x87: {  	_ =	shalt  }
.Lfunc_end0:
.L_simem_size_0:
called_computation.5_lowered:
.L_overlay_start_0:
0x88: {  	s2 =	sld [smem:$0x3FD9]  }
0x89: {  	s3 =	sld [smem:$0x3FFE];
	_ =	sdelay $0x1  }
0x8a: {  	s1 =	srdreg.scid  }
0x8b: {  	s0 =	sand.u32 $0x1, s1  }
0x8c: {  	s16 =	sshll.u32 s0, $0xA;
	s2 =	sadd.s32 s3, s2  }
0x8d: {  	s2 =	sadd.s32 s2, s16  }
0x8e: {  	[smem:$0x3FBC] =	sst s2  }
0x8f: {  	_ = 	snop  }
0x90: {  	(tm) =	ssettm $0x1  }
0x91: {  	s17 =	sld [smem:$0x3FFB];
	_ =	sdelay $0x3  }
0x92: {  	_ =	strace s17  }
0x93: {  	s2 =	sld [smem:$0x3FFC];
	_ =	sdelay $0x3  }
0x94: {  	_ =	strace s2  }
0x95: {  	s2 =	sld [smem:$0x3FFD];
	_ =	sdelay $0x3  }
0x96: {  	_ =	strace s2  }
0x97: {  	_ =	strace $0x8FFFFFFF  }
0x98: {  	s18 =	sld [smem:$0x3FDB];
	_ =	sdelay $0x1  }
0x99: {  	s19 =	simm.s32 $_scs_section_size  }
0x9a: {  	s4 =	simm.s32 $_size__tile_overlayer_lowered;
	s5 =	simm.s32 $_tile_overlayer_lowered  }
0x9b: {  	s22 =	simm.s32 $0x1BFF;
	s21 =	sshll.u32 s5, $0x1;
	s2 =	sadd.s32 s19, s18  }
0x9c: {  	s6 =	simm.s32 $0x0;
	s20 =	sshll.u32 s4, $0x1;
	s4 =	sadd.s32 s21, s2  }
0x9d: {  	[timem:s6], [sflag:s22] =	dma.local [hbm:s4], s20  }
0x9e: {  	_ =	swait.ge [sflag:s22], s20  }
0x9f: {  	s3 =	ssub.s32 $0x0, s20;
	[sflag:s22] =	ssyncset.done $0x0  }
0xa0: {  	[sflag:s22] =	ssyncadd.s32 s3;
	_ =	sdelay $0x1  }
0xa1: {  	s23 =	simm.s32 $0x1B8B  }
0xa2: {  	_ =	swait.ge [sflag:s23], $0x1  }
0xa3: {  	[sflag:s23] =	ssyncset.done $0x0  }
0xa4: {  	s25 =	simm.s32 $0x1B8E;
	s24 =	sld [smem:$0x3FFE];
	[sflag:s23] =	ssyncadd.s32 $0xFFFFFFFF  }
0xa5: {  	s26 =	simm.s32 $execute0_lowered;
	[smem:$0x3FD2] =	sst s25  }
0xa6: {  	s4 =	sshll.u32 s26, $0x1;
	_ =	strace $0x8000005C;
	[dreg:$0x1] =	wrdreg $0xFFFFFFFF  }
0xa7: {  	s28 =	simm.s32 $_size_execute0_lowered;
	s2 =	sadd.s32 s2, s4;
	[dreg:$0x0] =	wrdreg $0x0  }
0xa8: {  	s4 =	sshll.u32 s28, $0x1;
	[dreg:$0x2] =	wrdreg s2  }
0xa9: {  	[dreg:$0x3] =	wrdreg s4  }
0xaa: {  	[dreg:$0x4] =	wrdreg $0xC0  }
0xab: {  	_ =	task [dreg:s6], $0x5FFFF  }
0xac: {  	[dreg:$0x1] =	wrdreg $0xFFFFFFFF  }
0xad: {  	[dreg:$0x0] =	wrdreg $0x60  }
0xae: {  	[dreg:$0x2] =	wrdreg s24  }
0xaf: {  	[dreg:$0x3] =	wrdreg $0x9  }
0xb0: {  	_ =	task.clear_ibuf [dreg:s6], $0x4FFFF;
	_ =	strace $0x9000005C  }
0xb1: {  	s29 =	simm.s32 $0x9;
	_ =	strace $0x80000065  }
0xb2: {  	_ =	swait.ge [sflag:s29], $0x1  }
0xb3: {  	[sflag:s29] =	ssyncadd.s32 $0xFFFFFFFF  }
0xb4: {  	_ =	strace $0x90000065  }
0xb5: {  	_ =	sfence  }
0xb6: {  	s30 =	sld [smem:$0x0];
	_ =	sdelay $0x2  }
0xb7: {  	s31 =	sshll.u32 s1, $0xD;
	s1 =	sshrl.u32 s1, $0x2  }
0xb8: {  	s3 =	sand.u32 $0x4000, s31;
	s1 =	sadd.s32 s1, s30  }
0xb9: {  	s0 =	sor.u32 s3, s0;
	s1 =	sshll.u32 s1, $0x11  }
0xba: {  	s0 =	sor.u32 s1, s0  }
0xbb: {  	s0 =	sadd.s32 $0x8F2B, s0  }
0xbc: {  	[sflag:s0] =	ssyncadd.remote.s32 $0x1  }
0xbd: {  	_ =	sfence.sel $0xFFFF  }
0xbe: {  	[dreg:$0x0] =	wrdreg $0xFFFFFFFF;
	(pc) =	sbr.abs _section_cstart, $3  }
0xbf: {  	[dreg:$0x1] =	wrdreg $0xFFFFFFFF  }
0xc0: {  	_ =	task.clear_ibuf [dreg:s6], $0x2FFFF;
	_ =	strace $0x9FFFFFFF  }
0xc1: {  	(tm) =	ssettm $0x7FFFFFFF  }
tec
execute0_lowered:
.L_overlay_start_1:
0x0: {  	(tag) =	ssettag $0x1  }
0x1: {  	s8 =	rddreg [dreg:$0x0]  }
0x2: {  	s0 =	rddreg [dreg:$0x1];
	s1 =	simm.s32 $0x0;
	s2 =	srdreg.scid  }
0x3: {  	s10 =	simm.s32 $0x5;
	s11 =	simm.s32 $0x4;
	s12 =	simm.s32 $0x0  }
0x4: {  	[smem:$0x7FF] =	sst s1;
	s3 =	sadd.s32 $0x1800, s8;
	s4 =	sadd.s32 $0x1400, s8  }
.Ltmp0:
0x5: {  	s5 =	sand.u32 $0x1, s2;
	s2 =	stileid.u32;
	(pc) =	sbr.rel .LBB2_1-.Ltmp0, $4  }
0x6: {  	_ =	strace $0x8000005D;
	s6 =	ssub.s32 $0x2, s5;
	s7 =	sshll.u32 s5, $0x4  }
0x7: {  	v2 =	vlaneseq.u32;
	s5 =	sadd.s32 $0x61800, s8;
	s9 =	sshrl.u32 s6, $0x1;
	s7 =	sor.u32 s2, s7  }
0x8: {  	vm0 =	vmmov $0xffff;
	vm1 =	vmmov $0xff;
	v1 =	vshrl.u32 v2, $0x3;
	s9 =	ssub.s32 s6, s9;
	s6 =	sshll.u32 s7, $0x1;
	s7 =	sshll.u32 s7, $0x5  }
0x9: {  	v0 =	vand.u32 $0x7, v2;
	v2 =	vor.u32 $0x8, v2;
	s8 =	sadd.s32 $0x1900, s8;
	v1 =	vmul.u32 $0x8, v1;
	s7 =	sadd.s32 s4, s7;
	s9 =	smax.u32 s9, $0x1  }
.LBB2_4:
0xa: {  	s13 =	sand.u32 $0x1, s13  }
0xb: {  	_ =	strace $0x80000063;
	s13 =	sadd.s32 $0x3, s13  }
0xc: {  	_ =	swait.ge [sflag:s13], $0xC000  }
0xd: {  	[sflag:s13] =	ssyncset.done $0x0  }
0xe: {  	s12 =	sadd.s32 $0x1, s12;
	[sflag:s13] =	ssyncadd.s32 $0xFFFF4000  }
0xf: {  	p0 =	sne.s32 s12, s9;
	_ =	strace $0x90000063  }
.Ltmp1:
0x10: {  	_ =	strace $0x80000064;
	(pc) =	sbr.rel @!p0 .LBB2_5-.Ltmp1, $4  }
0x11: {  	_ =	swait.ge [sflag:s11], $0xC000  }
0x12: {  	[sflag:s11] =	ssyncset.done $0x0  }
0x13: {  	[sflag:s11] =	ssyncadd.s32 $0xFFFF4000  }
0x14: {  	_ =	strace $0x90000064  }
.LBB2_1:
0x15: {  	_ =	strace $0x8000005E  }
0x16: {  	p0 =	por $0x1, $0x1;
	p2 =	por $0x0, $0x0;
	s14 =	simm.s32 $0x0  }
0x17: {  	s13 =	simm.s32 $0x0;
	s18 =	simm.s32 $0x0;
	s15 =	simm.s32 $0x0  }
0x18: {  	[tilespmem:s1], [sflag:$0x1] =	stream.linear.gather [hbm4b:s7+s1], $0x80, $0x200038;
	[tilespmem:$0x18100] =	vst v63  }
0x19: {  	s16 =	simm.s32 $0x1;
	s17 =	simm.s32 $0x0;
	_ =	strace $0x9000005E  }
.LBB2_2:
0x1a: {  	s19 =	smov.u32 s14;
	s14 =	sadd.s32 $0x1, s14  }
0x1b: {  	p1 =	seq.s32 s14, $0x2  }
0x1c: {  	s14 =	simm.s32 @p1 $0x0  }
0x1d: {  	p1 =	sne.s32 s19, s14  }
0x1e: {  	p1 =	por !p0, !p1  }
0x1f: {  	p1 =	por !p1, !p1  }
0x20: {  	s20 =	sadd.s32 @p1 s6, s14  }
0x21: {  	s21 =	sand.u32 @p1 $0x1, s16;
	s20 =	sshll.u32 @p1 s20, $0x4  }
0x22: {  	_ =	strace @p1 $0x8000005F;
	s23 =	simm.s32 @p1 $0x0;
	s20 =	sand.u32 @p1 $0x1FFFFFF0, s20  }
0x23: {  	s22 =	sshll.u32 @p1 s21, $0x7;
	s21 =	sadd.s32 @p1 $0x1, s21;
	s20 =	sadd.s32 @p1 s4, s20  }
0x24: {  	[tilespmem:s22], [sflag:s21] =	stream.linear.gather @p1 [hbm4b:s20+s23], $0x80, $0x200038;
	[tilespmem:$0x18100] =	vst v63  }
0x25: {  	s23 =	sand.u32 $0x1, s15;
	_ =	strace @p1 $0x9000005F  }
0x26: {  	s20 =	sadd.s32 $0x1, s23;
	_ =	strace $0x80000060  }
0x27: {  	_ =	swait.ge [sflag:s20], $0x80  }
0x28: {  	[sflag:s20] =	ssyncset.done $0x0  }
0x29: {  	[sflag:s20] =	ssyncadd.s32 $0xFFFFFF80  }
0x2a: {  	s24 =	sshll.u32 s15, $0x7;
	_ =	strace $0x90000060  }
0x2b: {  	s23 =	sand.u32 $0x80, s24;
	_ =	strace $0x80000061  }
0x2c: {  	v3 =	vld [tilespmem:s23+$0x0];
	_ =	sdelay $0x4  }
0x2d: {  	v4 =	vshrl.u32 v3, $0x3  }
0x2e: {  	v4 =	vmul.u32 $0x18, v4  }
0x2f: {  	v3 =	vand.u32 $0x7, v3  }
0x30: {  	v3 =	vor.u32 v3, v4  }
0x31: {  	v4 =	vperm.xlane v3, v0;
	_ =	sdelay $0x1  }
0x32: {  	s20 =	sand.u32 $0x1, s18;
	v4 =	vadd.s32 v1, v4  }
0x33: {  	s25 =	smul.u32 $0x30000, s20  }
0x34: {  	v3 =	vperm.xlane v3, v2  }
0x35: {  	s22 =	sshrl.u32 s25, $0x2  }
0x36: {  	s21 =	sor.u32 $0x100, s22;
	v3 =	vadd.s32 v1, v3  }
0x37: {  	[tilespmem:s21], [sflag:$0x5] =	stream.indirect_vreg.gather [hbm4b:s3+s1], $0x80, v4, vm0, $0x2000b8;
	[tilespmem:$0x18100] =	vst v63  }
0x38: {  	s24 =	sor.u32 $0x900, s22  }
0x39: {  	[tilespmem:s24], [sflag:$0x5] =	stream.indirect_vreg.gather [hbm4b:s8+s1], $0x80, v4, vm1, $0x2000b8;
	[tilespmem:$0x18100] =	vst v63  }
0x3a: {  	s26 =	sor.u32 $0xD00, s22  }
0x3b: {  	[tilespmem:s26], [sflag:$0x5] =	stream.indirect_vreg.gather [hbm4b:s3+s1], $0x80, v3, vm0, $0x2000b8;
	[tilespmem:$0x18100] =	vst v63  }
0x3c: {  	s28 =	sor.u32 $0x1500, s22  }
0x3d: {  	[tilespmem:s28], [sflag:$0x5] =	stream.indirect_vreg.gather [hbm4b:s8+s1], $0x80, v3, vm1, $0x2000b8;
	[tilespmem:$0x18100] =	vst v63  }
0x3e: {  	v3 =	vld [tilespmem:s23+$0x10];
	_ =	sdelay $0x4  }
0x3f: {  	v57 =	vshrl.u32 v3, $0x3  }
0x40: {  	v4 =	vmul.u32 $0x18, v57  }
0x41: {  	v3 =	vand.u32 $0x7, v3  }
0x42: {  	v3 =	vor.u32 v3, v4  }
0x43: {  	v4 =	vperm.xlane v3, v0;
	_ =	sdelay $0x1  }
0x44: {  	v4 =	vadd.s32 v1, v4;
	_ =	sdelay $0x1  }
0x45: {  	v3 =	vperm.xlane v3, v2;
	_ =	sdelay $0x1  }
0x46: {  	s29 =	sor.u32 $0x1900, s22;
	v3 =	vadd.s32 v1, v3  }
0x47: {  	[tilespmem:s29], [sflag:$0x5] =	stream.indirect_vreg.gather [hbm4b:s3+s1], $0x80, v4, vm0, $0x2000b8;
	[tilespmem:$0x18100] =	vst v63  }
0x48: {  	s30 =	sor.u32 $0x2100, s22  }
0x49: {  	[tilespmem:s30], [sflag:$0x5] =	stream.indirect_vreg.gather [hbm4b:s8+s1], $0x80, v4, vm1, $0x2000b8;
	[tilespmem:$0x18100] =	vst v63  }
0x4a: {  	s31 =	sor.u32 $0x2500, s22  }
0x4b: {  	[tilespmem:s31], [sflag:$0x5] =	stream.indirect_vreg.gather [hbm4b:s3+s1], $0x80, v3, vm0, $0x2000b8;
	[tilespmem:$0x18100] =	vst v63  }
0x4c: {  	s25 =	sor.u32 $0x2D00, s22  }
0x4d: {  	[tilespmem:s25], [sflag:$0x5] =	stream.indirect_vreg.gather [hbm4b:s8+s1], $0x80, v3, vm1, $0x2000b8;
	[tilespmem:$0x18100] =	vst v63  }
0x4e: {  	v3 =	vld [tilespmem:s23+$0x20];
	_ =	sdelay $0x4  }
0x4f: {  	v58 =	vshrl.u32 v3, $0x3  }
0x50: {  	v4 =	vmul.u32 $0x18, v58  }
0x51: {  	v3 =	vand.u32 $0x7, v3  }
0x52: {  	v3 =	vor.u32 v3, v4  }
0x53: {  	v4 =	vperm.xlane v3, v0;
	_ =	sdelay $0x1  }
0x54: {  	v4 =	vadd.s32 v1, v4;
	_ =	sdelay $0x1  }
0x55: {  	v3 =	vperm.xlane v3, v2;
	_ =	sdelay $0x1  }
0x56: {  	s26 =	sor.u32 $0x3100, s22;
	v3 =	vadd.s32 v1, v3  }
0x57: {  	[tilespmem:s26], [sflag:$0x5] =	stream.indirect_vreg.gather [hbm4b:s3+s1], $0x80, v4, vm0, $0x2000b8;
	[tilespmem:$0x18100] =	vst v63  }
0x58: {  	s28 =	sor.u32 $0x3900, s22  }
0x59: {  	[tilespmem:s28], [sflag:$0x5] =	stream.indirect_vreg.gather [hbm4b:s8+s1], $0x80, v4, vm1, $0x2000b8;
	[tilespmem:$0x18100] =	vst v63  }
0x5a: {  	s29 =	sor.u32 $0x3D00, s22  }
0x5b: {  	[tilespmem:s29], [sflag:$0x5] =	stream.indirect_vreg.gather [hbm4b:s3+s1], $0x80, v3, vm0, $0x2000b8;
	[tilespmem:$0x18100] =	vst v63  }
0x5c: {  	s30 =	sadd.s32 $0x4500, s22  }
0x5d: {  	[tilespmem:s30], [sflag:$0x5] =	stream.indirect_vreg.gather [hbm4b:s8+s1], $0x80, v3, vm1, $0x2000b8;
	[tilespmem:$0x18100] =	vst v63  }
0x5e: {  	v3 =	vld [tilespmem:s23+$0x30];
	_ =	sdelay $0x4  }
0x5f: {  	v59 =	vshrl.u32 v3, $0x3  }
0x60: {  	v4 =	vmul.u32 $0x18, v59  }
0x61: {  	v3 =	vand.u32 $0x7, v3  }
0x62: {  	v3 =	vor.u32 v3, v4  }
0x63: {  	v4 =	vperm.xlane v3, v0;
	_ =	sdelay $0x1  }
0x64: {  	v4 =	vadd.s32 v1, v4;
	_ =	sdelay $0x1  }
0x65: {  	v3 =	vperm.xlane v3, v2;
	_ =	sdelay $0x1  }
0x66: {  	s31 =	sadd.s32 $0x4900, s22;
	v3 =	vadd.s32 v1, v3  }
0x67: {  	[tilespmem:s31], [sflag:$0x5] =	stream.indirect_vreg.gather [hbm4b:s3+s1], $0x80, v4, vm0, $0x2000b8;
	[tilespmem:$0x18100] =	vst v63  }
0x68: {  	s25 =	sadd.s32 $0x5100, s22  }
0x69: {  	[tilespmem:s25], [sflag:$0x5] =	stream.indirect_vreg.gather [hbm4b:s8+s1], $0x80, v4, vm1, $0x2000b8;
	[tilespmem:$0x18100] =	vst v63  }
0x6a: {  	s26 =	sadd.s32 $0x5500, s22  }
0x6b: {  	[tilespmem:s26], [sflag:$0x5] =	stream.indirect_vreg.gather [hbm4b:s3+s1], $0x80, v3, vm0, $0x2000b8;
	[tilespmem:$0x18100] =	vst v63  }
0x6c: {  	s28 =	sadd.s32 $0x5D00, s22  }
0x6d: {  	[tilespmem:s28], [sflag:$0x5] =	stream.indirect_vreg.gather [hbm4b:s8+s1], $0x80, v3, vm1, $0x2000b8;
	[tilespmem:$0x18100] =	vst v63  }
0x6e: {  	v3 =	vld [tilespmem:s23+$0x40];
	_ =	sdelay $0x4  }
0x6f: {  	v60 =	vshrl.u32 v3, $0x3  }
0x70: {  	v4 =	vmul.u32 $0x18, v60  }
0x71: {  	v3 =	vand.u32 $0x7, v3  }
0x72: {  	v3 =	vor.u32 v3, v4  }
0x73: {  	v4 =	vperm.xlane v3, v0;
	_ =	sdelay $0x1  }
0x74: {  	v4 =	vadd.s32 v1, v4;
	_ =	sdelay $0x1  }
0x75: {  	v3 =	vperm.xlane v3, v2;
	_ =	sdelay $0x1  }
0x76: {  	s29 =	sadd.s32 $0x6100, s22;
	v3 =	vadd.s32 v1, v3  }
0x77: {  	[tilespmem:s29], [sflag:$0x5] =	stream.indirect_vreg.gather [hbm4b:s3+s1], $0x80, v4, vm0, $0x2000b8;
	[tilespmem:$0x18100] =	vst v63  }
0x78: {  	s30 =	sadd.s32 $0x6900, s22  }
0x79: {  	[tilespmem:s30], [sflag:$0x5] =	stream.indirect_vreg.gather [hbm4b:s8+s1], $0x80, v4, vm1, $0x2000b8;
	[tilespmem:$0x18100] =	vst v63  }
0x7a: {  	s31 =	sadd.s32 $0x6D00, s22  }
0x7b: {  	[tilespmem:s31], [sflag:$0x5] =	stream.indirect_vreg.gather [hbm4b:s3+s1], $0x80, v3, vm0, $0x2000b8;
	[tilespmem:$0x18100] =	vst v63  }
0x7c: {  	s25 =	sadd.s32 $0x7500, s22  }
0x7d: {  	[tilespmem:s25], [sflag:$0x5] =	stream.indirect_vreg.gather [hbm4b:s8+s1], $0x80, v3, vm1, $0x2000b8;
	[tilespmem:$0x18100] =	vst v63  }
0x7e: {  	v3 =	vld [tilespmem:s23+$0x50];
	_ =	sdelay $0x4  }
0x7f: {  	v61 =	vshrl.u32 v3, $0x3  }
0x80: {  	v4 =	vmul.u32 $0x18, v61  }
0x81: {  	v3 =	vand.u32 $0x7, v3  }
0x82: {  	v3 =	vor.u32 v3, v4  }
0x83: {  	v4 =	vperm.xlane v3, v0;
	_ =	sdelay $0x1  }
0x84: {  	v4 =	vadd.s32 v1, v4;
	_ =	sdelay $0x1  }
0x85: {  	v3 =	vperm.xlane v3, v2;
	_ =	sdelay $0x1  }
0x86: {  	s26 =	sadd.s32 $0x7900, s22;
	v3 =	vadd.s32 v1, v3  }
0x87: {  	[tilespmem:s26], [sflag:$0x5] =	stream.indirect_vreg.gather [hbm4b:s3+s1], $0x80, v4, vm0, $0x2000b8;
	[tilespmem:$0x18100] =	vst v63  }
0x88: {  	s28 =	sadd.s32 $0x8100, s22  }
0x89: {  	[tilespmem:s28], [sflag:$0x5] =	stream.indirect_vreg.gather [hbm4b:s8+s1], $0x80, v4, vm1, $0x2000b8;
	[tilespmem:$0x18100] =	vst v63  }
0x8a: {  	s29 =	sadd.s32 $0x8500, s22  }
0x8b: {  	[tilespmem:s29], [sflag:$0x5] =	stream.indirect_vreg.gather [hbm4b:s3+s1], $0x80, v3, vm0, $0x2000b8;
	[tilespmem:$0x18100] =	vst v63  }
0x8c: {  	s30 =	sadd.s32 $0x8D00, s22  }
0x8d: {  	[tilespmem:s30], [sflag:$0x5] =	stream.indirect_vreg.gather [hbm4b:s8+s1], $0x80, v3, vm1, $0x2000b8;
	[tilespmem:$0x18100] =	vst v63  }
0x8e: {  	v3 =	vld [tilespmem:s23+$0x60];
	_ =	sdelay $0x4  }
0x8f: {  	v62 =	vshrl.u32 v3, $0x3  }
0x90: {  	v4 =	vmul.u32 $0x18, v62  }
0x91: {  	v3 =	vand.u32 $0x7, v3  }
0x92: {  	v3 =	vor.u32 v3, v4  }
0x93: {  	v4 =	vperm.xlane v3, v0;
	_ =	sdelay $0x1  }
0x94: {  	v4 =	vadd.s32 v1, v4;
	_ =	sdelay $0x1  }
0x95: {  	v3 =	vperm.xlane v3, v2;
	_ =	sdelay $0x1  }
0x96: {  	s31 =	sadd.s32 $0x9100, s22;
	v3 =	vadd.s32 v1, v3  }
0x97: {  	[tilespmem:s31], [sflag:$0x5] =	stream.indirect_vreg.gather [hbm4b:s3+s1], $0x80, v4, vm0, $0x2000b8;
	[tilespmem:$0x18100] =	vst v63  }
0x98: {  	s25 =	sadd.s32 $0x9900, s22  }
0x99: {  	[tilespmem:s25], [sflag:$0x5] =	stream.indirect_vreg.gather [hbm4b:s8+s1], $0x80, v4, vm1, $0x2000b8;
	[tilespmem:$0x18100] =	vst v63  }
0x9a: {  	s26 =	sadd.s32 $0x9D00, s22  }
0x9b: {  	[tilespmem:s26], [sflag:$0x5] =	stream.indirect_vreg.gather [hbm4b:s3+s1], $0x80, v3, vm0, $0x2000b8;
	[tilespmem:$0x18100] =	vst v63  }
0x9c: {  	s28 =	sadd.s32 $0xA500, s22  }
0x9d: {  	[tilespmem:s28], [sflag:$0x5] =	stream.indirect_vreg.gather [hbm4b:s8+s1], $0x80, v3, vm1, $0x2000b8;
	[tilespmem:$0x18100] =	vst v63  }
0x9e: {  	v3 =	vld [tilespmem:s23+$0x70];
	_ =	sdelay $0x4  }
0x9f: {  	v63 =	vshrl.u32 v3, $0x3  }
0xa0: {  	v4 =	vmul.u32 $0x18, v63  }
0xa1: {  	v3 =	vand.u32 $0x7, v3  }
0xa2: {  	v3 =	vor.u32 v3, v4  }
0xa3: {  	v4 =	vperm.xlane v3, v0;
	_ =	sdelay $0x1  }
0xa4: {  	v4 =	vadd.s32 v1, v4;
	_ =	sdelay $0x1  }
0xa5: {  	v3 =	vperm.xlane v3, v2;
	_ =	sdelay $0x1  }
0xa6: {  	s29 =	sadd.s32 $0xA900, s22;
	v3 =	vadd.s32 v1, v3  }
0xa7: {  	[tilespmem:s29], [sflag:$0x5] =	stream.indirect_vreg.gather [hbm4b:s3+s1], $0x80, v4, vm0, $0x2000b8;
	[tilespmem:$0x18100] =	vst v63  }
0xa8: {  	s30 =	sadd.s32 $0xB100, s22  }
0xa9: {  	[tilespmem:s30], [sflag:$0x5] =	stream.indirect_vreg.gather [hbm4b:s8+s1], $0x80, v4, vm1, $0x2000b8;
	[tilespmem:$0x18100] =	vst v63  }
0xaa: {  	p2 =	por !p2, !p2;
	p3 =	seq.s32 s19, s14;
	s31 =	sadd.s32 $0xB500, s22  }
0xab: {  	[tilespmem:s31], [sflag:$0x5] =	stream.indirect_vreg.gather [hbm4b:s3+s1], $0x80, v3, vm0, $0x2000b8;
	[tilespmem:$0x18100] =	vst v63  }
0xac: {  	p2 =	por !p2, !p3;
	s22 =	sadd.s32 $0xBD00, s22  }
0xad: {  	[tilespmem:s22], [sflag:$0x5] =	stream.indirect_vreg.gather [hbm4b:s8+s1], $0x80, v3, vm1, $0x2000b8;
	[tilespmem:$0x18100] =	vst v63  }
0xae: {  	s19 =	sadd.s32 s6, s19;
	p2 =	por !p2, !p2;
	_ =	swait.ge [sflag:s10], $0xC000  }
0xaf: {  	s19 =	smul.u32 @!p2 $0x1800, s19;
	p0 =	por p2, p0;
	[sflag:s10] =	ssyncset.done $0x0  }
.Ltmp2:
0xb0: {  	[sflag:s10] =	ssyncadd.s32 $0xFFFF4000;
	(pc) =	sbr.rel @!p0 .LBB2_4-.Ltmp2, $4  }
0xb1: {  	s19 =	sadd.s32 @!p2 s5, s19;
	_ =	strace $0x90000061  }
0xb2: {  	s20 =	sadd.s32 @!p2 $0x3, s20;
	s22 =	simm.s32 @!p2 $0x0;
	_ =	strace @!p2 $0x80000062  }
0xb3: {  	[hbm4b:s19+s22] =	stream.linear.scatter @!p2 [tilespmem:s21], [sflag:s20], $0xC000, $0x200038;
	[tilespmem:$0x18100] =	vst v63  }
0xb4: {  	_ =	strace @!p2 $0x90000062  }
.Ltmp3:
0xb5: {  	s19 =	simm.s32 $0x1;
	(pc) =	sbr.rel .LBB2_2-.Ltmp3, $4  }
0xb6: {  	s20 =	simm.s32 @!p2 $0x1;
	s13 =	sadd.s32 s17, s13;
	s19 =	simm.s32 @!p1 $0x0  }
0xb7: {  	s17 =	simm.s32 $0x1;
	s16 =	sadd.s32 s19, s16;
	s19 =	sadd.s32 @!p2 $0x1, s18  }
0xb8: {  	p0 =	por $0x0, $0x0;
	s20 =	simm.s32 @p2 $0x0;
	s19 =	smov.u32 @p2 s18  }
0xb9: {  	s15 =	sadd.s32 s15, s20;
	p2 =	por $0x1, $0x1;
	s18 =	smov.u32 s19  }
.LBB2_5:
0xba: {  	_ =	sfence.sel $0x180000  }
0xbb: {  	[bflag:$0x0] =	sbarrier.arrive $0xFFFF  }
0xbc: {  	p0 =	sne.s32 s2, $0x0;
	_ =	strace $0x9000005D  }
0xbd: {  	s0 =	sadd.s32 @!p0 $0x100000, s0;
	[bflag:$0x2] =	sbarrier.arrive $0xFFFF  }
0xbe: {  	[sflag:s0] =	ssyncadd.tile.s32 @!p0 $0x1;
	_ =	shalt  }
.Lfunc_end2:
_tile_overlayer_lowered:
.L_overlay_start_2:
0xbf: {  	(tag) =	ssettag $0x2  }
0xc0: {  	s0 =	rddreg [dreg:$0x0];
	s2 =	stileid.u32  }
0xc1: {  	s1 =	rddreg [dreg:$0x1];
	p0 =	sne.s32 s2, $0x0  }
0xc2: {  	s3 =	rddreg [dreg:$0x2];
	[bflag:$0x3] =	sbarrier.arrive $0xFFFF;
	s2 =	simm.s32 @!p0 $0x1C01  }
0xc3: {  	[timem:s3], [sflag:s2] =	dma.local @!p0 [hbm:s0], s1  }
0xc4: {  	s0 =	simm.s32 @!p0 $0x1  }
0xc5: {  	_ =	swait.ge @!p0 [sflag:s0], s1  }
0xc6: {  	s1 =	ssub.s32 @!p0 $0x0, s1;
	[sflag:s0] =	ssyncset.done @!p0 $0x0  }
0xc7: {  	[sflag:s0] =	ssyncadd.s32 @!p0 s1  }
0xc8: {  	[bflag:$0x3] =	sbarrier.arrive $0xFFFF  }
0xc9: {  	_ =	shalt  }

</sc_bundles>
